<compile_context>
chip_gen: v7x
topology: tpu7x:2x2x1
jax: 0.10.2.dev20260603
libtpu: 0.0.44.dev20260713+nightly
codegen_flags: <defaults>
</compile_context>

<pallas_src>
import jax
import jax.numpy as jnp
from jax import lax
from jax.experimental import pallas as pl
from jax.experimental.pallas import tpu as pltpu
from jax.experimental.pallas import tpu_sc as plsc

N = 100000
D = 128
V = 512
B = 128
NBLK = (N + B - 1) // B
MAXBASE = N - B
NC = 2
NS = 16
NW = NC * NS
ROUNDS = (NBLK + NW - 1) // NW
LANES = 16
CHUNKS = D // LANES
VSLICE = V // NS
XSLOTS = 3
GSLOTS = 2


def _body(x_hbm, din_hbm, dout_hbm, tin_hbm, tout_hbm, out_hbm,
          tin_sp, tout_sp,
          xb0, xb1, xb2, ab0, bb0, ii0, io0, ab1, bb1, ii1, io1,
          xs0, xs1, xs2, os0, os1, os2, gs0, gs1, is0, is1):
    cid = lax.axis_index("c")
    sid = lax.axis_index("s")
    w = sid * NC + cid

    def stage_table(t_hbm, t_sp, tmp, sem):
        rows = pl.ds(sid * VSLICE, VSLICE)
        pltpu.async_copy(t_hbm.at[rows], tmp, sem).wait()
        pltpu.sync_copy(tmp, t_sp.at[rows])

    stage_table(tin_hbm, tin_sp, ab0.at[pl.ds(0, VSLICE)], gs0)
    stage_table(tout_hbm, tout_sp, bb0.at[pl.ds(0, VSLICE)], gs0)
    plsc.subcore_barrier()

    xslot = ((xb0, xs0, os0), (xb1, xs1, os1), (xb2, xs2, os2))
    gslot = ((ab0, bb0, ii0, io0, gs0, is0), (ab1, bb1, ii1, io1, gs1, is1))

    def active(r):
        return (r >= 0) & (r < ROUNDS) & (r * NW + w < NBLK)

    def block_base(r):
        return jnp.minimum((r * NW + w) * B, MAXBASE)

    def emit_round(r, rx, rg):
        xb, xsem, osem = xslot[rx % XSLOTS]
        xbn, xsemn, osemn = xslot[(rx + 1) % XSLOTS]
        ab, bb, ii, io, gsem, isem = gslot[rg % GSLOTS]
        abn, bbn, iin, ion, gsemn, isemn = gslot[(rg + 1) % GSLOTS]

        @pl.when(active(r - 2))
        def _():
            pltpu.make_async_copy(xbn, out_hbm.at[pl.ds(0, B)], osemn).wait()

        @pl.when(active(r + 1))
        def _():
            pltpu.async_copy(x_hbm.at[pl.ds(block_base(r + 1), B)], xbn, xsemn)

        @pl.when(active(r + 1))
        def _():
            pltpu.make_async_copy(din_hbm.at[pl.ds(0, B)], iin, isemn).wait()
            pltpu.make_async_copy(dout_hbm.at[pl.ds(0, B)], ion, isemn).wait()
            pltpu.async_copy(tin_sp.at[iin], abn, gsemn)
            pltpu.async_copy(tout_sp.at[ion], bbn, gsemn)

        @pl.when(active(r))
        def _():
            pltpu.make_async_copy(x_hbm.at[pl.ds(0, B)], xb, xsem).wait()
            pltpu.make_async_copy(tin_sp.at[pl.ds(0, B)], ab, gsem).wait()
            pltpu.make_async_copy(tout_sp.at[pl.ds(0, B)], bb, gsem).wait()

        @pl.when(active(r + 2))
        def _():
            base2 = block_base(r + 2)
            pltpu.async_copy(din_hbm.at[pl.ds(base2, B)], ii, isem)
            pltpu.async_copy(dout_hbm.at[pl.ds(base2, B)], io, isem)

        @pl.when(active(r))
        def _():
            def row_body(i, c):
                for cc in range(CHUNKS):
                    sl = pl.ds(cc * LANES, LANES)
                    xb[i, sl] = xb[i, sl] + ab[i, sl] + bb[i, sl]
                return c

            lax.fori_loop(0, B, row_body, 0)
            pltpu.async_copy(xb, out_hbm.at[pl.ds(block_base(r), B)], osem)

    @pl.when(active(0))
    def _():
        pltpu.async_copy(din_hbm.at[pl.ds(block_base(0), B)], ii0, is0)
        pltpu.async_copy(dout_hbm.at[pl.ds(block_base(0), B)], io0, is0)

    @pl.when(active(1))
    def _():
        pltpu.async_copy(din_hbm.at[pl.ds(block_base(1), B)], ii1, is1)
        pltpu.async_copy(dout_hbm.at[pl.ds(block_base(1), B)], io1, is1)

    @pl.when(active(0))
    def _():
        pltpu.async_copy(x_hbm.at[pl.ds(block_base(0), B)], xb0, xs0)
        pltpu.make_async_copy(din_hbm.at[pl.ds(0, B)], ii0, is0).wait()
        pltpu.make_async_copy(dout_hbm.at[pl.ds(0, B)], io0, is0).wait()
        pltpu.async_copy(tin_sp.at[ii0], ab0, gs0)
        pltpu.async_copy(tout_sp.at[io0], bb0, gs0)

    def six_body(g, carry):
        for k in range(6):
            emit_round(6 * g + k, k, k)
        return carry

    lax.fori_loop(0, (ROUNDS + 2 + 5) // 6, six_body, 0)


@jax.jit
def kernel(x, in_degrees, out_degrees, in_degree_table, out_degree_table):
    mesh = plsc.VectorSubcoreMesh(
        core_axis_name="c", subcore_axis_name="s",
        num_cores=NC, num_subcores=NS,
    )
    xbuf = lambda: pltpu.VMEM((B, D), jnp.float32)
    ibuf = lambda: pltpu.VMEM((B,), jnp.int32)
    f = pl.kernel(
        _body,
        out_type=jax.ShapeDtypeStruct((N, D), jnp.float32),
        mesh=mesh,
        scratch_types=[
            pltpu.VMEM_SHARED((V, D), jnp.float32),
            pltpu.VMEM_SHARED((V, D), jnp.float32),
            xbuf(), xbuf(), xbuf(),
            xbuf(), xbuf(), ibuf(), ibuf(),
            xbuf(), xbuf(), ibuf(), ibuf(),
            pltpu.SemaphoreType.DMA, pltpu.SemaphoreType.DMA,
            pltpu.SemaphoreType.DMA, pltpu.SemaphoreType.DMA,
            pltpu.SemaphoreType.DMA, pltpu.SemaphoreType.DMA,
            pltpu.SemaphoreType.DMA, pltpu.SemaphoreType.DMA,
            pltpu.SemaphoreType.DMA, pltpu.SemaphoreType.DMA,
        ],
    )
    return f(x, in_degrees.astype(jnp.int32), out_degrees.astype(jnp.int32),
             in_degree_table, out_degree_table)

# --- scband reference (transcript-rebuilt; emitter-appended) ---
"""Pipeline reference for scband-node-encoder-61856118997207 (READ-ONLY COPY).

The authoritative reference and input builder live on the scoring server;
editing this copy changes nothing except your own understanding.
"""

import jax, jax.numpy as jnp
import numpy as np

N = 100000
EMBED_DIM = 128
NUM_IN_DEGREE = 512
NUM_OUT_DEGREE = 512


def setup_inputs(seed: int = 0) -> dict:
    key = jax.random.key(seed)
    k1, k2, k3, k4, k5 = jax.random.split(key, 5)
    x = jax.random.normal(k1, (N, EMBED_DIM), dtype=jnp.float32)
    in_degrees = jax.random.randint(k2, (N,), 0, NUM_IN_DEGREE, dtype=jnp.int64 if jax.config.read('jax_enable_x64') else jnp.int32)
    out_degrees = jax.random.randint(k3, (N,), 0, NUM_OUT_DEGREE, dtype=jnp.int64 if jax.config.read('jax_enable_x64') else jnp.int32)
    # learned parameters: embedding tables, init normal(std=0.02) as in reset_parameters
    in_degree_table = jax.random.normal(k4, (NUM_IN_DEGREE, EMBED_DIM), dtype=jnp.float32) * 0.02
    out_degree_table = jax.random.normal(k5, (NUM_OUT_DEGREE, EMBED_DIM), dtype=jnp.float32) * 0.02
    return {
        'x': x,
        'in_degrees': in_degrees,
        'out_degrees': out_degrees,
        'in_degree_table': in_degree_table,
        'out_degree_table': out_degree_table,
    }


def reference(x, in_degrees, out_degrees, in_degree_table, out_degree_table):
    # in_degree_encoder(data.in_degrees)
    in_degree_encoding = jnp.take(in_degree_table, in_degrees, axis=0)
    # out_degree_encoder(data.out_degrees)
    out_degree_encoding = jnp.take(out_degree_table, out_degrees, axis=0)
    out = x + in_degree_encoding + out_degree_encoding
    # input_dropout with p=0.0 in eval / identity
    return out

if __name__ == "__main__":
    import jax
    _d = setup_inputs()
    print(jax.jit(kernel)(*tuple(_d.values())))

</pallas_src>

<mosaic_0001>
#map = affine_map<(d0, d1) -> (0, 0)>
#map1 = affine_map<(d0, d1) -> (0)>
module attributes {stable_mosaic.version = 14 : i64} {
  func.func @_body(%arg0: i32, %arg1: i32, %arg2: memref<100000x128xf32, #tpu.memory_space<hbm>>, %arg3: memref<100000xi32, #tpu.memory_space<hbm>>, %arg4: memref<100000xi32, #tpu.memory_space<hbm>>, %arg5: memref<512x128xf32, #tpu.memory_space<hbm>>, %arg6: memref<512x128xf32, #tpu.memory_space<hbm>>, %arg7: memref<100000x128xf32, #tpu.memory_space<hbm>>, %arg8: memref<512x128xf32, #tpu.memory_space<vmem_shared>>, %arg9: memref<512x128xf32, #tpu.memory_space<vmem_shared>>, %arg10: memref<128x128xf32, #tpu.memory_space<vmem>>, %arg11: memref<128x128xf32, #tpu.memory_space<vmem>>, %arg12: memref<128x128xf32, #tpu.memory_space<vmem>>, %arg13: memref<128x128xf32, #tpu.memory_space<vmem>>, %arg14: memref<128x128xf32, #tpu.memory_space<vmem>>, %arg15: memref<128xi32, #tpu.memory_space<vmem>>, %arg16: memref<128xi32, #tpu.memory_space<vmem>>, %arg17: memref<128x128xf32, #tpu.memory_space<vmem>>, %arg18: memref<128x128xf32, #tpu.memory_space<vmem>>, %arg19: memref<128xi32, #tpu.memory_space<vmem>>, %arg20: memref<128xi32, #tpu.memory_space<vmem>>, %arg21: memref<!tpu.dma_semaphore, #tpu.memory_space<semaphore_mem>>, %arg22: memref<!tpu.dma_semaphore, #tpu.memory_space<semaphore_mem>>, %arg23: memref<!tpu.dma_semaphore, #tpu.memory_space<semaphore_mem>>, %arg24: memref<!tpu.dma_semaphore, #tpu.memory_space<semaphore_mem>>, %arg25: memref<!tpu.dma_semaphore, #tpu.memory_space<semaphore_mem>>, %arg26: memref<!tpu.dma_semaphore, #tpu.memory_space<semaphore_mem>>, %arg27: memref<!tpu.dma_semaphore, #tpu.memory_space<semaphore_mem>>, %arg28: memref<!tpu.dma_semaphore, #tpu.memory_space<semaphore_mem>>, %arg29: memref<!tpu.dma_semaphore, #tpu.memory_space<semaphore_mem>>, %arg30: memref<!tpu.dma_semaphore, #tpu.memory_space<semaphore_mem>>) attributes {dimension_semantics = [#tpu.dimension_semantics<core_parallel>, #tpu.dimension_semantics<subcore_parallel>], iteration_bounds = array<i64: 2, 16>, scalar_prefetch = 0 : i64, scratch_operands = 23 : i64, tpu.core_type = #tpu.core_type<sc_vector_subcore>, window_params = [{transform_indices = #map}, {transform_indices = #map1}, {transform_indices = #map1}, {transform_indices = #map}, {transform_indices = #map}, {transform_indices = #map}]} {
    %mul3A = arith.constant 2 : i32
    %mul3A_0 = arith.muli %arg1, %mul3A : i32
    %add3A = arith.addi %mul3A_0, %arg0 : i32
    %mul3A_1 = arith.constant 32 : i32
    %mul3A_2 = arith.muli %arg1, %mul3A_1 : i32
    %dma_start3A = arith.constant 0 : i32
    %dma_start3A_3 = arith.constant 0 : i32
    %dma_start3A_4 = tpu.memref_slice %arg13[%dma_start3A, %dma_start3A_3] : memref<128x128xf32, #tpu.memory_space<vmem>> -> memref<32x128xf32, #tpu.memory_space<vmem>>
    %dma_start3A_5 = arith.constant 0 : i32
    %dma_start3A_6 = tpu.memref_slice %arg5[%mul3A_2, %dma_start3A_5] : memref<512x128xf32, #tpu.memory_space<hbm>> -> memref<32x128xf32, #tpu.memory_space<hbm>>
    %dma_start3A_7 = arith.constant 0 : i32
    %dma_start3A_8 = arith.constant 0 : i32
    %dma_start3A_9 = tpu.memref_slice %arg13[%dma_start3A_7, %dma_start3A_8] : memref<128x128xf32, #tpu.memory_space<vmem>> -> memref<32x128xf32, #tpu.memory_space<vmem>>
    %dma_start3A_10 = arith.constant 0 : i32
    %dma_start3A_11 = tpu.memref_slice %arg5[%mul3A_2, %dma_start3A_10] : memref<512x128xf32, #tpu.memory_space<hbm>> -> memref<32x128xf32, #tpu.memory_space<hbm>>
    tpu.enqueue_dma source(%dma_start3A_11 : memref<32x128xf32, #tpu.memory_space<hbm>>) target(%dma_start3A_9 : memref<32x128xf32, #tpu.memory_space<vmem>>) target_semaphore(%arg27 : memref<!tpu.dma_semaphore, #tpu.memory_space<semaphore_mem>>)
    %dma_wait3A = arith.constant 0 : i32
    %dma_wait3A_12 = arith.constant 0 : i32
    %dma_wait3A_13 = tpu.memref_slice %arg13[%dma_wait3A, %dma_wait3A_12] : memref<128x128xf32, #tpu.memory_space<vmem>> -> memref<32x128xf32, #tpu.memory_space<vmem>>
    %dma_wait3A_14 = arith.constant 0 : i32
    %dma_wait3A_15 = tpu.memref_slice %arg5[%mul3A_2, %dma_wait3A_14] : memref<512x128xf32, #tpu.memory_space<hbm>> -> memref<32x128xf32, #tpu.memory_space<hbm>>
    %dma_wait3A_16 = arith.constant 0 : i32
    %dma_wait3A_17 = arith.constant 0 : i32
    %dma_wait3A_18 = tpu.memref_slice %arg13[%dma_wait3A_16, %dma_wait3A_17] : memref<128x128xf32, #tpu.memory_space<vmem>> -> memref<32x128xf32, #tpu.memory_space<vmem>>
    %dma_wait3A_19 = arith.constant 0 : i32
    %dma_wait3A_20 = tpu.memref_slice %arg5[%mul3A_2, %dma_wait3A_19] : memref<512x128xf32, #tpu.memory_space<hbm>> -> memref<32x128xf32, #tpu.memory_space<hbm>>
    tpu.wait_dma2 semaphore(%arg27 : memref<!tpu.dma_semaphore, #tpu.memory_space<semaphore_mem>>) src(%dma_wait3A_20 : memref<32x128xf32, #tpu.memory_space<hbm>>) dst(%dma_wait3A_18 : memref<32x128xf32, #tpu.memory_space<vmem>>)
    "tpu.region"() ({
      %run_scoped3A = tpu.sem_alloc : memref<!tpu.dma_semaphore, #tpu.memory_space<semaphore_mem>>
      %dma_start3A_71 = arith.constant 0 : i32
      %dma_start3A_72 = arith.constant 0 : i32
      %dma_start3A_73 = tpu.memref_slice %arg13[%dma_start3A_71, %dma_start3A_72] : memref<128x128xf32, #tpu.memory_space<vmem>> -> memref<32x128xf32, #tpu.memory_space<vmem>>
      %dma_start3A_74 = arith.constant 0 : i32
      %dma_start3A_75 = tpu.memref_slice %arg8[%mul3A_2, %dma_start3A_74] : memref<512x128xf32, #tpu.memory_space<vmem_shared>> -> memref<32x128xf32, #tpu.memory_space<vmem_shared>>
      %dma_start3A_76 = arith.constant 0 : i32
      %dma_start3A_77 = tpu.memref_slice %arg8[%mul3A_2, %dma_start3A_76] : memref<512x128xf32, #tpu.memory_space<vmem_shared>> -> memref<32x128xf32, #tpu.memory_space<vmem_shared>>
      %dma_start3A_78 = arith.constant 0 : i32
      %dma_start3A_79 = arith.constant 0 : i32
      %dma_start3A_80 = tpu.memref_slice %arg13[%dma_start3A_78, %dma_start3A_79] : memref<128x128xf32, #tpu.memory_space<vmem>> -> memref<32x128xf32, #tpu.memory_space<vmem>>
      tpu.enqueue_dma source(%dma_start3A_80 : memref<32x128xf32, #tpu.memory_space<vmem>>) target(%dma_start3A_77 : memref<32x128xf32, #tpu.memory_space<vmem_shared>>) target_semaphore(%run_scoped3A : memref<!tpu.dma_semaphore, #tpu.memory_space<semaphore_mem>>)
      %dma_wait3A_81 = arith.constant 0 : i32
      %dma_wait3A_82 = arith.constant 0 : i32
      %dma_wait3A_83 = tpu.memref_slice %arg13[%dma_wait3A_81, %dma_wait3A_82] : memref<128x128xf32, #tpu.memory_space<vmem>> -> memref<32x128xf32, #tpu.memory_space<vmem>>
      %dma_wait3A_84 = arith.constant 0 : i32
      %dma_wait3A_85 = tpu.memref_slice %arg8[%mul3A_2, %dma_wait3A_84] : memref<512x128xf32, #tpu.memory_space<vmem_shared>> -> memref<32x128xf32, #tpu.memory_space<vmem_shared>>
      %dma_wait3A_86 = arith.constant 0 : i32
      %dma_wait3A_87 = tpu.memref_slice %arg8[%mul3A_2, %dma_wait3A_86] : memref<512x128xf32, #tpu.memory_space<vmem_shared>> -> memref<32x128xf32, #tpu.memory_space<vmem_shared>>
      %dma_wait3A_88 = arith.constant 0 : i32
      %dma_wait3A_89 = arith.constant 0 : i32
      %dma_wait3A_90 = tpu.memref_slice %arg13[%dma_wait3A_88, %dma_wait3A_89] : memref<128x128xf32, #tpu.memory_space<vmem>> -> memref<32x128xf32, #tpu.memory_space<vmem>>
      tpu.wait_dma2 semaphore(%run_scoped3A : memref<!tpu.dma_semaphore, #tpu.memory_space<semaphore_mem>>) src(%dma_wait3A_90 : memref<32x128xf32, #tpu.memory_space<vmem>>) dst(%dma_wait3A_87 : memref<32x128xf32, #tpu.memory_space<vmem_shared>>)
      tpu.yield
    }) : () -> ()
    %mul3A_21 = arith.constant 32 : i32
    %mul3A_22 = arith.muli %arg1, %mul3A_21 : i32
    %dma_start3A_23 = arith.constant 0 : i32
    %dma_start3A_24 = arith.constant 0 : i32
    %dma_start3A_25 = tpu.memref_slice %arg14[%dma_start3A_23, %dma_start3A_24] : memref<128x128xf32, #tpu.memory_space<vmem>> -> memref<32x128xf32, #tpu.memory_space<vmem>>
    %dma_start3A_26 = arith.constant 0 : i32
    %dma_start3A_27 = tpu.memref_slice %arg6[%mul3A_22, %dma_start3A_26] : memref<512x128xf32, #tpu.memory_space<hbm>> -> memref<32x128xf32, #tpu.memory_space<hbm>>
    %dma_start3A_28 = arith.constant 0 : i32
    %dma_start3A_29 = arith.constant 0 : i32
    %dma_start3A_30 = tpu.memref_slice %arg14[%dma_start3A_28, %dma_start3A_29] : memref<128x128xf32, #tpu.memory_space<vmem>> -> memref<32x128xf32, #tpu.memory_space<vmem>>
    %dma_start3A_31 = arith.constant 0 : i32
    %dma_start3A_32 = tpu.memref_slice %arg6[%mul3A_22, %dma_start3A_31] : memref<512x128xf32, #tpu.memory_space<hbm>> -> memref<32x128xf32, #tpu.memory_space<hbm>>
    tpu.enqueue_dma source(%dma_start3A_32 : memref<32x128xf32, #tpu.memory_space<hbm>>) target(%dma_start3A_30 : memref<32x128xf32, #tpu.memory_space<vmem>>) target_semaphore(%arg27 : memref<!tpu.dma_semaphore, #tpu.memory_space<semaphore_mem>>)
    %dma_wait3A_33 = arith.constant 0 : i32
    %dma_wait3A_34 = arith.constant 0 : i32
    %dma_wait3A_35 = tpu.memref_slice %arg14[%dma_wait3A_33, %dma_wait3A_34] : memref<128x128xf32, #tpu.memory_space<vmem>> -> memref<32x128xf32, #tpu.memory_space<vmem>>
    %dma_wait3A_36 = arith.constant 0 : i32
    %dma_wait3A_37 = tpu.memref_slice %arg6[%mul3A_22, %dma_wait3A_36] : memref<512x128xf32, #tpu.memory_space<hbm>> -> memref<32x128xf32, #tpu.memory_space<hbm>>
    %dma_wait3A_38 = arith.constant 0 : i32
    %dma_wait3A_39 = arith.constant 0 : i32
    %dma_wait3A_40 = tpu.memref_slice %arg14[%dma_wait3A_38, %dma_wait3A_39] : memref<128x128xf32, #tpu.memory_space<vmem>> -> memref<32x128xf32, #tpu.memory_space<vmem>>
    %dma_wait3A_41 = arith.constant 0 : i32
    %dma_wait3A_42 = tpu.memref_slice %arg6[%mul3A_22, %dma_wait3A_41] : memref<512x128xf32, #tpu.memory_space<hbm>> -> memref<32x128xf32, #tpu.memory_space<hbm>>
    tpu.wait_dma2 semaphore(%arg27 : memref<!tpu.dma_semaphore, #tpu.memory_space<semaphore_mem>>) src(%dma_wait3A_42 : memref<32x128xf32, #tpu.memory_space<hbm>>) dst(%dma_wait3A_40 : memref<32x128xf32, #tpu.memory_space<vmem>>)
    "tpu.region"() ({
      %run_scoped3A = tpu.sem_alloc : memref<!tpu.dma_semaphore, #tpu.memory_space<semaphore_mem>>
      %dma_start3A_71 = arith.constant 0 : i32
      %dma_start3A_72 = arith.constant 0 : i32
      %dma_start3A_73 = tpu.memref_slice %arg14[%dma_start3A_71, %dma_start3A_72] : memref<128x128xf32, #tpu.memory_space<vmem>> -> memref<32x128xf32, #tpu.memory_space<vmem>>
      %dma_start3A_74 = arith.constant 0 : i32
      %dma_start3A_75 = tpu.memref_slice %arg9[%mul3A_22, %dma_start3A_74] : memref<512x128xf32, #tpu.memory_space<vmem_shared>> -> memref<32x128xf32, #tpu.memory_space<vmem_shared>>
      %dma_start3A_76 = arith.constant 0 : i32
      %dma_start3A_77 = tpu.memref_slice %arg9[%mul3A_22, %dma_start3A_76] : memref<512x128xf32, #tpu.memory_space<vmem_shared>> -> memref<32x128xf32, #tpu.memory_space<vmem_shared>>
      %dma_start3A_78 = arith.constant 0 : i32
      %dma_start3A_79 = arith.constant 0 : i32
      %dma_start3A_80 = tpu.memref_slice %arg14[%dma_start3A_78, %dma_start3A_79] : memref<128x128xf32, #tpu.memory_space<vmem>> -> memref<32x128xf32, #tpu.memory_space<vmem>>
      tpu.enqueue_dma source(%dma_start3A_80 : memref<32x128xf32, #tpu.memory_space<vmem>>) target(%dma_start3A_77 : memref<32x128xf32, #tpu.memory_space<vmem_shared>>) target_semaphore(%run_scoped3A : memref<!tpu.dma_semaphore, #tpu.memory_space<semaphore_mem>>)
      %dma_wait3A_81 = arith.constant 0 : i32
      %dma_wait3A_82 = arith.constant 0 : i32
      %dma_wait3A_83 = tpu.memref_slice %arg14[%dma_wait3A_81, %dma_wait3A_82] : memref<128x128xf32, #tpu.memory_space<vmem>> -> memref<32x128xf32, #tpu.memory_space<vmem>>
      %dma_wait3A_84 = arith.constant 0 : i32
      %dma_wait3A_85 = tpu.memref_slice %arg9[%mul3A_22, %dma_wait3A_84] : memref<512x128xf32, #tpu.memory_space<vmem_shared>> -> memref<32x128xf32, #tpu.memory_space<vmem_shared>>
      %dma_wait3A_86 = arith.constant 0 : i32
      %dma_wait3A_87 = tpu.memref_slice %arg9[%mul3A_22, %dma_wait3A_86] : memref<512x128xf32, #tpu.memory_space<vmem_shared>> -> memref<32x128xf32, #tpu.memory_space<vmem_shared>>
      %dma_wait3A_88 = arith.constant 0 : i32
      %dma_wait3A_89 = arith.constant 0 : i32
      %dma_wait3A_90 = tpu.memref_slice %arg14[%dma_wait3A_88, %dma_wait3A_89] : memref<128x128xf32, #tpu.memory_space<vmem>> -> memref<32x128xf32, #tpu.memory_space<vmem>>
      tpu.wait_dma2 semaphore(%run_scoped3A : memref<!tpu.dma_semaphore, #tpu.memory_space<semaphore_mem>>) src(%dma_wait3A_90 : memref<32x128xf32, #tpu.memory_space<vmem>>) dst(%dma_wait3A_87 : memref<32x128xf32, #tpu.memory_space<vmem_shared>>)
      tpu.yield
    }) : () -> ()
    %barrier3A = arith.constant 0 : index
    tpu.barrier barrier_id(%barrier3A)
    %add3A_43 = arith.constant 0 : i32
    %add3A_44 = arith.addi %add3A_43, %add3A : i32
    %lt3A = arith.constant 782 : i32
    %lt3A_45 = arith.cmpi slt, %add3A_44, %lt3A : i32
    %and3A = arith.constant true
    %and3A_46 = arith.andi %and3A, %lt3A_45 : i1
    %convert_element_type3A = arith.extui %and3A_46 : i1 to i32
    %cond3A = arith.constant 0 : i32
    %cond3A_47 = arith.cmpi ne, %convert_element_type3A, %cond3A : i32
    scf.if %cond3A_47 {
      %add3A_71 = arith.constant 0 : i32
      %add3A_72 = arith.addi %add3A_71, %add3A : i32
      %mul3A_73 = arith.constant 128 : i32
      %mul3A_74 = arith.muli %add3A_72, %mul3A_73 : i32
      %min3A = arith.constant 99872 : i32
      %min3A_75 = arith.minsi %mul3A_74, %min3A : i32
      %dma_start3A_76 = tpu.memref_slice %arg3[%min3A_75] : memref<100000xi32, #tpu.memory_space<hbm>> -> memref<128xi32, #tpu.memory_space<hbm>>
      %dma_start3A_77 = tpu.memref_slice %arg3[%min3A_75] : memref<100000xi32, #tpu.memory_space<hbm>> -> memref<128xi32, #tpu.memory_space<hbm>>
      tpu.enqueue_dma source(%dma_start3A_77 : memref<128xi32, #tpu.memory_space<hbm>>) target(%arg15 : memref<128xi32, #tpu.memory_space<vmem>>) target_semaphore(%arg29 : memref<!tpu.dma_semaphore, #tpu.memory_space<semaphore_mem>>)
      %add3A_78 = arith.constant 0 : i32
      %add3A_79 = arith.addi %add3A_78, %add3A : i32
      %mul3A_80 = arith.constant 128 : i32
      %mul3A_81 = arith.muli %add3A_79, %mul3A_80 : i32
      %min3A_82 = arith.constant 99872 : i32
      %min3A_83 = arith.minsi %mul3A_81, %min3A_82 : i32
      %dma_start3A_84 = tpu.memref_slice %arg4[%min3A_83] : memref<100000xi32, #tpu.memory_space<hbm>> -> memref<128xi32, #tpu.memory_space<hbm>>
      %dma_start3A_85 = tpu.memref_slice %arg4[%min3A_83] : memref<100000xi32, #tpu.memory_space<hbm>> -> memref<128xi32, #tpu.memory_space<hbm>>
      tpu.enqueue_dma source(%dma_start3A_85 : memref<128xi32, #tpu.memory_space<hbm>>) target(%arg16 : memref<128xi32, #tpu.memory_space<vmem>>) target_semaphore(%arg29 : memref<!tpu.dma_semaphore, #tpu.memory_space<semaphore_mem>>)
    } else {
    }
    %add3A_48 = arith.constant 32 : i32
    %add3A_49 = arith.addi %add3A_48, %add3A : i32
    %lt3A_50 = arith.constant 782 : i32
    %lt3A_51 = arith.cmpi slt, %add3A_49, %lt3A_50 : i32
    %and3A_52 = arith.constant true
    %and3A_53 = arith.andi %and3A_52, %lt3A_51 : i1
    %convert_element_type3A_54 = arith.extui %and3A_53 : i1 to i32
    %cond3A_55 = arith.constant 0 : i32
    %cond3A_56 = arith.cmpi ne, %convert_element_type3A_54, %cond3A_55 : i32
    scf.if %cond3A_56 {
      %add3A_71 = arith.constant 32 : i32
      %add3A_72 = arith.addi %add3A_71, %add3A : i32
      %mul3A_73 = arith.constant 128 : i32
      %mul3A_74 = arith.muli %add3A_72, %mul3A_73 : i32
      %min3A = arith.constant 99872 : i32
      %min3A_75 = arith.minsi %mul3A_74, %min3A : i32
      %dma_start3A_76 = tpu.memref_slice %arg3[%min3A_75] : memref<100000xi32, #tpu.memory_space<hbm>> -> memref<128xi32, #tpu.memory_space<hbm>>
      %dma_start3A_77 = tpu.memref_slice %arg3[%min3A_75] : memref<100000xi32, #tpu.memory_space<hbm>> -> memref<128xi32, #tpu.memory_space<hbm>>
      tpu.enqueue_dma source(%dma_start3A_77 : memref<128xi32, #tpu.memory_space<hbm>>) target(%arg19 : memref<128xi32, #tpu.memory_space<vmem>>) target_semaphore(%arg30 : memref<!tpu.dma_semaphore, #tpu.memory_space<semaphore_mem>>)
      %add3A_78 = arith.constant 32 : i32
      %add3A_79 = arith.addi %add3A_78, %add3A : i32
      %mul3A_80 = arith.constant 128 : i32
      %mul3A_81 = arith.muli %add3A_79, %mul3A_80 : i32
      %min3A_82 = arith.constant 99872 : i32
      %min3A_83 = arith.minsi %mul3A_81, %min3A_82 : i32
      %dma_start3A_84 = tpu.memref_slice %arg4[%min3A_83] : memref<100000xi32, #tpu.memory_space<hbm>> -> memref<128xi32, #tpu.memory_space<hbm>>
      %dma_start3A_85 = tpu.memref_slice %arg4[%min3A_83] : memref<100000xi32, #tpu.memory_space<hbm>> -> memref<128xi32, #tpu.memory_space<hbm>>
      tpu.enqueue_dma source(%dma_start3A_85 : memref<128xi32, #tpu.memory_space<hbm>>) target(%arg20 : memref<128xi32, #tpu.memory_space<vmem>>) target_semaphore(%arg30 : memref<!tpu.dma_semaphore, #tpu.memory_space<semaphore_mem>>)
    } else {
    }
    %add3A_57 = arith.constant 0 : i32
    %add3A_58 = arith.addi %add3A_57, %add3A : i32
    %lt3A_59 = arith.constant 782 : i32
    %lt3A_60 = arith.cmpi slt, %add3A_58, %lt3A_59 : i32
    %and3A_61 = arith.constant true
    %and3A_62 = arith.andi %and3A_61, %lt3A_60 : i1
    %convert_element_type3A_63 = arith.extui %and3A_62 : i1 to i32
    %cond3A_64 = arith.constant 0 : i32
    %cond3A_65 = arith.cmpi ne, %convert_element_type3A_63, %cond3A_64 : i32
    scf.if %cond3A_65 {
      %add3A_71 = arith.constant 0 : i32
      %add3A_72 = arith.addi %add3A_71, %add3A : i32
      %mul3A_73 = arith.constant 128 : i32
      %mul3A_74 = arith.muli %add3A_72, %mul3A_73 : i32
      %min3A = arith.constant 99872 : i32
      %min3A_75 = arith.minsi %mul3A_74, %min3A : i32
      %dma_start3A_76 = arith.constant 0 : i32
      %dma_start3A_77 = tpu.memref_slice %arg2[%min3A_75, %dma_start3A_76] : memref<100000x128xf32, #tpu.memory_space<hbm>> -> memref<128x128xf32, #tpu.memory_space<hbm>>
      %dma_start3A_78 = arith.constant 0 : i32
      %dma_start3A_79 = tpu.memref_slice %arg2[%min3A_75, %dma_start3A_78] : memref<100000x128xf32, #tpu.memory_space<hbm>> -> memref<128x128xf32, #tpu.memory_space<hbm>>
      tpu.enqueue_dma source(%dma_start3A_79 : memref<128x128xf32, #tpu.memory_space<hbm>>) target(%arg10 : memref<128x128xf32, #tpu.memory_space<vmem>>) target_semaphore(%arg21 : memref<!tpu.dma_semaphore, #tpu.memory_space<semaphore_mem>>)
      %dma_wait3A_80 = arith.constant 0 : i32
      %dma_wait3A_81 = tpu.memref_slice %arg3[%dma_wait3A_80] : memref<100000xi32, #tpu.memory_space<hbm>> -> memref<128xi32, #tpu.memory_space<hbm>>
      %dma_wait3A_82 = arith.constant 0 : i32
      %dma_wait3A_83 = tpu.memref_slice %arg3[%dma_wait3A_82] : memref<100000xi32, #tpu.memory_space<hbm>> -> memref<128xi32, #tpu.memory_space<hbm>>
      tpu.wait_dma2 semaphore(%arg29 : memref<!tpu.dma_semaphore, #tpu.memory_space<semaphore_mem>>) src(%dma_wait3A_83 : memref<128xi32, #tpu.memory_space<hbm>>) dst(%arg15 : memref<128xi32, #tpu.memory_space<vmem>>)
      %dma_wait3A_84 = arith.constant 0 : i32
      %dma_wait3A_85 = tpu.memref_slice %arg4[%dma_wait3A_84] : memref<100000xi32, #tpu.memory_space<hbm>> -> memref<128xi32, #tpu.memory_space<hbm>>
      %dma_wait3A_86 = arith.constant 0 : i32
      %dma_wait3A_87 = tpu.memref_slice %arg4[%dma_wait3A_86] : memref<100000xi32, #tpu.memory_space<hbm>> -> memref<128xi32, #tpu.memory_space<hbm>>
      tpu.wait_dma2 semaphore(%arg29 : memref<!tpu.dma_semaphore, #tpu.memory_space<semaphore_mem>>) src(%dma_wait3A_87 : memref<128xi32, #tpu.memory_space<hbm>>) dst(%arg16 : memref<128xi32, #tpu.memory_space<vmem>>)
      %dma_start3A_88 = arith.constant 0 : i32
      %dma_start3A_89 = arith.constant 0 : i32
      %dma_start3A_90 = tpu.memref_slice %arg8[%dma_start3A_88, %dma_start3A_89] : memref<512x128xf32, #tpu.memory_space<vmem_shared>> -> memref<512x128xf32, #tpu.memory_space<vmem_shared>>
      tpu.enqueue_indirect_dma source(%dma_start3A_90 : memref<512x128xf32, #tpu.memory_space<vmem_shared>>) target(%arg13 : memref<128x128xf32, #tpu.memory_space<vmem>>) offsets(%arg15 : memref<128xi32, #tpu.memory_space<vmem>>) semaphore(%arg27 : memref<!tpu.dma_semaphore, #tpu.memory_space<semaphore_mem>>)
      %dma_start3A_91 = arith.constant 0 : i32
      %dma_start3A_92 = arith.constant 0 : i32
      %dma_start3A_93 = tpu.memref_slice %arg9[%dma_start3A_91, %dma_start3A_92] : memref<512x128xf32, #tpu.memory_space<vmem_shared>> -> memref<512x128xf32, #tpu.memory_space<vmem_shared>>
      tpu.enqueue_indirect_dma source(%dma_start3A_93 : memref<512x128xf32, #tpu.memory_space<vmem_shared>>) target(%arg14 : memref<128x128xf32, #tpu.memory_space<vmem>>) offsets(%arg16 : memref<128xi32, #tpu.memory_space<vmem>>) semaphore(%arg27 : memref<!tpu.dma_semaphore, #tpu.memory_space<semaphore_mem>>)
    } else {
    }
    %scan3A = arith.constant 0 : i32
    %scan3A_66 = arith.constant 0 : i32
    %scan3A_67 = arith.constant 5 : i32
    %scan3A_68 = arith.addi %scan3A_66, %scan3A_67 : i32
    %scan3A_69 = arith.constant 1 : i32
    scf.for %scan3A_71 = %scan3A_66 to %scan3A_68 step %scan3A_69  : i32 {
      %mul3A_72 = arith.constant 6 : i32
      %mul3A_73 = arith.muli %mul3A_72, %scan3A_71 : i32
      %add3A_74 = arith.constant 0 : i32
      %add3A_75 = arith.addi %mul3A_73, %add3A_74 : i32
      %sub3A = arith.constant 2 : i32
      %sub3A_76 = arith.subi %add3A_75, %sub3A : i32
      %ge3A = arith.constant 0 : i32
      %ge3A_77 = arith.cmpi sge, %sub3A_76, %ge3A : i32
      %lt3A_78 = arith.constant 25 : i32
      %lt3A_79 = arith.cmpi slt, %sub3A_76, %lt3A_78 : i32
      %and3A_80 = arith.andi %ge3A_77, %lt3A_79 : i1
      %mul3A_81 = arith.constant 32 : i32
      %mul3A_82 = arith.muli %sub3A_76, %mul3A_81 : i32
      %add3A_83 = arith.addi %mul3A_82, %add3A : i32
      %lt3A_84 = arith.constant 782 : i32
      %lt3A_85 = arith.cmpi slt, %add3A_83, %lt3A_84 : i32
      %and3A_86 = arith.andi %and3A_80, %lt3A_85 : i1
      %convert_element_type3A_87 = arith.extui %and3A_86 : i1 to i32
      %cond3A_88 = arith.constant 0 : i32
      %cond3A_89 = arith.cmpi ne, %convert_element_type3A_87, %cond3A_88 : i32
      scf.if %cond3A_89 {
        %dma_wait3A_646 = arith.constant 0 : i32
        %dma_wait3A_647 = arith.constant 0 : i32
        %dma_wait3A_648 = tpu.memref_slice %arg7[%dma_wait3A_646, %dma_wait3A_647] : memref<100000x128xf32, #tpu.memory_space<hbm>> -> memref<128x128xf32, #tpu.memory_space<hbm>>
        %dma_wait3A_649 = arith.constant 0 : i32
        %dma_wait3A_650 = arith.constant 0 : i32
        %dma_wait3A_651 = tpu.memref_slice %arg7[%dma_wait3A_649, %dma_wait3A_650] : memref<100000x128xf32, #tpu.memory_space<hbm>> -> memref<128x128xf32, #tpu.memory_space<hbm>>
        tpu.wait_dma2 semaphore(%arg25 : memref<!tpu.dma_semaphore, #tpu.memory_space<semaphore_mem>>) src(%arg11 : memref<128x128xf32, #tpu.memory_space<vmem>>) dst(%dma_wait3A_651 : memref<128x128xf32, #tpu.memory_space<hbm>>)
      } else {
      }
      %add3A_90 = arith.constant 1 : i32
      %add3A_91 = arith.addi %add3A_75, %add3A_90 : i32
      %ge3A_92 = arith.constant 0 : i32
      %ge3A_93 = arith.cmpi sge, %add3A_91, %ge3A_92 : i32
      %lt3A_94 = arith.constant 25 : i32
      %lt3A_95 = arith.cmpi slt, %add3A_91, %lt3A_94 : i32
      %and3A_96 = arith.andi %ge3A_93, %lt3A_95 : i1
      %mul3A_97 = arith.constant 32 : i32
      %mul3A_98 = arith.muli %add3A_91, %mul3A_97 : i32
      %add3A_99 = arith.addi %mul3A_98, %add3A : i32
      %lt3A_100 = arith.constant 782 : i32
      %lt3A_101 = arith.cmpi slt, %add3A_99, %lt3A_100 : i32
      %and3A_102 = arith.andi %and3A_96, %lt3A_101 : i1
      %convert_element_type3A_103 = arith.extui %and3A_102 : i1 to i32
      %cond3A_104 = arith.constant 0 : i32
      %cond3A_105 = arith.cmpi ne, %convert_element_type3A_103, %cond3A_104 : i32
      scf.if %cond3A_105 {
        %add3A_646 = arith.constant 1 : i32
        %add3A_647 = arith.addi %add3A_75, %add3A_646 : i32
        %mul3A_648 = arith.constant 32 : i32
        %mul3A_649 = arith.muli %add3A_647, %mul3A_648 : i32
        %add3A_650 = arith.addi %mul3A_649, %add3A : i32
        %mul3A_651 = arith.constant 128 : i32
        %mul3A_652 = arith.muli %add3A_650, %mul3A_651 : i32
        %min3A = arith.constant 99872 : i32
        %min3A_653 = arith.minsi %mul3A_652, %min3A : i32
        %dma_start3A_654 = arith.constant 0 : i32
        %dma_start3A_655 = tpu.memref_slice %arg2[%min3A_653, %dma_start3A_654] : memref<100000x128xf32, #tpu.memory_space<hbm>> -> memref<128x128xf32, #tpu.memory_space<hbm>>
        %dma_start3A_656 = arith.constant 0 : i32
        %dma_start3A_657 = tpu.memref_slice %arg2[%min3A_653, %dma_start3A_656] : memref<100000x128xf32, #tpu.memory_space<hbm>> -> memref<128x128xf32, #tpu.memory_space<hbm>>
        tpu.enqueue_dma source(%dma_start3A_657 : memref<128x128xf32, #tpu.memory_space<hbm>>) target(%arg11 : memref<128x128xf32, #tpu.memory_space<vmem>>) target_semaphore(%arg22 : memref<!tpu.dma_semaphore, #tpu.memory_space<semaphore_mem>>)
      } else {
      }
      %add3A_106 = arith.constant 1 : i32
      %add3A_107 = arith.addi %add3A_75, %add3A_106 : i32
      %ge3A_108 = arith.constant 0 : i32
      %ge3A_109 = arith.cmpi sge, %add3A_107, %ge3A_108 : i32
      %lt3A_110 = arith.constant 25 : i32
      %lt3A_111 = arith.cmpi slt, %add3A_107, %lt3A_110 : i32
      %and3A_112 = arith.andi %ge3A_109, %lt3A_111 : i1
      %mul3A_113 = arith.constant 32 : i32
      %mul3A_114 = arith.muli %add3A_107, %mul3A_113 : i32
      %add3A_115 = arith.addi %mul3A_114, %add3A : i32
      %lt3A_116 = arith.constant 782 : i32
      %lt3A_117 = arith.cmpi slt, %add3A_115, %lt3A_116 : i32
      %and3A_118 = arith.andi %and3A_112, %lt3A_117 : i1
      %convert_element_type3A_119 = arith.extui %and3A_118 : i1 to i32
      %cond3A_120 = arith.constant 0 : i32
      %cond3A_121 = arith.cmpi ne, %convert_element_type3A_119, %cond3A_120 : i32
      scf.if %cond3A_121 {
        %dma_wait3A_646 = arith.constant 0 : i32
        %dma_wait3A_647 = tpu.memref_slice %arg3[%dma_wait3A_646] : memref<100000xi32, #tpu.memory_space<hbm>> -> memref<128xi32, #tpu.memory_space<hbm>>
        %dma_wait3A_648 = arith.constant 0 : i32
        %dma_wait3A_649 = tpu.memref_slice %arg3[%dma_wait3A_648] : memref<100000xi32, #tpu.memory_space<hbm>> -> memref<128xi32, #tpu.memory_space<hbm>>
        tpu.wait_dma2 semaphore(%arg30 : memref<!tpu.dma_semaphore, #tpu.memory_space<semaphore_mem>>) src(%dma_wait3A_649 : memref<128xi32, #tpu.memory_space<hbm>>) dst(%arg19 : memref<128xi32, #tpu.memory_space<vmem>>)
        %dma_wait3A_650 = arith.constant 0 : i32
        %dma_wait3A_651 = tpu.memref_slice %arg4[%dma_wait3A_650] : memref<100000xi32, #tpu.memory_space<hbm>> -> memref<128xi32, #tpu.memory_space<hbm>>
        %dma_wait3A_652 = arith.constant 0 : i32
        %dma_wait3A_653 = tpu.memref_slice %arg4[%dma_wait3A_652] : memref<100000xi32, #tpu.memory_space<hbm>> -> memref<128xi32, #tpu.memory_space<hbm>>
        tpu.wait_dma2 semaphore(%arg30 : memref<!tpu.dma_semaphore, #tpu.memory_space<semaphore_mem>>) src(%dma_wait3A_653 : memref<128xi32, #tpu.memory_space<hbm>>) dst(%arg20 : memref<128xi32, #tpu.memory_space<vmem>>)
        %dma_start3A_654 = arith.constant 0 : i32
        %dma_start3A_655 = arith.constant 0 : i32
        %dma_start3A_656 = tpu.memref_slice %arg8[%dma_start3A_654, %dma_start3A_655] : memref<512x128xf32, #tpu.memory_space<vmem_shared>> -> memref<512x128xf32, #tpu.memory_space<vmem_shared>>
        tpu.enqueue_indirect_dma source(%dma_start3A_656 : memref<512x128xf32, #tpu.memory_space<vmem_shared>>) target(%arg17 : memref<128x128xf32, #tpu.memory_space<vmem>>) offsets(%arg19 : memref<128xi32, #tpu.memory_space<vmem>>) semaphore(%arg28 : memref<!tpu.dma_semaphore, #tpu.memory_space<semaphore_mem>>)
        %dma_start3A_657 = arith.constant 0 : i32
        %dma_start3A_658 = arith.constant 0 : i32
        %dma_start3A_659 = tpu.memref_slice %arg9[%dma_start3A_657, %dma_start3A_658] : memref<512x128xf32, #tpu.memory_space<vmem_shared>> -> memref<512x128xf32, #tpu.memory_space<vmem_shared>>
        tpu.enqueue_indirect_dma source(%dma_start3A_659 : memref<512x128xf32, #tpu.memory_space<vmem_shared>>) target(%arg18 : memref<128x128xf32, #tpu.memory_space<vmem>>) offsets(%arg20 : memref<128xi32, #tpu.memory_space<vmem>>) semaphore(%arg28 : memref<!tpu.dma_semaphore, #tpu.memory_space<semaphore_mem>>)
      } else {
      }
      %ge3A_122 = arith.constant 0 : i32
      %ge3A_123 = arith.cmpi sge, %add3A_75, %ge3A_122 : i32
      %lt3A_124 = arith.constant 25 : i32
      %lt3A_125 = arith.cmpi slt, %add3A_75, %lt3A_124 : i32
      %and3A_126 = arith.andi %ge3A_123, %lt3A_125 : i1
      %mul3A_127 = arith.constant 32 : i32
      %mul3A_128 = arith.muli %add3A_75, %mul3A_127 : i32
      %add3A_129 = arith.addi %mul3A_128, %add3A : i32
      %lt3A_130 = arith.constant 782 : i32
      %lt3A_131 = arith.cmpi slt, %add3A_129, %lt3A_130 : i32
      %and3A_132 = arith.andi %and3A_126, %lt3A_131 : i1
      %convert_element_type3A_133 = arith.extui %and3A_132 : i1 to i32
      %cond3A_134 = arith.constant 0 : i32
      %cond3A_135 = arith.cmpi ne, %convert_element_type3A_133, %cond3A_134 : i32
      scf.if %cond3A_135 {
        %dma_wait3A_646 = arith.constant 0 : i32
        %dma_wait3A_647 = arith.constant 0 : i32
        %dma_wait3A_648 = tpu.memref_slice %arg2[%dma_wait3A_646, %dma_wait3A_647] : memref<100000x128xf32, #tpu.memory_space<hbm>> -> memref<128x128xf32, #tpu.memory_space<hbm>>
        %dma_wait3A_649 = arith.constant 0 : i32
        %dma_wait3A_650 = arith.constant 0 : i32
        %dma_wait3A_651 = tpu.memref_slice %arg2[%dma_wait3A_649, %dma_wait3A_650] : memref<100000x128xf32, #tpu.memory_space<hbm>> -> memref<128x128xf32, #tpu.memory_space<hbm>>
        tpu.wait_dma2 semaphore(%arg21 : memref<!tpu.dma_semaphore, #tpu.memory_space<semaphore_mem>>) src(%dma_wait3A_651 : memref<128x128xf32, #tpu.memory_space<hbm>>) dst(%arg10 : memref<128x128xf32, #tpu.memory_space<vmem>>)
        %dma_wait3A_652 = arith.constant 0 : i32
        %dma_wait3A_653 = arith.constant 0 : i32
        %dma_wait3A_654 = tpu.memref_slice %arg8[%dma_wait3A_652, %dma_wait3A_653] : memref<512x128xf32, #tpu.memory_space<vmem_shared>> -> memref<128x128xf32, #tpu.memory_space<vmem_shared>>
        %dma_wait3A_655 = arith.constant 0 : i32
        %dma_wait3A_656 = arith.constant 0 : i32
        %dma_wait3A_657 = tpu.memref_slice %arg8[%dma_wait3A_655, %dma_wait3A_656] : memref<512x128xf32, #tpu.memory_space<vmem_shared>> -> memref<128x128xf32, #tpu.memory_space<vmem_shared>>
        tpu.wait_dma2 semaphore(%arg27 : memref<!tpu.dma_semaphore, #tpu.memory_space<semaphore_mem>>) src(%dma_wait3A_657 : memref<128x128xf32, #tpu.memory_space<vmem_shared>>) dst(%arg13 : memref<128x128xf32, #tpu.memory_space<vmem>>)
        %dma_wait3A_658 = arith.constant 0 : i32
        %dma_wait3A_659 = arith.constant 0 : i32
        %dma_wait3A_660 = tpu.memref_slice %arg9[%dma_wait3A_658, %dma_wait3A_659] : memref<512x128xf32, #tpu.memory_space<vmem_shared>> -> memref<128x128xf32, #tpu.memory_space<vmem_shared>>
        %dma_wait3A_661 = arith.constant 0 : i32
        %dma_wait3A_662 = arith.constant 0 : i32
        %dma_wait3A_663 = tpu.memref_slice %arg9[%dma_wait3A_661, %dma_wait3A_662] : memref<512x128xf32, #tpu.memory_space<vmem_shared>> -> memref<128x128xf32, #tpu.memory_space<vmem_shared>>
        tpu.wait_dma2 semaphore(%arg27 : memref<!tpu.dma_semaphore, #tpu.memory_space<semaphore_mem>>) src(%dma_wait3A_663 : memref<128x128xf32, #tpu.memory_space<vmem_shared>>) dst(%arg14 : memref<128x128xf32, #tpu.memory_space<vmem>>)
      } else {
      }
      %add3A_136 = arith.constant 2 : i32
      %add3A_137 = arith.addi %add3A_75, %add3A_136 : i32
      %ge3A_138 = arith.constant 0 : i32
      %ge3A_139 = arith.cmpi sge, %add3A_137, %ge3A_138 : i32
      %lt3A_140 = arith.constant 25 : i32
      %lt3A_141 = arith.cmpi slt, %add3A_137, %lt3A_140 : i32
      %and3A_142 = arith.andi %ge3A_139, %lt3A_141 : i1
      %mul3A_143 = arith.constant 32 : i32
      %mul3A_144 = arith.muli %add3A_137, %mul3A_143 : i32
      %add3A_145 = arith.addi %mul3A_144, %add3A : i32
      %lt3A_146 = arith.constant 782 : i32
      %lt3A_147 = arith.cmpi slt, %add3A_145, %lt3A_146 : i32
      %and3A_148 = arith.andi %and3A_142, %lt3A_147 : i1
      %convert_element_type3A_149 = arith.extui %and3A_148 : i1 to i32
      %cond3A_150 = arith.constant 0 : i32
      %cond3A_151 = arith.cmpi ne, %convert_element_type3A_149, %cond3A_150 : i32
      scf.if %cond3A_151 {
        %add3A_646 = arith.constant 2 : i32
        %add3A_647 = arith.addi %add3A_75, %add3A_646 : i32
        %mul3A_648 = arith.constant 32 : i32
        %mul3A_649 = arith.muli %add3A_647, %mul3A_648 : i32
        %add3A_650 = arith.addi %mul3A_649, %add3A : i32
        %mul3A_651 = arith.constant 128 : i32
        %mul3A_652 = arith.muli %add3A_650, %mul3A_651 : i32
        %min3A = arith.constant 99872 : i32
        %min3A_653 = arith.minsi %mul3A_652, %min3A : i32
        %dma_start3A_654 = tpu.memref_slice %arg3[%min3A_653] : memref<100000xi32, #tpu.memory_space<hbm>> -> memref<128xi32, #tpu.memory_space<hbm>>
        %dma_start3A_655 = tpu.memref_slice %arg3[%min3A_653] : memref<100000xi32, #tpu.memory_space<hbm>> -> memref<128xi32, #tpu.memory_space<hbm>>
        tpu.enqueue_dma source(%dma_start3A_655 : memref<128xi32, #tpu.memory_space<hbm>>) target(%arg15 : memref<128xi32, #tpu.memory_space<vmem>>) target_semaphore(%arg29 : memref<!tpu.dma_semaphore, #tpu.memory_space<semaphore_mem>>)
        %dma_start3A_656 = tpu.memref_slice %arg4[%min3A_653] : memref<100000xi32, #tpu.memory_space<hbm>> -> memref<128xi32, #tpu.memory_space<hbm>>
        %dma_start3A_657 = tpu.memref_slice %arg4[%min3A_653] : memref<100000xi32, #tpu.memory_space<hbm>> -> memref<128xi32, #tpu.memory_space<hbm>>
        tpu.enqueue_dma source(%dma_start3A_657 : memref<128xi32, #tpu.memory_space<hbm>>) target(%arg16 : memref<128xi32, #tpu.memory_space<vmem>>) target_semaphore(%arg29 : memref<!tpu.dma_semaphore, #tpu.memory_space<semaphore_mem>>)
      } else {
      }
      %ge3A_152 = arith.constant 0 : i32
      %ge3A_153 = arith.cmpi sge, %add3A_75, %ge3A_152 : i32
      %lt3A_154 = arith.constant 25 : i32
      %lt3A_155 = arith.cmpi slt, %add3A_75, %lt3A_154 : i32
      %and3A_156 = arith.andi %ge3A_153, %lt3A_155 : i1
      %mul3A_157 = arith.constant 32 : i32
      %mul3A_158 = arith.muli %add3A_75, %mul3A_157 : i32
      %add3A_159 = arith.addi %mul3A_158, %add3A : i32
      %lt3A_160 = arith.constant 782 : i32
      %lt3A_161 = arith.cmpi slt, %add3A_159, %lt3A_160 : i32
      %and3A_162 = arith.andi %and3A_156, %lt3A_161 : i1
      %convert_element_type3A_163 = arith.extui %and3A_162 : i1 to i32
      %cond3A_164 = arith.constant 0 : i32
      %cond3A_165 = arith.cmpi ne, %convert_element_type3A_163, %cond3A_164 : i32
      scf.if %cond3A_165 {
        %scan3A_646 = arith.constant 0 : i32
        %scan3A_647 = arith.constant 0 : i32
        %scan3A_648 = arith.constant 128 : i32
        %scan3A_649 = arith.addi %scan3A_647, %scan3A_648 : i32
        %scan3A_650 = arith.constant 1 : i32
        scf.for %scan3A_662 = %scan3A_647 to %scan3A_649 step %scan3A_650  : i32 {
          %get3A = arith.index_cast %scan3A_662 : i32 to index
          %get3A_663 = arith.constant 0 : index
          %get3A_664 = tpu.vector_load %arg10[%get3A, %get3A_663] {strides = array<i32>} : memref<128x128xf32, #tpu.memory_space<vmem>>, vector<1x16xf32>,
          %get3A_665 = vector.shape_cast %get3A_664 : vector<1x16xf32> to vector<16xf32>
          %get3A_666 = arith.index_cast %scan3A_662 : i32 to index
          %get3A_667 = arith.constant 0 : index
          %get3A_668 = tpu.vector_load %arg13[%get3A_666, %get3A_667] {strides = array<i32>} : memref<128x128xf32, #tpu.memory_space<vmem>>, vector<1x16xf32>,
          %get3A_669 = vector.shape_cast %get3A_668 : vector<1x16xf32> to vector<16xf32>
          %add3A_670 = arith.addf %get3A_665, %get3A_669 : vector<16xf32>
          %get3A_671 = arith.index_cast %scan3A_662 : i32 to index
          %get3A_672 = arith.constant 0 : index
          %get3A_673 = tpu.vector_load %arg14[%get3A_671, %get3A_672] {strides = array<i32>} : memref<128x128xf32, #tpu.memory_space<vmem>>, vector<1x16xf32>,
          %get3A_674 = vector.shape_cast %get3A_673 : vector<1x16xf32> to vector<16xf32>
          %add3A_675 = arith.addf %add3A_670, %get3A_674 : vector<16xf32>
          %swap3A = arith.index_cast %scan3A_662 : i32 to index
          %swap3A_676 = arith.constant 0 : index
          %swap3A_677 = tpu.vector_load %arg10[%swap3A, %swap3A_676] {strides = array<i32>} : memref<128x128xf32, #tpu.memory_space<vmem>>, vector<1x16xf32>,
          %swap3A_678 = vector.shape_cast %swap3A_677 : vector<1x16xf32> to vector<16xf32>
          %swap3A_679 = vector.shape_cast %add3A_675 : vector<16xf32> to vector<1x16xf32>
          tpu.vector_store %arg10[%swap3A, %swap3A_676], %swap3A_679 {strides = array<i32>} : memref<128x128xf32, #tpu.memory_space<vmem>>, vector<1x16xf32>,
          %get3A_680 = arith.index_cast %scan3A_662 : i32 to index
          %get3A_681 = arith.constant 16 : index
          %get3A_682 = tpu.vector_load %arg10[%get3A_680, %get3A_681] {strides = array<i32>} : memref<128x128xf32, #tpu.memory_space<vmem>>, vector<1x16xf32>,
          %get3A_683 = vector.shape_cast %get3A_682 : vector<1x16xf32> to vector<16xf32>
          %get3A_684 = arith.index_cast %scan3A_662 : i32 to index
          %get3A_685 = arith.constant 16 : index
          %get3A_686 = tpu.vector_load %arg13[%get3A_684, %get3A_685] {strides = array<i32>} : memref<128x128xf32, #tpu.memory_space<vmem>>, vector<1x16xf32>,
          %get3A_687 = vector.shape_cast %get3A_686 : vector<1x16xf32> to vector<16xf32>
          %add3A_688 = arith.addf %get3A_683, %get3A_687 : vector<16xf32>
          %get3A_689 = arith.index_cast %scan3A_662 : i32 to index
          %get3A_690 = arith.constant 16 : index
          %get3A_691 = tpu.vector_load %arg14[%get3A_689, %get3A_690] {strides = array<i32>} : memref<128x128xf32, #tpu.memory_space<vmem>>, vector<1x16xf32>,
          %get3A_692 = vector.shape_cast %get3A_691 : vector<1x16xf32> to vector<16xf32>
          %add3A_693 = arith.addf %add3A_688, %get3A_692 : vector<16xf32>
          %swap3A_694 = arith.index_cast %scan3A_662 : i32 to index
          %swap3A_695 = arith.constant 16 : index
          %swap3A_696 = tpu.vector_load %arg10[%swap3A_694, %swap3A_695] {strides = array<i32>} : memref<128x128xf32, #tpu.memory_space<vmem>>, vector<1x16xf32>,
          %swap3A_697 = vector.shape_cast %swap3A_696 : vector<1x16xf32> to vector<16xf32>
          %swap3A_698 = vector.shape_cast %add3A_693 : vector<16xf32> to vector<1x16xf32>
          tpu.vector_store %arg10[%swap3A_694, %swap3A_695], %swap3A_698 {strides = array<i32>} : memref<128x128xf32, #tpu.memory_space<vmem>>, vector<1x16xf32>,
          %get3A_699 = arith.index_cast %scan3A_662 : i32 to index
          %get3A_700 = arith.constant 32 : index
          %get3A_701 = tpu.vector_load %arg10[%get3A_699, %get3A_700] {strides = array<i32>} : memref<128x128xf32, #tpu.memory_space<vmem>>, vector<1x16xf32>,
          %get3A_702 = vector.shape_cast %get3A_701 : vector<1x16xf32> to vector<16xf32>
          %get3A_703 = arith.index_cast %scan3A_662 : i32 to index
          %get3A_704 = arith.constant 32 : index
          %get3A_705 = tpu.vector_load %arg13[%get3A_703, %get3A_704] {strides = array<i32>} : memref<128x128xf32, #tpu.memory_space<vmem>>, vector<1x16xf32>,
          %get3A_706 = vector.shape_cast %get3A_705 : vector<1x16xf32> to vector<16xf32>
          %add3A_707 = arith.addf %get3A_702, %get3A_706 : vector<16xf32>
          %get3A_708 = arith.index_cast %scan3A_662 : i32 to index
          %get3A_709 = arith.constant 32 : index
          %get3A_710 = tpu.vector_load %arg14[%get3A_708, %get3A_709] {strides = array<i32>} : memref<128x128xf32, #tpu.memory_space<vmem>>, vector<1x16xf32>,
          %get3A_711 = vector.shape_cast %get3A_710 : vector<1x16xf32> to vector<16xf32>
          %add3A_712 = arith.addf %add3A_707, %get3A_711 : vector<16xf32>
          %swap3A_713 = arith.index_cast %scan3A_662 : i32 to index
          %swap3A_714 = arith.constant 32 : index
          %swap3A_715 = tpu.vector_load %arg10[%swap3A_713, %swap3A_714] {strides = array<i32>} : memref<128x128xf32, #tpu.memory_space<vmem>>, vector<1x16xf32>,
          %swap3A_716 = vector.shape_cast %swap3A_715 : vector<1x16xf32> to vector<16xf32>
          %swap3A_717 = vector.shape_cast %add3A_712 : vector<16xf32> to vector<1x16xf32>
          tpu.vector_store %arg10[%swap3A_713, %swap3A_714], %swap3A_717 {strides = array<i32>} : memref<128x128xf32, #tpu.memory_space<vmem>>, vector<1x16xf32>,
          %get3A_718 = arith.index_cast %scan3A_662 : i32 to index
          %get3A_719 = arith.constant 48 : index
          %get3A_720 = tpu.vector_load %arg10[%get3A_718, %get3A_719] {strides = array<i32>} : memref<128x128xf32, #tpu.memory_space<vmem>>, vector<1x16xf32>,
          %get3A_721 = vector.shape_cast %get3A_720 : vector<1x16xf32> to vector<16xf32>
          %get3A_722 = arith.index_cast %scan3A_662 : i32 to index
          %get3A_723 = arith.constant 48 : index
          %get3A_724 = tpu.vector_load %arg13[%get3A_722, %get3A_723] {strides = array<i32>} : memref<128x128xf32, #tpu.memory_space<vmem>>, vector<1x16xf32>,
          %get3A_725 = vector.shape_cast %get3A_724 : vector<1x16xf32> to vector<16xf32>
          %add3A_726 = arith.addf %get3A_721, %get3A_725 : vector<16xf32>
          %get3A_727 = arith.index_cast %scan3A_662 : i32 to index
          %get3A_728 = arith.constant 48 : index
          %get3A_729 = tpu.vector_load %arg14[%get3A_727, %get3A_728] {strides = array<i32>} : memref<128x128xf32, #tpu.memory_space<vmem>>, vector<1x16xf32>,
          %get3A_730 = vector.shape_cast %get3A_729 : vector<1x16xf32> to vector<16xf32>
          %add3A_731 = arith.addf %add3A_726, %get3A_730 : vector<16xf32>
          %swap3A_732 = arith.index_cast %scan3A_662 : i32 to index
          %swap3A_733 = arith.constant 48 : index
          %swap3A_734 = tpu.vector_load %arg10[%swap3A_732, %swap3A_733] {strides = array<i32>} : memref<128x128xf32, #tpu.memory_space<vmem>>, vector<1x16xf32>,
          %swap3A_735 = vector.shape_cast %swap3A_734 : vector<1x16xf32> to vector<16xf32>
          %swap3A_736 = vector.shape_cast %add3A_731 : vector<16xf32> to vector<1x16xf32>
          tpu.vector_store %arg10[%swap3A_732, %swap3A_733], %swap3A_736 {strides = array<i32>} : memref<128x128xf32, #tpu.memory_space<vmem>>, vector<1x16xf32>,
          %get3A_737 = arith.index_cast %scan3A_662 : i32 to index
          %get3A_738 = arith.constant 64 : index
          %get3A_739 = tpu.vector_load %arg10[%get3A_737, %get3A_738] {strides = array<i32>} : memref<128x128xf32, #tpu.memory_space<vmem>>, vector<1x16xf32>,
          %get3A_740 = vector.shape_cast %get3A_739 : vector<1x16xf32> to vector<16xf32>
          %get3A_741 = arith.index_cast %scan3A_662 : i32 to index
          %get3A_742 = arith.constant 64 : index
          %get3A_743 = tpu.vector_load %arg13[%get3A_741, %get3A_742] {strides = array<i32>} : memref<128x128xf32, #tpu.memory_space<vmem>>, vector<1x16xf32>,
          %get3A_744 = vector.shape_cast %get3A_743 : vector<1x16xf32> to vector<16xf32>
          %add3A_745 = arith.addf %get3A_740, %get3A_744 : vector<16xf32>
          %get3A_746 = arith.index_cast %scan3A_662 : i32 to index
          %get3A_747 = arith.constant 64 : index
          %get3A_748 = tpu.vector_load %arg14[%get3A_746, %get3A_747] {strides = array<i32>} : memref<128x128xf32, #tpu.memory_space<vmem>>, vector<1x16xf32>,
          %get3A_749 = vector.shape_cast %get3A_748 : vector<1x16xf32> to vector<16xf32>
          %add3A_750 = arith.addf %add3A_745, %get3A_749 : vector<16xf32>
          %swap3A_751 = arith.index_cast %scan3A_662 : i32 to index
          %swap3A_752 = arith.constant 64 : index
          %swap3A_753 = tpu.vector_load %arg10[%swap3A_751, %swap3A_752] {strides = array<i32>} : memref<128x128xf32, #tpu.memory_space<vmem>>, vector<1x16xf32>,
          %swap3A_754 = vector.shape_cast %swap3A_753 : vector<1x16xf32> to vector<16xf32>
          %swap3A_755 = vector.shape_cast %add3A_750 : vector<16xf32> to vector<1x16xf32>
          tpu.vector_store %arg10[%swap3A_751, %swap3A_752], %swap3A_755 {strides = array<i32>} : memref<128x128xf32, #tpu.memory_space<vmem>>, vector<1x16xf32>,
          %get3A_756 = arith.index_cast %scan3A_662 : i32 to index
          %get3A_757 = arith.constant 80 : index
          %get3A_758 = tpu.vector_load %arg10[%get3A_756, %get3A_757] {strides = array<i32>} : memref<128x128xf32, #tpu.memory_space<vmem>>, vector<1x16xf32>,
          %get3A_759 = vector.shape_cast %get3A_758 : vector<1x16xf32> to vector<16xf32>
          %get3A_760 = arith.index_cast %scan3A_662 : i32 to index
          %get3A_761 = arith.constant 80 : index
          %get3A_762 = tpu.vector_load %arg13[%get3A_760, %get3A_761] {strides = array<i32>} : memref<128x128xf32, #tpu.memory_space<vmem>>, vector<1x16xf32>,
          %get3A_763 = vector.shape_cast %get3A_762 : vector<1x16xf32> to vector<16xf32>
          %add3A_764 = arith.addf %get3A_759, %get3A_763 : vector<16xf32>
          %get3A_765 = arith.index_cast %scan3A_662 : i32 to index
          %get3A_766 = arith.constant 80 : index
          %get3A_767 = tpu.vector_load %arg14[%get3A_765, %get3A_766] {strides = array<i32>} : memref<128x128xf32, #tpu.memory_space<vmem>>, vector<1x16xf32>,
          %get3A_768 = vector.shape_cast %get3A_767 : vector<1x16xf32> to vector<16xf32>
          %add3A_769 = arith.addf %add3A_764, %get3A_768 : vector<16xf32>
          %swap3A_770 = arith.index_cast %scan3A_662 : i32 to index
          %swap3A_771 = arith.constant 80 : index
          %swap3A_772 = tpu.vector_load %arg10[%swap3A_770, %swap3A_771] {strides = array<i32>} : memref<128x128xf32, #tpu.memory_space<vmem>>, vector<1x16xf32>,
          %swap3A_773 = vector.shape_cast %swap3A_772 : vector<1x16xf32> to vector<16xf32>
          %swap3A_774 = vector.shape_cast %add3A_769 : vector<16xf32> to vector<1x16xf32>
          tpu.vector_store %arg10[%swap3A_770, %swap3A_771], %swap3A_774 {strides = array<i32>} : memref<128x128xf32, #tpu.memory_space<vmem>>, vector<1x16xf32>,
          %get3A_775 = arith.index_cast %scan3A_662 : i32 to index
          %get3A_776 = arith.constant 96 : index
          %get3A_777 = tpu.vector_load %arg10[%get3A_775, %get3A_776] {strides = array<i32>} : memref<128x128xf32, #tpu.memory_space<vmem>>, vector<1x16xf32>,
          %get3A_778 = vector.shape_cast %get3A_777 : vector<1x16xf32> to vector<16xf32>
          %get3A_779 = arith.index_cast %scan3A_662 : i32 to index
          %get3A_780 = arith.constant 96 : index
          %get3A_781 = tpu.vector_load %arg13[%get3A_779, %get3A_780] {strides = array<i32>} : memref<128x128xf32, #tpu.memory_space<vmem>>, vector<1x16xf32>,
          %get3A_782 = vector.shape_cast %get3A_781 : vector<1x16xf32> to vector<16xf32>
          %add3A_783 = arith.addf %get3A_778, %get3A_782 : vector<16xf32>
          %get3A_784 = arith.index_cast %scan3A_662 : i32 to index
          %get3A_785 = arith.constant 96 : index
          %get3A_786 = tpu.vector_load %arg14[%get3A_784, %get3A_785] {strides = array<i32>} : memref<128x128xf32, #tpu.memory_space<vmem>>, vector<1x16xf32>,
          %get3A_787 = vector.shape_cast %get3A_786 : vector<1x16xf32> to vector<16xf32>
          %add3A_788 = arith.addf %add3A_783, %get3A_787 : vector<16xf32>
          %swap3A_789 = arith.index_cast %scan3A_662 : i32 to index
          %swap3A_790 = arith.constant 96 : index
          %swap3A_791 = tpu.vector_load %arg10[%swap3A_789, %swap3A_790] {strides = array<i32>} : memref<128x128xf32, #tpu.memory_space<vmem>>, vector<1x16xf32>,
          %swap3A_792 = vector.shape_cast %swap3A_791 : vector<1x16xf32> to vector<16xf32>
          %swap3A_793 = vector.shape_cast %add3A_788 : vector<16xf32> to vector<1x16xf32>
          tpu.vector_store %arg10[%swap3A_789, %swap3A_790], %swap3A_793 {strides = array<i32>} : memref<128x128xf32, #tpu.memory_space<vmem>>, vector<1x16xf32>,
          %get3A_794 = arith.index_cast %scan3A_662 : i32 to index
          %get3A_795 = arith.constant 112 : index
          %get3A_796 = tpu.vector_load %arg10[%get3A_794, %get3A_795] {strides = array<i32>} : memref<128x128xf32, #tpu.memory_space<vmem>>, vector<1x16xf32>,
          %get3A_797 = vector.shape_cast %get3A_796 : vector<1x16xf32> to vector<16xf32>
          %get3A_798 = arith.index_cast %scan3A_662 : i32 to index
          %get3A_799 = arith.constant 112 : index
          %get3A_800 = tpu.vector_load %arg13[%get3A_798, %get3A_799] {strides = array<i32>} : memref<128x128xf32, #tpu.memory_space<vmem>>, vector<1x16xf32>,
          %get3A_801 = vector.shape_cast %get3A_800 : vector<1x16xf32> to vector<16xf32>
          %add3A_802 = arith.addf %get3A_797, %get3A_801 : vector<16xf32>
          %get3A_803 = arith.index_cast %scan3A_662 : i32 to index
          %get3A_804 = arith.constant 112 : index
          %get3A_805 = tpu.vector_load %arg14[%get3A_803, %get3A_804] {strides = array<i32>} : memref<128x128xf32, #tpu.memory_space<vmem>>, vector<1x16xf32>,
          %get3A_806 = vector.shape_cast %get3A_805 : vector<1x16xf32> to vector<16xf32>
          %add3A_807 = arith.addf %add3A_802, %get3A_806 : vector<16xf32>
          %swap3A_808 = arith.index_cast %scan3A_662 : i32 to index
          %swap3A_809 = arith.constant 112 : index
          %swap3A_810 = tpu.vector_load %arg10[%swap3A_808, %swap3A_809] {strides = array<i32>} : memref<128x128xf32, #tpu.memory_space<vmem>>, vector<1x16xf32>,
          %swap3A_811 = vector.shape_cast %swap3A_810 : vector<1x16xf32> to vector<16xf32>
          %swap3A_812 = vector.shape_cast %add3A_807 : vector<16xf32> to vector<1x16xf32>
          tpu.vector_store %arg10[%swap3A_808, %swap3A_809], %swap3A_812 {strides = array<i32>} : memref<128x128xf32, #tpu.memory_space<vmem>>, vector<1x16xf32>,
        }
        %scan3A_651 = arith.constant 128 : i32
        %mul3A_652 = arith.constant 32 : i32
        %mul3A_653 = arith.muli %add3A_75, %mul3A_652 : i32
        %add3A_654 = arith.addi %mul3A_653, %add3A : i32
        %mul3A_655 = arith.constant 128 : i32
        %mul3A_656 = arith.muli %add3A_654, %mul3A_655 : i32
        %min3A = arith.constant 99872 : i32
        %min3A_657 = arith.minsi %mul3A_656, %min3A : i32
        %dma_start3A_658 = arith.constant 0 : i32
        %dma_start3A_659 = tpu.memref_slice %arg7[%min3A_657, %dma_start3A_658] : memref<100000x128xf32, #tpu.memory_space<hbm>> -> memref<128x128xf32, #tpu.memory_space<hbm>>
        %dma_start3A_660 = arith.constant 0 : i32
        %dma_start3A_661 = tpu.memref_slice %arg7[%min3A_657, %dma_start3A_660] : memref<100000x128xf32, #tpu.memory_space<hbm>> -> memref<128x128xf32, #tpu.memory_space<hbm>>
        tpu.enqueue_dma source(%arg10 : memref<128x128xf32, #tpu.memory_space<vmem>>) target(%dma_start3A_661 : memref<128x128xf32, #tpu.memory_space<hbm>>) target_semaphore(%arg24 : memref<!tpu.dma_semaphore, #tpu.memory_space<semaphore_mem>>)
      } else {
      }
      %mul3A_166 = arith.constant 6 : i32
      %mul3A_167 = arith.muli %mul3A_166, %scan3A_71 : i32
      %add3A_168 = arith.constant 1 : i32
      %add3A_169 = arith.addi %mul3A_167, %add3A_168 : i32
      %sub3A_170 = arith.constant 2 : i32
      %sub3A_171 = arith.subi %add3A_169, %sub3A_170 : i32
      %ge3A_172 = arith.constant 0 : i32
      %ge3A_173 = arith.cmpi sge, %sub3A_171, %ge3A_172 : i32
      %lt3A_174 = arith.constant 25 : i32
      %lt3A_175 = arith.cmpi slt, %sub3A_171, %lt3A_174 : i32
      %and3A_176 = arith.andi %ge3A_173, %lt3A_175 : i1
      %mul3A_177 = arith.constant 32 : i32
      %mul3A_178 = arith.muli %sub3A_171, %mul3A_177 : i32
      %add3A_179 = arith.addi %mul3A_178, %add3A : i32
      %lt3A_180 = arith.constant 782 : i32
      %lt3A_181 = arith.cmpi slt, %add3A_179, %lt3A_180 : i32
      %and3A_182 = arith.andi %and3A_176, %lt3A_181 : i1
      %convert_element_type3A_183 = arith.extui %and3A_182 : i1 to i32
      %cond3A_184 = arith.constant 0 : i32
      %cond3A_185 = arith.cmpi ne, %convert_element_type3A_183, %cond3A_184 : i32
      scf.if %cond3A_185 {
        %dma_wait3A_646 = arith.constant 0 : i32
        %dma_wait3A_647 = arith.constant 0 : i32
        %dma_wait3A_648 = tpu.memref_slice %arg7[%dma_wait3A_646, %dma_wait3A_647] : memref<100000x128xf32, #tpu.memory_space<hbm>> -> memref<128x128xf32, #tpu.memory_space<hbm>>
        %dma_wait3A_649 = arith.constant 0 : i32
        %dma_wait3A_650 = arith.constant 0 : i32
        %dma_wait3A_651 = tpu.memref_slice %arg7[%dma_wait3A_649, %dma_wait3A_650] : memref<100000x128xf32, #tpu.memory_space<hbm>> -> memref<128x128xf32, #tpu.memory_space<hbm>>
        tpu.wait_dma2 semaphore(%arg26 : memref<!tpu.dma_semaphore, #tpu.memory_space<semaphore_mem>>) src(%arg12 : memref<128x128xf32, #tpu.memory_space<vmem>>) dst(%dma_wait3A_651 : memref<128x128xf32, #tpu.memory_space<hbm>>)
      } else {
      }
      %add3A_186 = arith.constant 1 : i32
      %add3A_187 = arith.addi %add3A_169, %add3A_186 : i32
      %ge3A_188 = arith.constant 0 : i32
      %ge3A_189 = arith.cmpi sge, %add3A_187, %ge3A_188 : i32
      %lt3A_190 = arith.constant 25 : i32
      %lt3A_191 = arith.cmpi slt, %add3A_187, %lt3A_190 : i32
      %and3A_192 = arith.andi %ge3A_189, %lt3A_191 : i1
      %mul3A_193 = arith.constant 32 : i32
      %mul3A_194 = arith.muli %add3A_187, %mul3A_193 : i32
      %add3A_195 = arith.addi %mul3A_194, %add3A : i32
      %lt3A_196 = arith.constant 782 : i32
      %lt3A_197 = arith.cmpi slt, %add3A_195, %lt3A_196 : i32
      %and3A_198 = arith.andi %and3A_192, %lt3A_197 : i1
      %convert_element_type3A_199 = arith.extui %and3A_198 : i1 to i32
      %cond3A_200 = arith.constant 0 : i32
      %cond3A_201 = arith.cmpi ne, %convert_element_type3A_199, %cond3A_200 : i32
      scf.if %cond3A_201 {
        %add3A_646 = arith.constant 1 : i32
        %add3A_647 = arith.addi %add3A_169, %add3A_646 : i32
        %mul3A_648 = arith.constant 32 : i32
        %mul3A_649 = arith.muli %add3A_647, %mul3A_648 : i32
        %add3A_650 = arith.addi %mul3A_649, %add3A : i32
        %mul3A_651 = arith.constant 128 : i32
        %mul3A_652 = arith.muli %add3A_650, %mul3A_651 : i32
        %min3A = arith.constant 99872 : i32
        %min3A_653 = arith.minsi %mul3A_652, %min3A : i32
        %dma_start3A_654 = arith.constant 0 : i32
        %dma_start3A_655 = tpu.memref_slice %arg2[%min3A_653, %dma_start3A_654] : memref<100000x128xf32, #tpu.memory_space<hbm>> -> memref<128x128xf32, #tpu.memory_space<hbm>>
        %dma_start3A_656 = arith.constant 0 : i32
        %dma_start3A_657 = tpu.memref_slice %arg2[%min3A_653, %dma_start3A_656] : memref<100000x128xf32, #tpu.memory_space<hbm>> -> memref<128x128xf32, #tpu.memory_space<hbm>>
        tpu.enqueue_dma source(%dma_start3A_657 : memref<128x128xf32, #tpu.memory_space<hbm>>) target(%arg12 : memref<128x128xf32, #tpu.memory_space<vmem>>) target_semaphore(%arg23 : memref<!tpu.dma_semaphore, #tpu.memory_space<semaphore_mem>>)
      } else {
      }
      %add3A_202 = arith.constant 1 : i32
      %add3A_203 = arith.addi %add3A_169, %add3A_202 : i32
      %ge3A_204 = arith.constant 0 : i32
      %ge3A_205 = arith.cmpi sge, %add3A_203, %ge3A_204 : i32
      %lt3A_206 = arith.constant 25 : i32
      %lt3A_207 = arith.cmpi slt, %add3A_203, %lt3A_206 : i32
      %and3A_208 = arith.andi %ge3A_205, %lt3A_207 : i1
      %mul3A_209 = arith.constant 32 : i32
      %mul3A_210 = arith.muli %add3A_203, %mul3A_209 : i32
      %add3A_211 = arith.addi %mul3A_210, %add3A : i32
      %lt3A_212 = arith.constant 782 : i32
      %lt3A_213 = arith.cmpi slt, %add3A_211, %lt3A_212 : i32
      %and3A_214 = arith.andi %and3A_208, %lt3A_213 : i1
      %convert_element_type3A_215 = arith.extui %and3A_214 : i1 to i32
      %cond3A_216 = arith.constant 0 : i32
      %cond3A_217 = arith.cmpi ne, %convert_element_type3A_215, %cond3A_216 : i32
      scf.if %cond3A_217 {
        %dma_wait3A_646 = arith.constant 0 : i32
        %dma_wait3A_647 = tpu.memref_slice %arg3[%dma_wait3A_646] : memref<100000xi32, #tpu.memory_space<hbm>> -> memref<128xi32, #tpu.memory_space<hbm>>
        %dma_wait3A_648 = arith.constant 0 : i32
        %dma_wait3A_649 = tpu.memref_slice %arg3[%dma_wait3A_648] : memref<100000xi32, #tpu.memory_space<hbm>> -> memref<128xi32, #tpu.memory_space<hbm>>
        tpu.wait_dma2 semaphore(%arg29 : memref<!tpu.dma_semaphore, #tpu.memory_space<semaphore_mem>>) src(%dma_wait3A_649 : memref<128xi32, #tpu.memory_space<hbm>>) dst(%arg15 : memref<128xi32, #tpu.memory_space<vmem>>)
        %dma_wait3A_650 = arith.constant 0 : i32
        %dma_wait3A_651 = tpu.memref_slice %arg4[%dma_wait3A_650] : memref<100000xi32, #tpu.memory_space<hbm>> -> memref<128xi32, #tpu.memory_space<hbm>>
        %dma_wait3A_652 = arith.constant 0 : i32
        %dma_wait3A_653 = tpu.memref_slice %arg4[%dma_wait3A_652] : memref<100000xi32, #tpu.memory_space<hbm>> -> memref<128xi32, #tpu.memory_space<hbm>>
        tpu.wait_dma2 semaphore(%arg29 : memref<!tpu.dma_semaphore, #tpu.memory_space<semaphore_mem>>) src(%dma_wait3A_653 : memref<128xi32, #tpu.memory_space<hbm>>) dst(%arg16 : memref<128xi32, #tpu.memory_space<vmem>>)
        %dma_start3A_654 = arith.constant 0 : i32
        %dma_start3A_655 = arith.constant 0 : i32
        %dma_start3A_656 = tpu.memref_slice %arg8[%dma_start3A_654, %dma_start3A_655] : memref<512x128xf32, #tpu.memory_space<vmem_shared>> -> memref<512x128xf32, #tpu.memory_space<vmem_shared>>
        tpu.enqueue_indirect_dma source(%dma_start3A_656 : memref<512x128xf32, #tpu.memory_space<vmem_shared>>) target(%arg13 : memref<128x128xf32, #tpu.memory_space<vmem>>) offsets(%arg15 : memref<128xi32, #tpu.memory_space<vmem>>) semaphore(%arg27 : memref<!tpu.dma_semaphore, #tpu.memory_space<semaphore_mem>>)
        %dma_start3A_657 = arith.constant 0 : i32
        %dma_start3A_658 = arith.constant 0 : i32
        %dma_start3A_659 = tpu.memref_slice %arg9[%dma_start3A_657, %dma_start3A_658] : memref<512x128xf32, #tpu.memory_space<vmem_shared>> -> memref<512x128xf32, #tpu.memory_space<vmem_shared>>
        tpu.enqueue_indirect_dma source(%dma_start3A_659 : memref<512x128xf32, #tpu.memory_space<vmem_shared>>) target(%arg14 : memref<128x128xf32, #tpu.memory_space<vmem>>) offsets(%arg16 : memref<128xi32, #tpu.memory_space<vmem>>) semaphore(%arg27 : memref<!tpu.dma_semaphore, #tpu.memory_space<semaphore_mem>>)
      } else {
      }
      %ge3A_218 = arith.constant 0 : i32
      %ge3A_219 = arith.cmpi sge, %add3A_169, %ge3A_218 : i32
      %lt3A_220 = arith.constant 25 : i32
      %lt3A_221 = arith.cmpi slt, %add3A_169, %lt3A_220 : i32
      %and3A_222 = arith.andi %ge3A_219, %lt3A_221 : i1
      %mul3A_223 = arith.constant 32 : i32
      %mul3A_224 = arith.muli %add3A_169, %mul3A_223 : i32
      %add3A_225 = arith.addi %mul3A_224, %add3A : i32
      %lt3A_226 = arith.constant 782 : i32
      %lt3A_227 = arith.cmpi slt, %add3A_225, %lt3A_226 : i32
      %and3A_228 = arith.andi %and3A_222, %lt3A_227 : i1
      %convert_element_type3A_229 = arith.extui %and3A_228 : i1 to i32
      %cond3A_230 = arith.constant 0 : i32
      %cond3A_231 = arith.cmpi ne, %convert_element_type3A_229, %cond3A_230 : i32
      scf.if %cond3A_231 {
        %dma_wait3A_646 = arith.constant 0 : i32
        %dma_wait3A_647 = arith.constant 0 : i32
        %dma_wait3A_648 = tpu.memref_slice %arg2[%dma_wait3A_646, %dma_wait3A_647] : memref<100000x128xf32, #tpu.memory_space<hbm>> -> memref<128x128xf32, #tpu.memory_space<hbm>>
        %dma_wait3A_649 = arith.constant 0 : i32
        %dma_wait3A_650 = arith.constant 0 : i32
        %dma_wait3A_651 = tpu.memref_slice %arg2[%dma_wait3A_649, %dma_wait3A_650] : memref<100000x128xf32, #tpu.memory_space<hbm>> -> memref<128x128xf32, #tpu.memory_space<hbm>>
        tpu.wait_dma2 semaphore(%arg22 : memref<!tpu.dma_semaphore, #tpu.memory_space<semaphore_mem>>) src(%dma_wait3A_651 : memref<128x128xf32, #tpu.memory_space<hbm>>) dst(%arg11 : memref<128x128xf32, #tpu.memory_space<vmem>>)
        %dma_wait3A_652 = arith.constant 0 : i32
        %dma_wait3A_653 = arith.constant 0 : i32
        %dma_wait3A_654 = tpu.memref_slice %arg8[%dma_wait3A_652, %dma_wait3A_653] : memref<512x128xf32, #tpu.memory_space<vmem_shared>> -> memref<128x128xf32, #tpu.memory_space<vmem_shared>>
        %dma_wait3A_655 = arith.constant 0 : i32
        %dma_wait3A_656 = arith.constant 0 : i32
        %dma_wait3A_657 = tpu.memref_slice %arg8[%dma_wait3A_655, %dma_wait3A_656] : memref<512x128xf32, #tpu.memory_space<vmem_shared>> -> memref<128x128xf32, #tpu.memory_space<vmem_shared>>
        tpu.wait_dma2 semaphore(%arg28 : memref<!tpu.dma_semaphore, #tpu.memory_space<semaphore_mem>>) src(%dma_wait3A_657 : memref<128x128xf32, #tpu.memory_space<vmem_shared>>) dst(%arg17 : memref<128x128xf32, #tpu.memory_space<vmem>>)
        %dma_wait3A_658 = arith.constant 0 : i32
        %dma_wait3A_659 = arith.constant 0 : i32
        %dma_wait3A_660 = tpu.memref_slice %arg9[%dma_wait3A_658, %dma_wait3A_659] : memref<512x128xf32, #tpu.memory_space<vmem_shared>> -> memref<128x128xf32, #tpu.memory_space<vmem_shared>>
        %dma_wait3A_661 = arith.constant 0 : i32
        %dma_wait3A_662 = arith.constant 0 : i32
        %dma_wait3A_663 = tpu.memref_slice %arg9[%dma_wait3A_661, %dma_wait3A_662] : memref<512x128xf32, #tpu.memory_space<vmem_shared>> -> memref<128x128xf32, #tpu.memory_space<vmem_shared>>
        tpu.wait_dma2 semaphore(%arg28 : memref<!tpu.dma_semaphore, #tpu.memory_space<semaphore_mem>>) src(%dma_wait3A_663 : memref<128x128xf32, #tpu.memory_space<vmem_shared>>) dst(%arg18 : memref<128x128xf32, #tpu.memory_space<vmem>>)
      } else {
      }
      %add3A_232 = arith.constant 2 : i32
      %add3A_233 = arith.addi %add3A_169, %add3A_232 : i32
      %ge3A_234 = arith.constant 0 : i32
      %ge3A_235 = arith.cmpi sge, %add3A_233, %ge3A_234 : i32
      %lt3A_236 = arith.constant 25 : i32
      %lt3A_237 = arith.cmpi slt, %add3A_233, %lt3A_236 : i32
      %and3A_238 = arith.andi %ge3A_235, %lt3A_237 : i1
      %mul3A_239 = arith.constant 32 : i32
      %mul3A_240 = arith.muli %add3A_233, %mul3A_239 : i32
      %add3A_241 = arith.addi %mul3A_240, %add3A : i32
      %lt3A_242 = arith.constant 782 : i32
      %lt3A_243 = arith.cmpi slt, %add3A_241, %lt3A_242 : i32
      %and3A_244 = arith.andi %and3A_238, %lt3A_243 : i1
      %convert_element_type3A_245 = arith.extui %and3A_244 : i1 to i32
      %cond3A_246 = arith.constant 0 : i32
      %cond3A_247 = arith.cmpi ne, %convert_element_type3A_245, %cond3A_246 : i32
      scf.if %cond3A_247 {
        %add3A_646 = arith.constant 2 : i32
        %add3A_647 = arith.addi %add3A_169, %add3A_646 : i32
        %mul3A_648 = arith.constant 32 : i32
        %mul3A_649 = arith.muli %add3A_647, %mul3A_648 : i32
        %add3A_650 = arith.addi %mul3A_649, %add3A : i32
        %mul3A_651 = arith.constant 128 : i32
        %mul3A_652 = arith.muli %add3A_650, %mul3A_651 : i32
        %min3A = arith.constant 99872 : i32
        %min3A_653 = arith.minsi %mul3A_652, %min3A : i32
        %dma_start3A_654 = tpu.memref_slice %arg3[%min3A_653] : memref<100000xi32, #tpu.memory_space<hbm>> -> memref<128xi32, #tpu.memory_space<hbm>>
        %dma_start3A_655 = tpu.memref_slice %arg3[%min3A_653] : memref<100000xi32, #tpu.memory_space<hbm>> -> memref<128xi32, #tpu.memory_space<hbm>>
        tpu.enqueue_dma source(%dma_start3A_655 : memref<128xi32, #tpu.memory_space<hbm>>) target(%arg19 : memref<128xi32, #tpu.memory_space<vmem>>) target_semaphore(%arg30 : memref<!tpu.dma_semaphore, #tpu.memory_space<semaphore_mem>>)
        %dma_start3A_656 = tpu.memref_slice %arg4[%min3A_653] : memref<100000xi32, #tpu.memory_space<hbm>> -> memref<128xi32, #tpu.memory_space<hbm>>
        %dma_start3A_657 = tpu.memref_slice %arg4[%min3A_653] : memref<100000xi32, #tpu.memory_space<hbm>> -> memref<128xi32, #tpu.memory_space<hbm>>
        tpu.enqueue_dma source(%dma_start3A_657 : memref<128xi32, #tpu.memory_space<hbm>>) target(%arg20 : memref<128xi32, #tpu.memory_space<vmem>>) target_semaphore(%arg30 : memref<!tpu.dma_semaphore, #tpu.memory_space<semaphore_mem>>)
      } else {
      }
      %ge3A_248 = arith.constant 0 : i32
      %ge3A_249 = arith.cmpi sge, %add3A_169, %ge3A_248 : i32
      %lt3A_250 = arith.constant 25 : i32
      %lt3A_251 = arith.cmpi slt, %add3A_169, %lt3A_250 : i32
      %and3A_252 = arith.andi %ge3A_249, %lt3A_251 : i1
      %mul3A_253 = arith.constant 32 : i32
      %mul3A_254 = arith.muli %add3A_169, %mul3A_253 : i32
      %add3A_255 = arith.addi %mul3A_254, %add3A : i32
      %lt3A_256 = arith.constant 782 : i32
      %lt3A_257 = arith.cmpi slt, %add3A_255, %lt3A_256 : i32
      %and3A_258 = arith.andi %and3A_252, %lt3A_257 : i1
      %convert_element_type3A_259 = arith.extui %and3A_258 : i1 to i32
      %cond3A_260 = arith.constant 0 : i32
      %cond3A_261 = arith.cmpi ne, %convert_element_type3A_259, %cond3A_260 : i32
      scf.if %cond3A_261 {
        %scan3A_646 = arith.constant 0 : i32
        %scan3A_647 = arith.constant 0 : i32
        %scan3A_648 = arith.constant 128 : i32
        %scan3A_649 = arith.addi %scan3A_647, %scan3A_648 : i32
        %scan3A_650 = arith.constant 1 : i32
        scf.for %scan3A_662 = %scan3A_647 to %scan3A_649 step %scan3A_650  : i32 {
          %get3A = arith.index_cast %scan3A_662 : i32 to index
          %get3A_663 = arith.constant 0 : index
          %get3A_664 = tpu.vector_load %arg11[%get3A, %get3A_663] {strides = array<i32>} : memref<128x128xf32, #tpu.memory_space<vmem>>, vector<1x16xf32>,
          %get3A_665 = vector.shape_cast %get3A_664 : vector<1x16xf32> to vector<16xf32>
          %get3A_666 = arith.index_cast %scan3A_662 : i32 to index
          %get3A_667 = arith.constant 0 : index
          %get3A_668 = tpu.vector_load %arg17[%get3A_666, %get3A_667] {strides = array<i32>} : memref<128x128xf32, #tpu.memory_space<vmem>>, vector<1x16xf32>,
          %get3A_669 = vector.shape_cast %get3A_668 : vector<1x16xf32> to vector<16xf32>
          %add3A_670 = arith.addf %get3A_665, %get3A_669 : vector<16xf32>
          %get3A_671 = arith.index_cast %scan3A_662 : i32 to index
          %get3A_672 = arith.constant 0 : index
          %get3A_673 = tpu.vector_load %arg18[%get3A_671, %get3A_672] {strides = array<i32>} : memref<128x128xf32, #tpu.memory_space<vmem>>, vector<1x16xf32>,
          %get3A_674 = vector.shape_cast %get3A_673 : vector<1x16xf32> to vector<16xf32>
          %add3A_675 = arith.addf %add3A_670, %get3A_674 : vector<16xf32>
          %swap3A = arith.index_cast %scan3A_662 : i32 to index
          %swap3A_676 = arith.constant 0 : index
          %swap3A_677 = tpu.vector_load %arg11[%swap3A, %swap3A_676] {strides = array<i32>} : memref<128x128xf32, #tpu.memory_space<vmem>>, vector<1x16xf32>,
          %swap3A_678 = vector.shape_cast %swap3A_677 : vector<1x16xf32> to vector<16xf32>
          %swap3A_679 = vector.shape_cast %add3A_675 : vector<16xf32> to vector<1x16xf32>
          tpu.vector_store %arg11[%swap3A, %swap3A_676], %swap3A_679 {strides = array<i32>} : memref<128x128xf32, #tpu.memory_space<vmem>>, vector<1x16xf32>,
          %get3A_680 = arith.index_cast %scan3A_662 : i32 to index
          %get3A_681 = arith.constant 16 : index
          %get3A_682 = tpu.vector_load %arg11[%get3A_680, %get3A_681] {strides = array<i32>} : memref<128x128xf32, #tpu.memory_space<vmem>>, vector<1x16xf32>,
          %get3A_683 = vector.shape_cast %get3A_682 : vector<1x16xf32> to vector<16xf32>
          %get3A_684 = arith.index_cast %scan3A_662 : i32 to index
          %get3A_685 = arith.constant 16 : index
          %get3A_686 = tpu.vector_load %arg17[%get3A_684, %get3A_685] {strides = array<i32>} : memref<128x128xf32, #tpu.memory_space<vmem>>, vector<1x16xf32>,
          %get3A_687 = vector.shape_cast %get3A_686 : vector<1x16xf32> to vector<16xf32>
          %add3A_688 = arith.addf %get3A_683, %get3A_687 : vector<16xf32>
          %get3A_689 = arith.index_cast %scan3A_662 : i32 to index
          %get3A_690 = arith.constant 16 : index
          %get3A_691 = tpu.vector_load %arg18[%get3A_689, %get3A_690] {strides = array<i32>} : memref<128x128xf32, #tpu.memory_space<vmem>>, vector<1x16xf32>,
          %get3A_692 = vector.shape_cast %get3A_691 : vector<1x16xf32> to vector<16xf32>
          %add3A_693 = arith.addf %add3A_688, %get3A_692 : vector<16xf32>
          %swap3A_694 = arith.index_cast %scan3A_662 : i32 to index
          %swap3A_695 = arith.constant 16 : index
          %swap3A_696 = tpu.vector_load %arg11[%swap3A_694, %swap3A_695] {strides = array<i32>} : memref<128x128xf32, #tpu.memory_space<vmem>>, vector<1x16xf32>,
          %swap3A_697 = vector.shape_cast %swap3A_696 : vector<1x16xf32> to vector<16xf32>
          %swap3A_698 = vector.shape_cast %add3A_693 : vector<16xf32> to vector<1x16xf32>
          tpu.vector_store %arg11[%swap3A_694, %swap3A_695], %swap3A_698 {strides = array<i32>} : memref<128x128xf32, #tpu.memory_space<vmem>>, vector<1x16xf32>,
          %get3A_699 = arith.index_cast %scan3A_662 : i32 to index
          %get3A_700 = arith.constant 32 : index
          %get3A_701 = tpu.vector_load %arg11[%get3A_699, %get3A_700] {strides = array<i32>} : memref<128x128xf32, #tpu.memory_space<vmem>>, vector<1x16xf32>,
          %get3A_702 = vector.shape_cast %get3A_701 : vector<1x16xf32> to vector<16xf32>
          %get3A_703 = arith.index_cast %scan3A_662 : i32 to index
          %get3A_704 = arith.constant 32 : index
          %get3A_705 = tpu.vector_load %arg17[%get3A_703, %get3A_704] {strides = array<i32>} : memref<128x128xf32, #tpu.memory_space<vmem>>, vector<1x16xf32>,
          %get3A_706 = vector.shape_cast %get3A_705 : vector<1x16xf32> to vector<16xf32>
          %add3A_707 = arith.addf %get3A_702, %get3A_706 : vector<16xf32>
          %get3A_708 = arith.index_cast %scan3A_662 : i32 to index
          %get3A_709 = arith.constant 32 : index
          %get3A_710 = tpu.vector_load %arg18[%get3A_708, %get3A_709] {strides = array<i32>} : memref<128x128xf32, #tpu.memory_space<vmem>>, vector<1x16xf32>,
          %get3A_711 = vector.shape_cast %get3A_710 : vector<1x16xf32> to vector<16xf32>
          %add3A_712 = arith.addf %add3A_707, %get3A_711 : vector<16xf32>
          %swap3A_713 = arith.index_cast %scan3A_662 : i32 to index
          %swap3A_714 = arith.constant 32 : index
          %swap3A_715 = tpu.vector_load %arg11[%swap3A_713, %swap3A_714] {strides = array<i32>} : memref<128x128xf32, #tpu.memory_space<vmem>>, vector<1x16xf32>,
          %swap3A_716 = vector.shape_cast %swap3A_715 : vector<1x16xf32> to vector<16xf32>
          %swap3A_717 = vector.shape_cast %add3A_712 : vector<16xf32> to vector<1x16xf32>
          tpu.vector_store %arg11[%swap3A_713, %swap3A_714], %swap3A_717 {strides = array<i32>} : memref<128x128xf32, #tpu.memory_space<vmem>>, vector<1x16xf32>,
          %get3A_718 = arith.index_cast %scan3A_662 : i32 to index
          %get3A_719 = arith.constant 48 : index
          %get3A_720 = tpu.vector_load %arg11[%get3A_718, %get3A_719] {strides = array<i32>} : memref<128x128xf32, #tpu.memory_space<vmem>>, vector<1x16xf32>,
          %get3A_721 = vector.shape_cast %get3A_720 : vector<1x16xf32> to vector<16xf32>
          %get3A_722 = arith.index_cast %scan3A_662 : i32 to index
          %get3A_723 = arith.constant 48 : index
          %get3A_724 = tpu.vector_load %arg17[%get3A_722, %get3A_723] {strides = array<i32>} : memref<128x128xf32, #tpu.memory_space<vmem>>, vector<1x16xf32>,
          %get3A_725 = vector.shape_cast %get3A_724 : vector<1x16xf32> to vector<16xf32>
          %add3A_726 = arith.addf %get3A_721, %get3A_725 : vector<16xf32>
          %get3A_727 = arith.index_cast %scan3A_662 : i32 to index
          %get3A_728 = arith.constant 48 : index
          %get3A_729 = tpu.vector_load %arg18[%get3A_727, %get3A_728] {strides = array<i32>} : memref<128x128xf32, #tpu.memory_space<vmem>>, vector<1x16xf32>,
          %get3A_730 = vector.shape_cast %get3A_729 : vector<1x16xf32> to vector<16xf32>
          %add3A_731 = arith.addf %add3A_726, %get3A_730 : vector<16xf32>
          %swap3A_732 = arith.index_cast %scan3A_662 : i32 to index
          %swap3A_733 = arith.constant 48 : index
          %swap3A_734 = tpu.vector_load %arg11[%swap3A_732, %swap3A_733] {strides = array<i32>} : memref<128x128xf32, #tpu.memory_space<vmem>>, vector<1x16xf32>,
          %swap3A_735 = vector.shape_cast %swap3A_734 : vector<1x16xf32> to vector<16xf32>
          %swap3A_736 = vector.shape_cast %add3A_731 : vector<16xf32> to vector<1x16xf32>
          tpu.vector_store %arg11[%swap3A_732, %swap3A_733], %swap3A_736 {strides = array<i32>} : memref<128x128xf32, #tpu.memory_space<vmem>>, vector<1x16xf32>,
          %get3A_737 = arith.index_cast %scan3A_662 : i32 to index
          %get3A_738 = arith.constant 64 : index
          %get3A_739 = tpu.vector_load %arg11[%get3A_737, %get3A_738] {strides = array<i32>} : memref<128x128xf32, #tpu.memory_space<vmem>>, vector<1x16xf32>,
          %get3A_740 = vector.shape_cast %get3A_739 : vector<1x16xf32> to vector<16xf32>
          %get3A_741 = arith.index_cast %scan3A_662 : i32 to index
          %get3A_742 = arith.constant 64 : index
          %get3A_743 = tpu.vector_load %arg17[%get3A_741, %get3A_742] {strides = array<i32>} : memref<128x128xf32, #tpu.memory_space<vmem>>, vector<1x16xf32>,
          %get3A_744 = vector.shape_cast %get3A_743 : vector<1x16xf32> to vector<16xf32>
          %add3A_745 = arith.addf %get3A_740, %get3A_744 : vector<16xf32>
          %get3A_746 = arith.index_cast %scan3A_662 : i32 to index
          %get3A_747 = arith.constant 64 : index
          %get3A_748 = tpu.vector_load %arg18[%get3A_746, %get3A_747] {strides = array<i32>} : memref<128x128xf32, #tpu.memory_space<vmem>>, vector<1x16xf32>,
          %get3A_749 = vector.shape_cast %get3A_748 : vector<1x16xf32> to vector<16xf32>
          %add3A_750 = arith.addf %add3A_745, %get3A_749 : vector<16xf32>
          %swap3A_751 = arith.index_cast %scan3A_662 : i32 to index
          %swap3A_752 = arith.constant 64 : index
          %swap3A_753 = tpu.vector_load %arg11[%swap3A_751, %swap3A_752] {strides = array<i32>} : memref<128x128xf32, #tpu.memory_space<vmem>>, vector<1x16xf32>,
          %swap3A_754 = vector.shape_cast %swap3A_753 : vector<1x16xf32> to vector<16xf32>
          %swap3A_755 = vector.shape_cast %add3A_750 : vector<16xf32> to vector<1x16xf32>
          tpu.vector_store %arg11[%swap3A_751, %swap3A_752], %swap3A_755 {strides = array<i32>} : memref<128x128xf32, #tpu.memory_space<vmem>>, vector<1x16xf32>,
          %get3A_756 = arith.index_cast %scan3A_662 : i32 to index
          %get3A_757 = arith.constant 80 : index
          %get3A_758 = tpu.vector_load %arg11[%get3A_756, %get3A_757] {strides = array<i32>} : memref<128x128xf32, #tpu.memory_space<vmem>>, vector<1x16xf32>,
          %get3A_759 = vector.shape_cast %get3A_758 : vector<1x16xf32> to vector<16xf32>
          %get3A_760 = arith.index_cast %scan3A_662 : i32 to index
          %get3A_761 = arith.constant 80 : index
          %get3A_762 = tpu.vector_load %arg17[%get3A_760, %get3A_761] {strides = array<i32>} : memref<128x128xf32, #tpu.memory_space<vmem>>, vector<1x16xf32>,
          %get3A_763 = vector.shape_cast %get3A_762 : vector<1x16xf32> to vector<16xf32>
          %add3A_764 = arith.addf %get3A_759, %get3A_763 : vector<16xf32>
          %get3A_765 = arith.index_cast %scan3A_662 : i32 to index
          %get3A_766 = arith.constant 80 : index
          %get3A_767 = tpu.vector_load %arg18[%get3A_765, %get3A_766] {strides = array<i32>} : memref<128x128xf32, #tpu.memory_space<vmem>>, vector<1x16xf32>,
          %get3A_768 = vector.shape_cast %get3A_767 : vector<1x16xf32> to vector<16xf32>
          %add3A_769 = arith.addf %add3A_764, %get3A_768 : vector<16xf32>
          %swap3A_770 = arith.index_cast %scan3A_662 : i32 to index
          %swap3A_771 = arith.constant 80 : index
          %swap3A_772 = tpu.vector_load %arg11[%swap3A_770, %swap3A_771] {strides = array<i32>} : memref<128x128xf32, #tpu.memory_space<vmem>>, vector<1x16xf32>,
          %swap3A_773 = vector.shape_cast %swap3A_772 : vector<1x16xf32> to vector<16xf32>
          %swap3A_774 = vector.shape_cast %add3A_769 : vector<16xf32> to vector<1x16xf32>
          tpu.vector_store %arg11[%swap3A_770, %swap3A_771], %swap3A_774 {strides = array<i32>} : memref<128x128xf32, #tpu.memory_space<vmem>>, vector<1x16xf32>,
          %get3A_775 = arith.index_cast %scan3A_662 : i32 to index
          %get3A_776 = arith.constant 96 : index
          %get3A_777 = tpu.vector_load %arg11[%get3A_775, %get3A_776] {strides = array<i32>} : memref<128x128xf32, #tpu.memory_space<vmem>>, vector<1x16xf32>,
          %get3A_778 = vector.shape_cast %get3A_777 : vector<1x16xf32> to vector<16xf32>
          %get3A_779 = arith.index_cast %scan3A_662 : i32 to index
          %get3A_780 = arith.constant 96 : index
          %get3A_781 = tpu.vector_load %arg17[%get3A_779, %get3A_780] {strides = array<i32>} : memref<128x128xf32, #tpu.memory_space<vmem>>, vector<1x16xf32>,
          %get3A_782 = vector.shape_cast %get3A_781 : vector<1x16xf32> to vector<16xf32>
          %add3A_783 = arith.addf %get3A_778, %get3A_782 : vector<16xf32>
          %get3A_784 = arith.index_cast %scan3A_662 : i32 to index
          %get3A_785 = arith.constant 96 : index
          %get3A_786 = tpu.vector_load %arg18[%get3A_784, %get3A_785] {strides = array<i32>} : memref<128x128xf32, #tpu.memory_space<vmem>>, vector<1x16xf32>,
          %get3A_787 = vector.shape_cast %get3A_786 : vector<1x16xf32> to vector<16xf32>
          %add3A_788 = arith.addf %add3A_783, %get3A_787 : vector<16xf32>
          %swap3A_789 = arith.index_cast %scan3A_662 : i32 to index
          %swap3A_790 = arith.constant 96 : index
          %swap3A_791 = tpu.vector_load %arg11[%swap3A_789, %swap3A_790] {strides = array<i32>} : memref<128x128xf32, #tpu.memory_space<vmem>>, vector<1x16xf32>,
          %swap3A_792 = vector.shape_cast %swap3A_791 : vector<1x16xf32> to vector<16xf32>
          %swap3A_793 = vector.shape_cast %add3A_788 : vector<16xf32> to vector<1x16xf32>
          tpu.vector_store %arg11[%swap3A_789, %swap3A_790], %swap3A_793 {strides = array<i32>} : memref<128x128xf32, #tpu.memory_space<vmem>>, vector<1x16xf32>,
          %get3A_794 = arith.index_cast %scan3A_662 : i32 to index
          %get3A_795 = arith.constant 112 : index
          %get3A_796 = tpu.vector_load %arg11[%get3A_794, %get3A_795] {strides = array<i32>} : memref<128x128xf32, #tpu.memory_space<vmem>>, vector<1x16xf32>,
          %get3A_797 = vector.shape_cast %get3A_796 : vector<1x16xf32> to vector<16xf32>
          %get3A_798 = arith.index_cast %scan3A_662 : i32 to index
          %get3A_799 = arith.constant 112 : index
          %get3A_800 = tpu.vector_load %arg17[%get3A_798, %get3A_799] {strides = array<i32>} : memref<128x128xf32, #tpu.memory_space<vmem>>, vector<1x16xf32>,
          %get3A_801 = vector.shape_cast %get3A_800 : vector<1x16xf32> to vector<16xf32>
          %add3A_802 = arith.addf %get3A_797, %get3A_801 : vector<16xf32>
          %get3A_803 = arith.index_cast %scan3A_662 : i32 to index
          %get3A_804 = arith.constant 112 : index
          %get3A_805 = tpu.vector_load %arg18[%get3A_803, %get3A_804] {strides = array<i32>} : memref<128x128xf32, #tpu.memory_space<vmem>>, vector<1x16xf32>,
          %get3A_806 = vector.shape_cast %get3A_805 : vector<1x16xf32> to vector<16xf32>
          %add3A_807 = arith.addf %add3A_802, %get3A_806 : vector<16xf32>
          %swap3A_808 = arith.index_cast %scan3A_662 : i32 to index
          %swap3A_809 = arith.constant 112 : index
          %swap3A_810 = tpu.vector_load %arg11[%swap3A_808, %swap3A_809] {strides = array<i32>} : memref<128x128xf32, #tpu.memory_space<vmem>>, vector<1x16xf32>,
          %swap3A_811 = vector.shape_cast %swap3A_810 : vector<1x16xf32> to vector<16xf32>
          %swap3A_812 = vector.shape_cast %add3A_807 : vector<16xf32> to vector<1x16xf32>
          tpu.vector_store %arg11[%swap3A_808, %swap3A_809], %swap3A_812 {strides = array<i32>} : memref<128x128xf32, #tpu.memory_space<vmem>>, vector<1x16xf32>,
        }
        %scan3A_651 = arith.constant 128 : i32
        %mul3A_652 = arith.constant 32 : i32
        %mul3A_653 = arith.muli %add3A_169, %mul3A_652 : i32
        %add3A_654 = arith.addi %mul3A_653, %add3A : i32
        %mul3A_655 = arith.constant 128 : i32
        %mul3A_656 = arith.muli %add3A_654, %mul3A_655 : i32
        %min3A = arith.constant 99872 : i32
        %min3A_657 = arith.minsi %mul3A_656, %min3A : i32
        %dma_start3A_658 = arith.constant 0 : i32
        %dma_start3A_659 = tpu.memref_slice %arg7[%min3A_657, %dma_start3A_658] : memref<100000x128xf32, #tpu.memory_space<hbm>> -> memref<128x128xf32, #tpu.memory_space<hbm>>
        %dma_start3A_660 = arith.constant 0 : i32
        %dma_start3A_661 = tpu.memref_slice %arg7[%min3A_657, %dma_start3A_660] : memref<100000x128xf32, #tpu.memory_space<hbm>> -> memref<128x128xf32, #tpu.memory_space<hbm>>
        tpu.enqueue_dma source(%arg11 : memref<128x128xf32, #tpu.memory_space<vmem>>) target(%dma_start3A_661 : memref<128x128xf32, #tpu.memory_space<hbm>>) target_semaphore(%arg25 : memref<!tpu.dma_semaphore, #tpu.memory_space<semaphore_mem>>)
      } else {
      }
      %mul3A_262 = arith.constant 6 : i32
      %mul3A_263 = arith.muli %mul3A_262, %scan3A_71 : i32
      %add3A_264 = arith.constant 2 : i32
      %add3A_265 = arith.addi %mul3A_263, %add3A_264 : i32
      %sub3A_266 = arith.constant 2 : i32
      %sub3A_267 = arith.subi %add3A_265, %sub3A_266 : i32
      %ge3A_268 = arith.constant 0 : i32
      %ge3A_269 = arith.cmpi sge, %sub3A_267, %ge3A_268 : i32
      %lt3A_270 = arith.constant 25 : i32
      %lt3A_271 = arith.cmpi slt, %sub3A_267, %lt3A_270 : i32
      %and3A_272 = arith.andi %ge3A_269, %lt3A_271 : i1
      %mul3A_273 = arith.constant 32 : i32
      %mul3A_274 = arith.muli %sub3A_267, %mul3A_273 : i32
      %add3A_275 = arith.addi %mul3A_274, %add3A : i32
      %lt3A_276 = arith.constant 782 : i32
      %lt3A_277 = arith.cmpi slt, %add3A_275, %lt3A_276 : i32
      %and3A_278 = arith.andi %and3A_272, %lt3A_277 : i1
      %convert_element_type3A_279 = arith.extui %and3A_278 : i1 to i32
      %cond3A_280 = arith.constant 0 : i32
      %cond3A_281 = arith.cmpi ne, %convert_element_type3A_279, %cond3A_280 : i32
      scf.if %cond3A_281 {
        %dma_wait3A_646 = arith.constant 0 : i32
        %dma_wait3A_647 = arith.constant 0 : i32
        %dma_wait3A_648 = tpu.memref_slice %arg7[%dma_wait3A_646, %dma_wait3A_647] : memref<100000x128xf32, #tpu.memory_space<hbm>> -> memref<128x128xf32, #tpu.memory_space<hbm>>
        %dma_wait3A_649 = arith.constant 0 : i32
        %dma_wait3A_650 = arith.constant 0 : i32
        %dma_wait3A_651 = tpu.memref_slice %arg7[%dma_wait3A_649, %dma_wait3A_650] : memref<100000x128xf32, #tpu.memory_space<hbm>> -> memref<128x128xf32, #tpu.memory_space<hbm>>
        tpu.wait_dma2 semaphore(%arg24 : memref<!tpu.dma_semaphore, #tpu.memory_space<semaphore_mem>>) src(%arg10 : memref<128x128xf32, #tpu.memory_space<vmem>>) dst(%dma_wait3A_651 : memref<128x128xf32, #tpu.memory_space<hbm>>)
      } else {
      }
      %add3A_282 = arith.constant 1 : i32
      %add3A_283 = arith.addi %add3A_265, %add3A_282 : i32
      %ge3A_284 = arith.constant 0 : i32
      %ge3A_285 = arith.cmpi sge, %add3A_283, %ge3A_284 : i32
      %lt3A_286 = arith.constant 25 : i32
      %lt3A_287 = arith.cmpi slt, %add3A_283, %lt3A_286 : i32
      %and3A_288 = arith.andi %ge3A_285, %lt3A_287 : i1
      %mul3A_289 = arith.constant 32 : i32
      %mul3A_290 = arith.muli %add3A_283, %mul3A_289 : i32
      %add3A_291 = arith.addi %mul3A_290, %add3A : i32
      %lt3A_292 = arith.constant 782 : i32
      %lt3A_293 = arith.cmpi slt, %add3A_291, %lt3A_292 : i32
      %and3A_294 = arith.andi %and3A_288, %lt3A_293 : i1
      %convert_element_type3A_295 = arith.extui %and3A_294 : i1 to i32
      %cond3A_296 = arith.constant 0 : i32
      %cond3A_297 = arith.cmpi ne, %convert_element_type3A_295, %cond3A_296 : i32
      scf.if %cond3A_297 {
        %add3A_646 = arith.constant 1 : i32
        %add3A_647 = arith.addi %add3A_265, %add3A_646 : i32
        %mul3A_648 = arith.constant 32 : i32
        %mul3A_649 = arith.muli %add3A_647, %mul3A_648 : i32
        %add3A_650 = arith.addi %mul3A_649, %add3A : i32
        %mul3A_651 = arith.constant 128 : i32
        %mul3A_652 = arith.muli %add3A_650, %mul3A_651 : i32
        %min3A = arith.constant 99872 : i32
        %min3A_653 = arith.minsi %mul3A_652, %min3A : i32
        %dma_start3A_654 = arith.constant 0 : i32
        %dma_start3A_655 = tpu.memref_slice %arg2[%min3A_653, %dma_start3A_654] : memref<100000x128xf32, #tpu.memory_space<hbm>> -> memref<128x128xf32, #tpu.memory_space<hbm>>
        %dma_start3A_656 = arith.constant 0 : i32
        %dma_start3A_657 = tpu.memref_slice %arg2[%min3A_653, %dma_start3A_656] : memref<100000x128xf32, #tpu.memory_space<hbm>> -> memref<128x128xf32, #tpu.memory_space<hbm>>
        tpu.enqueue_dma source(%dma_start3A_657 : memref<128x128xf32, #tpu.memory_space<hbm>>) target(%arg10 : memref<128x128xf32, #tpu.memory_space<vmem>>) target_semaphore(%arg21 : memref<!tpu.dma_semaphore, #tpu.memory_space<semaphore_mem>>)
      } else {
      }
      %add3A_298 = arith.constant 1 : i32
      %add3A_299 = arith.addi %add3A_265, %add3A_298 : i32
      %ge3A_300 = arith.constant 0 : i32
      %ge3A_301 = arith.cmpi sge, %add3A_299, %ge3A_300 : i32
      %lt3A_302 = arith.constant 25 : i32
      %lt3A_303 = arith.cmpi slt, %add3A_299, %lt3A_302 : i32
      %and3A_304 = arith.andi %ge3A_301, %lt3A_303 : i1
      %mul3A_305 = arith.constant 32 : i32
      %mul3A_306 = arith.muli %add3A_299, %mul3A_305 : i32
      %add3A_307 = arith.addi %mul3A_306, %add3A : i32
      %lt3A_308 = arith.constant 782 : i32
      %lt3A_309 = arith.cmpi slt, %add3A_307, %lt3A_308 : i32
      %and3A_310 = arith.andi %and3A_304, %lt3A_309 : i1
      %convert_element_type3A_311 = arith.extui %and3A_310 : i1 to i32
      %cond3A_312 = arith.constant 0 : i32
      %cond3A_313 = arith.cmpi ne, %convert_element_type3A_311, %cond3A_312 : i32
      scf.if %cond3A_313 {
        %dma_wait3A_646 = arith.constant 0 : i32
        %dma_wait3A_647 = tpu.memref_slice %arg3[%dma_wait3A_646] : memref<100000xi32, #tpu.memory_space<hbm>> -> memref<128xi32, #tpu.memory_space<hbm>>
        %dma_wait3A_648 = arith.constant 0 : i32
        %dma_wait3A_649 = tpu.memref_slice %arg3[%dma_wait3A_648] : memref<100000xi32, #tpu.memory_space<hbm>> -> memref<128xi32, #tpu.memory_space<hbm>>
        tpu.wait_dma2 semaphore(%arg30 : memref<!tpu.dma_semaphore, #tpu.memory_space<semaphore_mem>>) src(%dma_wait3A_649 : memref<128xi32, #tpu.memory_space<hbm>>) dst(%arg19 : memref<128xi32, #tpu.memory_space<vmem>>)
        %dma_wait3A_650 = arith.constant 0 : i32
        %dma_wait3A_651 = tpu.memref_slice %arg4[%dma_wait3A_650] : memref<100000xi32, #tpu.memory_space<hbm>> -> memref<128xi32, #tpu.memory_space<hbm>>
        %dma_wait3A_652 = arith.constant 0 : i32
        %dma_wait3A_653 = tpu.memref_slice %arg4[%dma_wait3A_652] : memref<100000xi32, #tpu.memory_space<hbm>> -> memref<128xi32, #tpu.memory_space<hbm>>
        tpu.wait_dma2 semaphore(%arg30 : memref<!tpu.dma_semaphore, #tpu.memory_space<semaphore_mem>>) src(%dma_wait3A_653 : memref<128xi32, #tpu.memory_space<hbm>>) dst(%arg20 : memref<128xi32, #tpu.memory_space<vmem>>)
        %dma_start3A_654 = arith.constant 0 : i32
        %dma_start3A_655 = arith.constant 0 : i32
        %dma_start3A_656 = tpu.memref_slice %arg8[%dma_start3A_654, %dma_start3A_655] : memref<512x128xf32, #tpu.memory_space<vmem_shared>> -> memref<512x128xf32, #tpu.memory_space<vmem_shared>>
        tpu.enqueue_indirect_dma source(%dma_start3A_656 : memref<512x128xf32, #tpu.memory_space<vmem_shared>>) target(%arg17 : memref<128x128xf32, #tpu.memory_space<vmem>>) offsets(%arg19 : memref<128xi32, #tpu.memory_space<vmem>>) semaphore(%arg28 : memref<!tpu.dma_semaphore, #tpu.memory_space<semaphore_mem>>)
        %dma_start3A_657 = arith.constant 0 : i32
        %dma_start3A_658 = arith.constant 0 : i32
        %dma_start3A_659 = tpu.memref_slice %arg9[%dma_start3A_657, %dma_start3A_658] : memref<512x128xf32, #tpu.memory_space<vmem_shared>> -> memref<512x128xf32, #tpu.memory_space<vmem_shared>>
        tpu.enqueue_indirect_dma source(%dma_start3A_659 : memref<512x128xf32, #tpu.memory_space<vmem_shared>>) target(%arg18 : memref<128x128xf32, #tpu.memory_space<vmem>>) offsets(%arg20 : memref<128xi32, #tpu.memory_space<vmem>>) semaphore(%arg28 : memref<!tpu.dma_semaphore, #tpu.memory_space<semaphore_mem>>)
      } else {
      }
      %ge3A_314 = arith.constant 0 : i32
      %ge3A_315 = arith.cmpi sge, %add3A_265, %ge3A_314 : i32
      %lt3A_316 = arith.constant 25 : i32
      %lt3A_317 = arith.cmpi slt, %add3A_265, %lt3A_316 : i32
      %and3A_318 = arith.andi %ge3A_315, %lt3A_317 : i1
      %mul3A_319 = arith.constant 32 : i32
      %mul3A_320 = arith.muli %add3A_265, %mul3A_319 : i32
      %add3A_321 = arith.addi %mul3A_320, %add3A : i32
      %lt3A_322 = arith.constant 782 : i32
      %lt3A_323 = arith.cmpi slt, %add3A_321, %lt3A_322 : i32
      %and3A_324 = arith.andi %and3A_318, %lt3A_323 : i1
      %convert_element_type3A_325 = arith.extui %and3A_324 : i1 to i32
      %cond3A_326 = arith.constant 0 : i32
      %cond3A_327 = arith.cmpi ne, %convert_element_type3A_325, %cond3A_326 : i32
      scf.if %cond3A_327 {
        %dma_wait3A_646 = arith.constant 0 : i32
        %dma_wait3A_647 = arith.constant 0 : i32
        %dma_wait3A_648 = tpu.memref_slice %arg2[%dma_wait3A_646, %dma_wait3A_647] : memref<100000x128xf32, #tpu.memory_space<hbm>> -> memref<128x128xf32, #tpu.memory_space<hbm>>
        %dma_wait3A_649 = arith.constant 0 : i32
        %dma_wait3A_650 = arith.constant 0 : i32
        %dma_wait3A_651 = tpu.memref_slice %arg2[%dma_wait3A_649, %dma_wait3A_650] : memref<100000x128xf32, #tpu.memory_space<hbm>> -> memref<128x128xf32, #tpu.memory_space<hbm>>
        tpu.wait_dma2 semaphore(%arg23 : memref<!tpu.dma_semaphore, #tpu.memory_space<semaphore_mem>>) src(%dma_wait3A_651 : memref<128x128xf32, #tpu.memory_space<hbm>>) dst(%arg12 : memref<128x128xf32, #tpu.memory_space<vmem>>)
        %dma_wait3A_652 = arith.constant 0 : i32
        %dma_wait3A_653 = arith.constant 0 : i32
        %dma_wait3A_654 = tpu.memref_slice %arg8[%dma_wait3A_652, %dma_wait3A_653] : memref<512x128xf32, #tpu.memory_space<vmem_shared>> -> memref<128x128xf32, #tpu.memory_space<vmem_shared>>
        %dma_wait3A_655 = arith.constant 0 : i32
        %dma_wait3A_656 = arith.constant 0 : i32
        %dma_wait3A_657 = tpu.memref_slice %arg8[%dma_wait3A_655, %dma_wait3A_656] : memref<512x128xf32, #tpu.memory_space<vmem_shared>> -> memref<128x128xf32, #tpu.memory_space<vmem_shared>>
        tpu.wait_dma2 semaphore(%arg27 : memref<!tpu.dma_semaphore, #tpu.memory_space<semaphore_mem>>) src(%dma_wait3A_657 : memref<128x128xf32, #tpu.memory_space<vmem_shared>>) dst(%arg13 : memref<128x128xf32, #tpu.memory_space<vmem>>)
        %dma_wait3A_658 = arith.constant 0 : i32
        %dma_wait3A_659 = arith.constant 0 : i32
        %dma_wait3A_660 = tpu.memref_slice %arg9[%dma_wait3A_658, %dma_wait3A_659] : memref<512x128xf32, #tpu.memory_space<vmem_shared>> -> memref<128x128xf32, #tpu.memory_space<vmem_shared>>
        %dma_wait3A_661 = arith.constant 0 : i32
        %dma_wait3A_662 = arith.constant 0 : i32
        %dma_wait3A_663 = tpu.memref_slice %arg9[%dma_wait3A_661, %dma_wait3A_662] : memref<512x128xf32, #tpu.memory_space<vmem_shared>> -> memref<128x128xf32, #tpu.memory_space<vmem_shared>>
        tpu.wait_dma2 semaphore(%arg27 : memref<!tpu.dma_semaphore, #tpu.memory_space<semaphore_mem>>) src(%dma_wait3A_663 : memref<128x128xf32, #tpu.memory_space<vmem_shared>>) dst(%arg14 : memref<128x128xf32, #tpu.memory_space<vmem>>)
      } else {
      }
      %add3A_328 = arith.constant 2 : i32
      %add3A_329 = arith.addi %add3A_265, %add3A_328 : i32
      %ge3A_330 = arith.constant 0 : i32
      %ge3A_331 = arith.cmpi sge, %add3A_329, %ge3A_330 : i32
      %lt3A_332 = arith.constant 25 : i32
      %lt3A_333 = arith.cmpi slt, %add3A_329, %lt3A_332 : i32
      %and3A_334 = arith.andi %ge3A_331, %lt3A_333 : i1
      %mul3A_335 = arith.constant 32 : i32
      %mul3A_336 = arith.muli %add3A_329, %mul3A_335 : i32
      %add3A_337 = arith.addi %mul3A_336, %add3A : i32
      %lt3A_338 = arith.constant 782 : i32
      %lt3A_339 = arith.cmpi slt, %add3A_337, %lt3A_338 : i32
      %and3A_340 = arith.andi %and3A_334, %lt3A_339 : i1
      %convert_element_type3A_341 = arith.extui %and3A_340 : i1 to i32
      %cond3A_342 = arith.constant 0 : i32
      %cond3A_343 = arith.cmpi ne, %convert_element_type3A_341, %cond3A_342 : i32
      scf.if %cond3A_343 {
        %add3A_646 = arith.constant 2 : i32
        %add3A_647 = arith.addi %add3A_265, %add3A_646 : i32
        %mul3A_648 = arith.constant 32 : i32
        %mul3A_649 = arith.muli %add3A_647, %mul3A_648 : i32
        %add3A_650 = arith.addi %mul3A_649, %add3A : i32
        %mul3A_651 = arith.constant 128 : i32
        %mul3A_652 = arith.muli %add3A_650, %mul3A_651 : i32
        %min3A = arith.constant 99872 : i32
        %min3A_653 = arith.minsi %mul3A_652, %min3A : i32
        %dma_start3A_654 = tpu.memref_slice %arg3[%min3A_653] : memref<100000xi32, #tpu.memory_space<hbm>> -> memref<128xi32, #tpu.memory_space<hbm>>
        %dma_start3A_655 = tpu.memref_slice %arg3[%min3A_653] : memref<100000xi32, #tpu.memory_space<hbm>> -> memref<128xi32, #tpu.memory_space<hbm>>
        tpu.enqueue_dma source(%dma_start3A_655 : memref<128xi32, #tpu.memory_space<hbm>>) target(%arg15 : memref<128xi32, #tpu.memory_space<vmem>>) target_semaphore(%arg29 : memref<!tpu.dma_semaphore, #tpu.memory_space<semaphore_mem>>)
        %dma_start3A_656 = tpu.memref_slice %arg4[%min3A_653] : memref<100000xi32, #tpu.memory_space<hbm>> -> memref<128xi32, #tpu.memory_space<hbm>>
        %dma_start3A_657 = tpu.memref_slice %arg4[%min3A_653] : memref<100000xi32, #tpu.memory_space<hbm>> -> memref<128xi32, #tpu.memory_space<hbm>>
        tpu.enqueue_dma source(%dma_start3A_657 : memref<128xi32, #tpu.memory_space<hbm>>) target(%arg16 : memref<128xi32, #tpu.memory_space<vmem>>) target_semaphore(%arg29 : memref<!tpu.dma_semaphore, #tpu.memory_space<semaphore_mem>>)
      } else {
      }
      %ge3A_344 = arith.constant 0 : i32
      %ge3A_345 = arith.cmpi sge, %add3A_265, %ge3A_344 : i32
      %lt3A_346 = arith.constant 25 : i32
      %lt3A_347 = arith.cmpi slt, %add3A_265, %lt3A_346 : i32
      %and3A_348 = arith.andi %ge3A_345, %lt3A_347 : i1
      %mul3A_349 = arith.constant 32 : i32
      %mul3A_350 = arith.muli %add3A_265, %mul3A_349 : i32
      %add3A_351 = arith.addi %mul3A_350, %add3A : i32
      %lt3A_352 = arith.constant 782 : i32
      %lt3A_353 = arith.cmpi slt, %add3A_351, %lt3A_352 : i32
      %and3A_354 = arith.andi %and3A_348, %lt3A_353 : i1
      %convert_element_type3A_355 = arith.extui %and3A_354 : i1 to i32
      %cond3A_356 = arith.constant 0 : i32
      %cond3A_357 = arith.cmpi ne, %convert_element_type3A_355, %cond3A_356 : i32
      scf.if %cond3A_357 {
        %scan3A_646 = arith.constant 0 : i32
        %scan3A_647 = arith.constant 0 : i32
        %scan3A_648 = arith.constant 128 : i32
        %scan3A_649 = arith.addi %scan3A_647, %scan3A_648 : i32
        %scan3A_650 = arith.constant 1 : i32
        scf.for %scan3A_662 = %scan3A_647 to %scan3A_649 step %scan3A_650  : i32 {
          %get3A = arith.index_cast %scan3A_662 : i32 to index
          %get3A_663 = arith.constant 0 : index
          %get3A_664 = tpu.vector_load %arg12[%get3A, %get3A_663] {strides = array<i32>} : memref<128x128xf32, #tpu.memory_space<vmem>>, vector<1x16xf32>,
          %get3A_665 = vector.shape_cast %get3A_664 : vector<1x16xf32> to vector<16xf32>
          %get3A_666 = arith.index_cast %scan3A_662 : i32 to index
          %get3A_667 = arith.constant 0 : index
          %get3A_668 = tpu.vector_load %arg13[%get3A_666, %get3A_667] {strides = array<i32>} : memref<128x128xf32, #tpu.memory_space<vmem>>, vector<1x16xf32>,
          %get3A_669 = vector.shape_cast %get3A_668 : vector<1x16xf32> to vector<16xf32>
          %add3A_670 = arith.addf %get3A_665, %get3A_669 : vector<16xf32>
          %get3A_671 = arith.index_cast %scan3A_662 : i32 to index
          %get3A_672 = arith.constant 0 : index
          %get3A_673 = tpu.vector_load %arg14[%get3A_671, %get3A_672] {strides = array<i32>} : memref<128x128xf32, #tpu.memory_space<vmem>>, vector<1x16xf32>,
          %get3A_674 = vector.shape_cast %get3A_673 : vector<1x16xf32> to vector<16xf32>
          %add3A_675 = arith.addf %add3A_670, %get3A_674 : vector<16xf32>
          %swap3A = arith.index_cast %scan3A_662 : i32 to index
          %swap3A_676 = arith.constant 0 : index
          %swap3A_677 = tpu.vector_load %arg12[%swap3A, %swap3A_676] {strides = array<i32>} : memref<128x128xf32, #tpu.memory_space<vmem>>, vector<1x16xf32>,
          %swap3A_678 = vector.shape_cast %swap3A_677 : vector<1x16xf32> to vector<16xf32>
          %swap3A_679 = vector.shape_cast %add3A_675 : vector<16xf32> to vector<1x16xf32>
          tpu.vector_store %arg12[%swap3A, %swap3A_676], %swap3A_679 {strides = array<i32>} : memref<128x128xf32, #tpu.memory_space<vmem>>, vector<1x16xf32>,
          %get3A_680 = arith.index_cast %scan3A_662 : i32 to index
          %get3A_681 = arith.constant 16 : index
          %get3A_682 = tpu.vector_load %arg12[%get3A_680, %get3A_681] {strides = array<i32>} : memref<128x128xf32, #tpu.memory_space<vmem>>, vector<1x16xf32>,
          %get3A_683 = vector.shape_cast %get3A_682 : vector<1x16xf32> to vector<16xf32>
          %get3A_684 = arith.index_cast %scan3A_662 : i32 to index
          %get3A_685 = arith.constant 16 : index
          %get3A_686 = tpu.vector_load %arg13[%get3A_684, %get3A_685] {strides = array<i32>} : memref<128x128xf32, #tpu.memory_space<vmem>>, vector<1x16xf32>,
          %get3A_687 = vector.shape_cast %get3A_686 : vector<1x16xf32> to vector<16xf32>
          %add3A_688 = arith.addf %get3A_683, %get3A_687 : vector<16xf32>
          %get3A_689 = arith.index_cast %scan3A_662 : i32 to index
          %get3A_690 = arith.constant 16 : index
          %get3A_691 = tpu.vector_load %arg14[%get3A_689, %get3A_690] {strides = array<i32>} : memref<128x128xf32, #tpu.memory_space<vmem>>, vector<1x16xf32>,
          %get3A_692 = vector.shape_cast %get3A_691 : vector<1x16xf32> to vector<16xf32>
          %add3A_693 = arith.addf %add3A_688, %get3A_692 : vector<16xf32>
          %swap3A_694 = arith.index_cast %scan3A_662 : i32 to index
          %swap3A_695 = arith.constant 16 : index
          %swap3A_696 = tpu.vector_load %arg12[%swap3A_694, %swap3A_695] {strides = array<i32>} : memref<128x128xf32, #tpu.memory_space<vmem>>, vector<1x16xf32>,
          %swap3A_697 = vector.shape_cast %swap3A_696 : vector<1x16xf32> to vector<16xf32>
          %swap3A_698 = vector.shape_cast %add3A_693 : vector<16xf32> to vector<1x16xf32>
          tpu.vector_store %arg12[%swap3A_694, %swap3A_695], %swap3A_698 {strides = array<i32>} : memref<128x128xf32, #tpu.memory_space<vmem>>, vector<1x16xf32>,
          %get3A_699 = arith.index_cast %scan3A_662 : i32 to index
          %get3A_700 = arith.constant 32 : index
          %get3A_701 = tpu.vector_load %arg12[%get3A_699, %get3A_700] {strides = array<i32>} : memref<128x128xf32, #tpu.memory_space<vmem>>, vector<1x16xf32>,
          %get3A_702 = vector.shape_cast %get3A_701 : vector<1x16xf32> to vector<16xf32>
          %get3A_703 = arith.index_cast %scan3A_662 : i32 to index
          %get3A_704 = arith.constant 32 : index
          %get3A_705 = tpu.vector_load %arg13[%get3A_703, %get3A_704] {strides = array<i32>} : memref<128x128xf32, #tpu.memory_space<vmem>>, vector<1x16xf32>,
          %get3A_706 = vector.shape_cast %get3A_705 : vector<1x16xf32> to vector<16xf32>
          %add3A_707 = arith.addf %get3A_702, %get3A_706 : vector<16xf32>
          %get3A_708 = arith.index_cast %scan3A_662 : i32 to index
          %get3A_709 = arith.constant 32 : index
          %get3A_710 = tpu.vector_load %arg14[%get3A_708, %get3A_709] {strides = array<i32>} : memref<128x128xf32, #tpu.memory_space<vmem>>, vector<1x16xf32>,
          %get3A_711 = vector.shape_cast %get3A_710 : vector<1x16xf32> to vector<16xf32>
          %add3A_712 = arith.addf %add3A_707, %get3A_711 : vector<16xf32>
          %swap3A_713 = arith.index_cast %scan3A_662 : i32 to index
          %swap3A_714 = arith.constant 32 : index
          %swap3A_715 = tpu.vector_load %arg12[%swap3A_713, %swap3A_714] {strides = array<i32>} : memref<128x128xf32, #tpu.memory_space<vmem>>, vector<1x16xf32>,
          %swap3A_716 = vector.shape_cast %swap3A_715 : vector<1x16xf32> to vector<16xf32>
          %swap3A_717 = vector.shape_cast %add3A_712 : vector<16xf32> to vector<1x16xf32>
          tpu.vector_store %arg12[%swap3A_713, %swap3A_714], %swap3A_717 {strides = array<i32>} : memref<128x128xf32, #tpu.memory_space<vmem>>, vector<1x16xf32>,
          %get3A_718 = arith.index_cast %scan3A_662 : i32 to index
          %get3A_719 = arith.constant 48 : index
          %get3A_720 = tpu.vector_load %arg12[%get3A_718, %get3A_719] {strides = array<i32>} : memref<128x128xf32, #tpu.memory_space<vmem>>, vector<1x16xf32>,
          %get3A_721 = vector.shape_cast %get3A_720 : vector<1x16xf32> to vector<16xf32>
          %get3A_722 = arith.index_cast %scan3A_662 : i32 to index
          %get3A_723 = arith.constant 48 : index
          %get3A_724 = tpu.vector_load %arg13[%get3A_722, %get3A_723] {strides = array<i32>} : memref<128x128xf32, #tpu.memory_space<vmem>>, vector<1x16xf32>,
          %get3A_725 = vector.shape_cast %get3A_724 : vector<1x16xf32> to vector<16xf32>
          %add3A_726 = arith.addf %get3A_721, %get3A_725 : vector<16xf32>
          %get3A_727 = arith.index_cast %scan3A_662 : i32 to index
          %get3A_728 = arith.constant 48 : index
          %get3A_729 = tpu.vector_load %arg14[%get3A_727, %get3A_728] {strides = array<i32>} : memref<128x128xf32, #tpu.memory_space<vmem>>, vector<1x16xf32>,
          %get3A_730 = vector.shape_cast %get3A_729 : vector<1x16xf32> to vector<16xf32>
          %add3A_731 = arith.addf %add3A_726, %get3A_730 : vector<16xf32>
          %swap3A_732 = arith.index_cast %scan3A_662 : i32 to index
          %swap3A_733 = arith.constant 48 : index
          %swap3A_734 = tpu.vector_load %arg12[%swap3A_732, %swap3A_733] {strides = array<i32>} : memref<128x128xf32, #tpu.memory_space<vmem>>, vector<1x16xf32>,
          %swap3A_735 = vector.shape_cast %swap3A_734 : vector<1x16xf32> to vector<16xf32>
          %swap3A_736 = vector.shape_cast %add3A_731 : vector<16xf32> to vector<1x16xf32>
          tpu.vector_store %arg12[%swap3A_732, %swap3A_733], %swap3A_736 {strides = array<i32>} : memref<128x128xf32, #tpu.memory_space<vmem>>, vector<1x16xf32>,
          %get3A_737 = arith.index_cast %scan3A_662 : i32 to index
          %get3A_738 = arith.constant 64 : index
          %get3A_739 = tpu.vector_load %arg12[%get3A_737, %get3A_738] {strides = array<i32>} : memref<128x128xf32, #tpu.memory_space<vmem>>, vector<1x16xf32>,
          %get3A_740 = vector.shape_cast %get3A_739 : vector<1x16xf32> to vector<16xf32>
          %get3A_741 = arith.index_cast %scan3A_662 : i32 to index
          %get3A_742 = arith.constant 64 : index
          %get3A_743 = tpu.vector_load %arg13[%get3A_741, %get3A_742] {strides = array<i32>} : memref<128x128xf32, #tpu.memory_space<vmem>>, vector<1x16xf32>,
          %get3A_744 = vector.shape_cast %get3A_743 : vector<1x16xf32> to vector<16xf32>
          %add3A_745 = arith.addf %get3A_740, %get3A_744 : vector<16xf32>
          %get3A_746 = arith.index_cast %scan3A_662 : i32 to index
          %get3A_747 = arith.constant 64 : index
          %get3A_748 = tpu.vector_load %arg14[%get3A_746, %get3A_747] {strides = array<i32>} : memref<128x128xf32, #tpu.memory_space<vmem>>, vector<1x16xf32>,
          %get3A_749 = vector.shape_cast %get3A_748 : vector<1x16xf32> to vector<16xf32>
          %add3A_750 = arith.addf %add3A_745, %get3A_749 : vector<16xf32>
          %swap3A_751 = arith.index_cast %scan3A_662 : i32 to index
          %swap3A_752 = arith.constant 64 : index
          %swap3A_753 = tpu.vector_load %arg12[%swap3A_751, %swap3A_752] {strides = array<i32>} : memref<128x128xf32, #tpu.memory_space<vmem>>, vector<1x16xf32>,
          %swap3A_754 = vector.shape_cast %swap3A_753 : vector<1x16xf32> to vector<16xf32>
          %swap3A_755 = vector.shape_cast %add3A_750 : vector<16xf32> to vector<1x16xf32>
          tpu.vector_store %arg12[%swap3A_751, %swap3A_752], %swap3A_755 {strides = array<i32>} : memref<128x128xf32, #tpu.memory_space<vmem>>, vector<1x16xf32>,
          %get3A_756 = arith.index_cast %scan3A_662 : i32 to index
          %get3A_757 = arith.constant 80 : index
          %get3A_758 = tpu.vector_load %arg12[%get3A_756, %get3A_757] {strides = array<i32>} : memref<128x128xf32, #tpu.memory_space<vmem>>, vector<1x16xf32>,
          %get3A_759 = vector.shape_cast %get3A_758 : vector<1x16xf32> to vector<16xf32>
          %get3A_760 = arith.index_cast %scan3A_662 : i32 to index
          %get3A_761 = arith.constant 80 : index
          %get3A_762 = tpu.vector_load %arg13[%get3A_760, %get3A_761] {strides = array<i32>} : memref<128x128xf32, #tpu.memory_space<vmem>>, vector<1x16xf32>,
          %get3A_763 = vector.shape_cast %get3A_762 : vector<1x16xf32> to vector<16xf32>
          %add3A_764 = arith.addf %get3A_759, %get3A_763 : vector<16xf32>
          %get3A_765 = arith.index_cast %scan3A_662 : i32 to index
          %get3A_766 = arith.constant 80 : index
          %get3A_767 = tpu.vector_load %arg14[%get3A_765, %get3A_766] {strides = array<i32>} : memref<128x128xf32, #tpu.memory_space<vmem>>, vector<1x16xf32>,
          %get3A_768 = vector.shape_cast %get3A_767 : vector<1x16xf32> to vector<16xf32>
          %add3A_769 = arith.addf %add3A_764, %get3A_768 : vector<16xf32>
          %swap3A_770 = arith.index_cast %scan3A_662 : i32 to index
          %swap3A_771 = arith.constant 80 : index
          %swap3A_772 = tpu.vector_load %arg12[%swap3A_770, %swap3A_771] {strides = array<i32>} : memref<128x128xf32, #tpu.memory_space<vmem>>, vector<1x16xf32>,
          %swap3A_773 = vector.shape_cast %swap3A_772 : vector<1x16xf32> to vector<16xf32>
          %swap3A_774 = vector.shape_cast %add3A_769 : vector<16xf32> to vector<1x16xf32>
          tpu.vector_store %arg12[%swap3A_770, %swap3A_771], %swap3A_774 {strides = array<i32>} : memref<128x128xf32, #tpu.memory_space<vmem>>, vector<1x16xf32>,
          %get3A_775 = arith.index_cast %scan3A_662 : i32 to index
          %get3A_776 = arith.constant 96 : index
          %get3A_777 = tpu.vector_load %arg12[%get3A_775, %get3A_776] {strides = array<i32>} : memref<128x128xf32, #tpu.memory_space<vmem>>, vector<1x16xf32>,
          %get3A_778 = vector.shape_cast %get3A_777 : vector<1x16xf32> to vector<16xf32>
          %get3A_779 = arith.index_cast %scan3A_662 : i32 to index
          %get3A_780 = arith.constant 96 : index
          %get3A_781 = tpu.vector_load %arg13[%get3A_779, %get3A_780] {strides = array<i32>} : memref<128x128xf32, #tpu.memory_space<vmem>>, vector<1x16xf32>,
          %get3A_782 = vector.shape_cast %get3A_781 : vector<1x16xf32> to vector<16xf32>
          %add3A_783 = arith.addf %get3A_778, %get3A_782 : vector<16xf32>
          %get3A_784 = arith.index_cast %scan3A_662 : i32 to index
          %get3A_785 = arith.constant 96 : index
          %get3A_786 = tpu.vector_load %arg14[%get3A_784, %get3A_785] {strides = array<i32>} : memref<128x128xf32, #tpu.memory_space<vmem>>, vector<1x16xf32>,
          %get3A_787 = vector.shape_cast %get3A_786 : vector<1x16xf32> to vector<16xf32>
          %add3A_788 = arith.addf %add3A_783, %get3A_787 : vector<16xf32>
          %swap3A_789 = arith.index_cast %scan3A_662 : i32 to index
          %swap3A_790 = arith.constant 96 : index
          %swap3A_791 = tpu.vector_load %arg12[%swap3A_789, %swap3A_790] {strides = array<i32>} : memref<128x128xf32, #tpu.memory_space<vmem>>, vector<1x16xf32>,
          %swap3A_792 = vector.shape_cast %swap3A_791 : vector<1x16xf32> to vector<16xf32>
          %swap3A_793 = vector.shape_cast %add3A_788 : vector<16xf32> to vector<1x16xf32>
          tpu.vector_store %arg12[%swap3A_789, %swap3A_790], %swap3A_793 {strides = array<i32>} : memref<128x128xf32, #tpu.memory_space<vmem>>, vector<1x16xf32>,
          %get3A_794 = arith.index_cast %scan3A_662 : i32 to index
          %get3A_795 = arith.constant 112 : index
          %get3A_796 = tpu.vector_load %arg12[%get3A_794, %get3A_795] {strides = array<i32>} : memref<128x128xf32, #tpu.memory_space<vmem>>, vector<1x16xf32>,
          %get3A_797 = vector.shape_cast %get3A_796 : vector<1x16xf32> to vector<16xf32>
          %get3A_798 = arith.index_cast %scan3A_662 : i32 to index
          %get3A_799 = arith.constant 112 : index
          %get3A_800 = tpu.vector_load %arg13[%get3A_798, %get3A_799] {strides = array<i32>} : memref<128x128xf32, #tpu.memory_space<vmem>>, vector<1x16xf32>,
          %get3A_801 = vector.shape_cast %get3A_800 : vector<1x16xf32> to vector<16xf32>
          %add3A_802 = arith.addf %get3A_797, %get3A_801 : vector<16xf32>
          %get3A_803 = arith.index_cast %scan3A_662 : i32 to index
          %get3A_804 = arith.constant 112 : index
          %get3A_805 = tpu.vector_load %arg14[%get3A_803, %get3A_804] {strides = array<i32>} : memref<128x128xf32, #tpu.memory_space<vmem>>, vector<1x16xf32>,
          %get3A_806 = vector.shape_cast %get3A_805 : vector<1x16xf32> to vector<16xf32>
          %add3A_807 = arith.addf %add3A_802, %get3A_806 : vector<16xf32>
          %swap3A_808 = arith.index_cast %scan3A_662 : i32 to index
          %swap3A_809 = arith.constant 112 : index
          %swap3A_810 = tpu.vector_load %arg12[%swap3A_808, %swap3A_809] {strides = array<i32>} : memref<128x128xf32, #tpu.memory_space<vmem>>, vector<1x16xf32>,
          %swap3A_811 = vector.shape_cast %swap3A_810 : vector<1x16xf32> to vector<16xf32>
          %swap3A_812 = vector.shape_cast %add3A_807 : vector<16xf32> to vector<1x16xf32>
          tpu.vector_store %arg12[%swap3A_808, %swap3A_809], %swap3A_812 {strides = array<i32>} : memref<128x128xf32, #tpu.memory_space<vmem>>, vector<1x16xf32>,
        }
        %scan3A_651 = arith.constant 128 : i32
        %mul3A_652 = arith.constant 32 : i32
        %mul3A_653 = arith.muli %add3A_265, %mul3A_652 : i32
        %add3A_654 = arith.addi %mul3A_653, %add3A : i32
        %mul3A_655 = arith.constant 128 : i32
        %mul3A_656 = arith.muli %add3A_654, %mul3A_655 : i32
        %min3A = arith.constant 99872 : i32
        %min3A_657 = arith.minsi %mul3A_656, %min3A : i32
        %dma_start3A_658 = arith.constant 0 : i32
        %dma_start3A_659 = tpu.memref_slice %arg7[%min3A_657, %dma_start3A_658] : memref<100000x128xf32, #tpu.memory_space<hbm>> -> memref<128x128xf32, #tpu.memory_space<hbm>>
        %dma_start3A_660 = arith.constant 0 : i32
        %dma_start3A_661 = tpu.memref_slice %arg7[%min3A_657, %dma_start3A_660] : memref<100000x128xf32, #tpu.memory_space<hbm>> -> memref<128x128xf32, #tpu.memory_space<hbm>>
        tpu.enqueue_dma source(%arg12 : memref<128x128xf32, #tpu.memory_space<vmem>>) target(%dma_start3A_661 : memref<128x128xf32, #tpu.memory_space<hbm>>) target_semaphore(%arg26 : memref<!tpu.dma_semaphore, #tpu.memory_space<semaphore_mem>>)
      } else {
      }
      %mul3A_358 = arith.constant 6 : i32
      %mul3A_359 = arith.muli %mul3A_358, %scan3A_71 : i32
      %add3A_360 = arith.constant 3 : i32
      %add3A_361 = arith.addi %mul3A_359, %add3A_360 : i32
      %sub3A_362 = arith.constant 2 : i32
      %sub3A_363 = arith.subi %add3A_361, %sub3A_362 : i32
      %ge3A_364 = arith.constant 0 : i32
      %ge3A_365 = arith.cmpi sge, %sub3A_363, %ge3A_364 : i32
      %lt3A_366 = arith.constant 25 : i32
      %lt3A_367 = arith.cmpi slt, %sub3A_363, %lt3A_366 : i32
      %and3A_368 = arith.andi %ge3A_365, %lt3A_367 : i1
      %mul3A_369 = arith.constant 32 : i32
      %mul3A_370 = arith.muli %sub3A_363, %mul3A_369 : i32
      %add3A_371 = arith.addi %mul3A_370, %add3A : i32
      %lt3A_372 = arith.constant 782 : i32
      %lt3A_373 = arith.cmpi slt, %add3A_371, %lt3A_372 : i32
      %and3A_374 = arith.andi %and3A_368, %lt3A_373 : i1
      %convert_element_type3A_375 = arith.extui %and3A_374 : i1 to i32
      %cond3A_376 = arith.constant 0 : i32
      %cond3A_377 = arith.cmpi ne, %convert_element_type3A_375, %cond3A_376 : i32
      scf.if %cond3A_377 {
        %dma_wait3A_646 = arith.constant 0 : i32
        %dma_wait3A_647 = arith.constant 0 : i32
        %dma_wait3A_648 = tpu.memref_slice %arg7[%dma_wait3A_646, %dma_wait3A_647] : memref<100000x128xf32, #tpu.memory_space<hbm>> -> memref<128x128xf32, #tpu.memory_space<hbm>>
        %dma_wait3A_649 = arith.constant 0 : i32
        %dma_wait3A_650 = arith.constant 0 : i32
        %dma_wait3A_651 = tpu.memref_slice %arg7[%dma_wait3A_649, %dma_wait3A_650] : memref<100000x128xf32, #tpu.memory_space<hbm>> -> memref<128x128xf32, #tpu.memory_space<hbm>>
        tpu.wait_dma2 semaphore(%arg25 : memref<!tpu.dma_semaphore, #tpu.memory_space<semaphore_mem>>) src(%arg11 : memref<128x128xf32, #tpu.memory_space<vmem>>) dst(%dma_wait3A_651 : memref<128x128xf32, #tpu.memory_space<hbm>>)
      } else {
      }
      %add3A_378 = arith.constant 1 : i32
      %add3A_379 = arith.addi %add3A_361, %add3A_378 : i32
      %ge3A_380 = arith.constant 0 : i32
      %ge3A_381 = arith.cmpi sge, %add3A_379, %ge3A_380 : i32
      %lt3A_382 = arith.constant 25 : i32
      %lt3A_383 = arith.cmpi slt, %add3A_379, %lt3A_382 : i32
      %and3A_384 = arith.andi %ge3A_381, %lt3A_383 : i1
      %mul3A_385 = arith.constant 32 : i32
      %mul3A_386 = arith.muli %add3A_379, %mul3A_385 : i32
      %add3A_387 = arith.addi %mul3A_386, %add3A : i32
      %lt3A_388 = arith.constant 782 : i32
      %lt3A_389 = arith.cmpi slt, %add3A_387, %lt3A_388 : i32
      %and3A_390 = arith.andi %and3A_384, %lt3A_389 : i1
      %convert_element_type3A_391 = arith.extui %and3A_390 : i1 to i32
      %cond3A_392 = arith.constant 0 : i32
      %cond3A_393 = arith.cmpi ne, %convert_element_type3A_391, %cond3A_392 : i32
      scf.if %cond3A_393 {
        %add3A_646 = arith.constant 1 : i32
        %add3A_647 = arith.addi %add3A_361, %add3A_646 : i32
        %mul3A_648 = arith.constant 32 : i32
        %mul3A_649 = arith.muli %add3A_647, %mul3A_648 : i32
        %add3A_650 = arith.addi %mul3A_649, %add3A : i32
        %mul3A_651 = arith.constant 128 : i32
        %mul3A_652 = arith.muli %add3A_650, %mul3A_651 : i32
        %min3A = arith.constant 99872 : i32
        %min3A_653 = arith.minsi %mul3A_652, %min3A : i32
        %dma_start3A_654 = arith.constant 0 : i32
        %dma_start3A_655 = tpu.memref_slice %arg2[%min3A_653, %dma_start3A_654] : memref<100000x128xf32, #tpu.memory_space<hbm>> -> memref<128x128xf32, #tpu.memory_space<hbm>>
        %dma_start3A_656 = arith.constant 0 : i32
        %dma_start3A_657 = tpu.memref_slice %arg2[%min3A_653, %dma_start3A_656] : memref<100000x128xf32, #tpu.memory_space<hbm>> -> memref<128x128xf32, #tpu.memory_space<hbm>>
        tpu.enqueue_dma source(%dma_start3A_657 : memref<128x128xf32, #tpu.memory_space<hbm>>) target(%arg11 : memref<128x128xf32, #tpu.memory_space<vmem>>) target_semaphore(%arg22 : memref<!tpu.dma_semaphore, #tpu.memory_space<semaphore_mem>>)
      } else {
      }
      %add3A_394 = arith.constant 1 : i32
      %add3A_395 = arith.addi %add3A_361, %add3A_394 : i32
      %ge3A_396 = arith.constant 0 : i32
      %ge3A_397 = arith.cmpi sge, %add3A_395, %ge3A_396 : i32
      %lt3A_398 = arith.constant 25 : i32
      %lt3A_399 = arith.cmpi slt, %add3A_395, %lt3A_398 : i32
      %and3A_400 = arith.andi %ge3A_397, %lt3A_399 : i1
      %mul3A_401 = arith.constant 32 : i32
      %mul3A_402 = arith.muli %add3A_395, %mul3A_401 : i32
      %add3A_403 = arith.addi %mul3A_402, %add3A : i32
      %lt3A_404 = arith.constant 782 : i32
      %lt3A_405 = arith.cmpi slt, %add3A_403, %lt3A_404 : i32
      %and3A_406 = arith.andi %and3A_400, %lt3A_405 : i1
      %convert_element_type3A_407 = arith.extui %and3A_406 : i1 to i32
      %cond3A_408 = arith.constant 0 : i32
      %cond3A_409 = arith.cmpi ne, %convert_element_type3A_407, %cond3A_408 : i32
      scf.if %cond3A_409 {
        %dma_wait3A_646 = arith.constant 0 : i32
        %dma_wait3A_647 = tpu.memref_slice %arg3[%dma_wait3A_646] : memref<100000xi32, #tpu.memory_space<hbm>> -> memref<128xi32, #tpu.memory_space<hbm>>
        %dma_wait3A_648 = arith.constant 0 : i32
        %dma_wait3A_649 = tpu.memref_slice %arg3[%dma_wait3A_648] : memref<100000xi32, #tpu.memory_space<hbm>> -> memref<128xi32, #tpu.memory_space<hbm>>
        tpu.wait_dma2 semaphore(%arg29 : memref<!tpu.dma_semaphore, #tpu.memory_space<semaphore_mem>>) src(%dma_wait3A_649 : memref<128xi32, #tpu.memory_space<hbm>>) dst(%arg15 : memref<128xi32, #tpu.memory_space<vmem>>)
        %dma_wait3A_650 = arith.constant 0 : i32
        %dma_wait3A_651 = tpu.memref_slice %arg4[%dma_wait3A_650] : memref<100000xi32, #tpu.memory_space<hbm>> -> memref<128xi32, #tpu.memory_space<hbm>>
        %dma_wait3A_652 = arith.constant 0 : i32
        %dma_wait3A_653 = tpu.memref_slice %arg4[%dma_wait3A_652] : memref<100000xi32, #tpu.memory_space<hbm>> -> memref<128xi32, #tpu.memory_space<hbm>>
        tpu.wait_dma2 semaphore(%arg29 : memref<!tpu.dma_semaphore, #tpu.memory_space<semaphore_mem>>) src(%dma_wait3A_653 : memref<128xi32, #tpu.memory_space<hbm>>) dst(%arg16 : memref<128xi32, #tpu.memory_space<vmem>>)
        %dma_start3A_654 = arith.constant 0 : i32
        %dma_start3A_655 = arith.constant 0 : i32
        %dma_start3A_656 = tpu.memref_slice %arg8[%dma_start3A_654, %dma_start3A_655] : memref<512x128xf32, #tpu.memory_space<vmem_shared>> -> memref<512x128xf32, #tpu.memory_space<vmem_shared>>
        tpu.enqueue_indirect_dma source(%dma_start3A_656 : memref<512x128xf32, #tpu.memory_space<vmem_shared>>) target(%arg13 : memref<128x128xf32, #tpu.memory_space<vmem>>) offsets(%arg15 : memref<128xi32, #tpu.memory_space<vmem>>) semaphore(%arg27 : memref<!tpu.dma_semaphore, #tpu.memory_space<semaphore_mem>>)
        %dma_start3A_657 = arith.constant 0 : i32
        %dma_start3A_658 = arith.constant 0 : i32
        %dma_start3A_659 = tpu.memref_slice %arg9[%dma_start3A_657, %dma_start3A_658] : memref<512x128xf32, #tpu.memory_space<vmem_shared>> -> memref<512x128xf32, #tpu.memory_space<vmem_shared>>
        tpu.enqueue_indirect_dma source(%dma_start3A_659 : memref<512x128xf32, #tpu.memory_space<vmem_shared>>) target(%arg14 : memref<128x128xf32, #tpu.memory_space<vmem>>) offsets(%arg16 : memref<128xi32, #tpu.memory_space<vmem>>) semaphore(%arg27 : memref<!tpu.dma_semaphore, #tpu.memory_space<semaphore_mem>>)
      } else {
      }
      %ge3A_410 = arith.constant 0 : i32
      %ge3A_411 = arith.cmpi sge, %add3A_361, %ge3A_410 : i32
      %lt3A_412 = arith.constant 25 : i32
      %lt3A_413 = arith.cmpi slt, %add3A_361, %lt3A_412 : i32
      %and3A_414 = arith.andi %ge3A_411, %lt3A_413 : i1
      %mul3A_415 = arith.constant 32 : i32
      %mul3A_416 = arith.muli %add3A_361, %mul3A_415 : i32
      %add3A_417 = arith.addi %mul3A_416, %add3A : i32
      %lt3A_418 = arith.constant 782 : i32
      %lt3A_419 = arith.cmpi slt, %add3A_417, %lt3A_418 : i32
      %and3A_420 = arith.andi %and3A_414, %lt3A_419 : i1
      %convert_element_type3A_421 = arith.extui %and3A_420 : i1 to i32
      %cond3A_422 = arith.constant 0 : i32
      %cond3A_423 = arith.cmpi ne, %convert_element_type3A_421, %cond3A_422 : i32
      scf.if %cond3A_423 {
        %dma_wait3A_646 = arith.constant 0 : i32
        %dma_wait3A_647 = arith.constant 0 : i32
        %dma_wait3A_648 = tpu.memref_slice %arg2[%dma_wait3A_646, %dma_wait3A_647] : memref<100000x128xf32, #tpu.memory_space<hbm>> -> memref<128x128xf32, #tpu.memory_space<hbm>>
        %dma_wait3A_649 = arith.constant 0 : i32
        %dma_wait3A_650 = arith.constant 0 : i32
        %dma_wait3A_651 = tpu.memref_slice %arg2[%dma_wait3A_649, %dma_wait3A_650] : memref<100000x128xf32, #tpu.memory_space<hbm>> -> memref<128x128xf32, #tpu.memory_space<hbm>>
        tpu.wait_dma2 semaphore(%arg21 : memref<!tpu.dma_semaphore, #tpu.memory_space<semaphore_mem>>) src(%dma_wait3A_651 : memref<128x128xf32, #tpu.memory_space<hbm>>) dst(%arg10 : memref<128x128xf32, #tpu.memory_space<vmem>>)
        %dma_wait3A_652 = arith.constant 0 : i32
        %dma_wait3A_653 = arith.constant 0 : i32
        %dma_wait3A_654 = tpu.memref_slice %arg8[%dma_wait3A_652, %dma_wait3A_653] : memref<512x128xf32, #tpu.memory_space<vmem_shared>> -> memref<128x128xf32, #tpu.memory_space<vmem_shared>>
        %dma_wait3A_655 = arith.constant 0 : i32
        %dma_wait3A_656 = arith.constant 0 : i32
        %dma_wait3A_657 = tpu.memref_slice %arg8[%dma_wait3A_655, %dma_wait3A_656] : memref<512x128xf32, #tpu.memory_space<vmem_shared>> -> memref<128x128xf32, #tpu.memory_space<vmem_shared>>
        tpu.wait_dma2 semaphore(%arg28 : memref<!tpu.dma_semaphore, #tpu.memory_space<semaphore_mem>>) src(%dma_wait3A_657 : memref<128x128xf32, #tpu.memory_space<vmem_shared>>) dst(%arg17 : memref<128x128xf32, #tpu.memory_space<vmem>>)
        %dma_wait3A_658 = arith.constant 0 : i32
        %dma_wait3A_659 = arith.constant 0 : i32
        %dma_wait3A_660 = tpu.memref_slice %arg9[%dma_wait3A_658, %dma_wait3A_659] : memref<512x128xf32, #tpu.memory_space<vmem_shared>> -> memref<128x128xf32, #tpu.memory_space<vmem_shared>>
        %dma_wait3A_661 = arith.constant 0 : i32
        %dma_wait3A_662 = arith.constant 0 : i32
        %dma_wait3A_663 = tpu.memref_slice %arg9[%dma_wait3A_661, %dma_wait3A_662] : memref<512x128xf32, #tpu.memory_space<vmem_shared>> -> memref<128x128xf32, #tpu.memory_space<vmem_shared>>
        tpu.wait_dma2 semaphore(%arg28 : memref<!tpu.dma_semaphore, #tpu.memory_space<semaphore_mem>>) src(%dma_wait3A_663 : memref<128x128xf32, #tpu.memory_space<vmem_shared>>) dst(%arg18 : memref<128x128xf32, #tpu.memory_space<vmem>>)
      } else {
      }
      %add3A_424 = arith.constant 2 : i32
      %add3A_425 = arith.addi %add3A_361, %add3A_424 : i32
      %ge3A_426 = arith.constant 0 : i32
      %ge3A_427 = arith.cmpi sge, %add3A_425, %ge3A_426 : i32
      %lt3A_428 = arith.constant 25 : i32
      %lt3A_429 = arith.cmpi slt, %add3A_425, %lt3A_428 : i32
      %and3A_430 = arith.andi %ge3A_427, %lt3A_429 : i1
      %mul3A_431 = arith.constant 32 : i32
      %mul3A_432 = arith.muli %add3A_425, %mul3A_431 : i32
      %add3A_433 = arith.addi %mul3A_432, %add3A : i32
      %lt3A_434 = arith.constant 782 : i32
      %lt3A_435 = arith.cmpi slt, %add3A_433, %lt3A_434 : i32
      %and3A_436 = arith.andi %and3A_430, %lt3A_435 : i1
      %convert_element_type3A_437 = arith.extui %and3A_436 : i1 to i32
      %cond3A_438 = arith.constant 0 : i32
      %cond3A_439 = arith.cmpi ne, %convert_element_type3A_437, %cond3A_438 : i32
      scf.if %cond3A_439 {
        %add3A_646 = arith.constant 2 : i32
        %add3A_647 = arith.addi %add3A_361, %add3A_646 : i32
        %mul3A_648 = arith.constant 32 : i32
        %mul3A_649 = arith.muli %add3A_647, %mul3A_648 : i32
        %add3A_650 = arith.addi %mul3A_649, %add3A : i32
        %mul3A_651 = arith.constant 128 : i32
        %mul3A_652 = arith.muli %add3A_650, %mul3A_651 : i32
        %min3A = arith.constant 99872 : i32
        %min3A_653 = arith.minsi %mul3A_652, %min3A : i32
        %dma_start3A_654 = tpu.memref_slice %arg3[%min3A_653] : memref<100000xi32, #tpu.memory_space<hbm>> -> memref<128xi32, #tpu.memory_space<hbm>>
        %dma_start3A_655 = tpu.memref_slice %arg3[%min3A_653] : memref<100000xi32, #tpu.memory_space<hbm>> -> memref<128xi32, #tpu.memory_space<hbm>>
        tpu.enqueue_dma source(%dma_start3A_655 : memref<128xi32, #tpu.memory_space<hbm>>) target(%arg19 : memref<128xi32, #tpu.memory_space<vmem>>) target_semaphore(%arg30 : memref<!tpu.dma_semaphore, #tpu.memory_space<semaphore_mem>>)
        %dma_start3A_656 = tpu.memref_slice %arg4[%min3A_653] : memref<100000xi32, #tpu.memory_space<hbm>> -> memref<128xi32, #tpu.memory_space<hbm>>
        %dma_start3A_657 = tpu.memref_slice %arg4[%min3A_653] : memref<100000xi32, #tpu.memory_space<hbm>> -> memref<128xi32, #tpu.memory_space<hbm>>
        tpu.enqueue_dma source(%dma_start3A_657 : memref<128xi32, #tpu.memory_space<hbm>>) target(%arg20 : memref<128xi32, #tpu.memory_space<vmem>>) target_semaphore(%arg30 : memref<!tpu.dma_semaphore, #tpu.memory_space<semaphore_mem>>)
      } else {
      }
      %ge3A_440 = arith.constant 0 : i32
      %ge3A_441 = arith.cmpi sge, %add3A_361, %ge3A_440 : i32
      %lt3A_442 = arith.constant 25 : i32
      %lt3A_443 = arith.cmpi slt, %add3A_361, %lt3A_442 : i32
      %and3A_444 = arith.andi %ge3A_441, %lt3A_443 : i1
      %mul3A_445 = arith.constant 32 : i32
      %mul3A_446 = arith.muli %add3A_361, %mul3A_445 : i32
      %add3A_447 = arith.addi %mul3A_446, %add3A : i32
      %lt3A_448 = arith.constant 782 : i32
      %lt3A_449 = arith.cmpi slt, %add3A_447, %lt3A_448 : i32
      %and3A_450 = arith.andi %and3A_444, %lt3A_449 : i1
      %convert_element_type3A_451 = arith.extui %and3A_450 : i1 to i32
      %cond3A_452 = arith.constant 0 : i32
      %cond3A_453 = arith.cmpi ne, %convert_element_type3A_451, %cond3A_452 : i32
      scf.if %cond3A_453 {
        %scan3A_646 = arith.constant 0 : i32
        %scan3A_647 = arith.constant 0 : i32
        %scan3A_648 = arith.constant 128 : i32
        %scan3A_649 = arith.addi %scan3A_647, %scan3A_648 : i32
        %scan3A_650 = arith.constant 1 : i32
        scf.for %scan3A_662 = %scan3A_647 to %scan3A_649 step %scan3A_650  : i32 {
          %get3A = arith.index_cast %scan3A_662 : i32 to index
          %get3A_663 = arith.constant 0 : index
          %get3A_664 = tpu.vector_load %arg10[%get3A, %get3A_663] {strides = array<i32>} : memref<128x128xf32, #tpu.memory_space<vmem>>, vector<1x16xf32>,
          %get3A_665 = vector.shape_cast %get3A_664 : vector<1x16xf32> to vector<16xf32>
          %get3A_666 = arith.index_cast %scan3A_662 : i32 to index
          %get3A_667 = arith.constant 0 : index
          %get3A_668 = tpu.vector_load %arg17[%get3A_666, %get3A_667] {strides = array<i32>} : memref<128x128xf32, #tpu.memory_space<vmem>>, vector<1x16xf32>,
          %get3A_669 = vector.shape_cast %get3A_668 : vector<1x16xf32> to vector<16xf32>
          %add3A_670 = arith.addf %get3A_665, %get3A_669 : vector<16xf32>
          %get3A_671 = arith.index_cast %scan3A_662 : i32 to index
          %get3A_672 = arith.constant 0 : index
          %get3A_673 = tpu.vector_load %arg18[%get3A_671, %get3A_672] {strides = array<i32>} : memref<128x128xf32, #tpu.memory_space<vmem>>, vector<1x16xf32>,
          %get3A_674 = vector.shape_cast %get3A_673 : vector<1x16xf32> to vector<16xf32>
          %add3A_675 = arith.addf %add3A_670, %get3A_674 : vector<16xf32>
          %swap3A = arith.index_cast %scan3A_662 : i32 to index
          %swap3A_676 = arith.constant 0 : index
          %swap3A_677 = tpu.vector_load %arg10[%swap3A, %swap3A_676] {strides = array<i32>} : memref<128x128xf32, #tpu.memory_space<vmem>>, vector<1x16xf32>,
          %swap3A_678 = vector.shape_cast %swap3A_677 : vector<1x16xf32> to vector<16xf32>
          %swap3A_679 = vector.shape_cast %add3A_675 : vector<16xf32> to vector<1x16xf32>
          tpu.vector_store %arg10[%swap3A, %swap3A_676], %swap3A_679 {strides = array<i32>} : memref<128x128xf32, #tpu.memory_space<vmem>>, vector<1x16xf32>,
          %get3A_680 = arith.index_cast %scan3A_662 : i32 to index
          %get3A_681 = arith.constant 16 : index
          %get3A_682 = tpu.vector_load %arg10[%get3A_680, %get3A_681] {strides = array<i32>} : memref<128x128xf32, #tpu.memory_space<vmem>>, vector<1x16xf32>,
          %get3A_683 = vector.shape_cast %get3A_682 : vector<1x16xf32> to vector<16xf32>
          %get3A_684 = arith.index_cast %scan3A_662 : i32 to index
          %get3A_685 = arith.constant 16 : index
          %get3A_686 = tpu.vector_load %arg17[%get3A_684, %get3A_685] {strides = array<i32>} : memref<128x128xf32, #tpu.memory_space<vmem>>, vector<1x16xf32>,
          %get3A_687 = vector.shape_cast %get3A_686 : vector<1x16xf32> to vector<16xf32>
          %add3A_688 = arith.addf %get3A_683, %get3A_687 : vector<16xf32>
          %get3A_689 = arith.index_cast %scan3A_662 : i32 to index
          %get3A_690 = arith.constant 16 : index
          %get3A_691 = tpu.vector_load %arg18[%get3A_689, %get3A_690] {strides = array<i32>} : memref<128x128xf32, #tpu.memory_space<vmem>>, vector<1x16xf32>,
          %get3A_692 = vector.shape_cast %get3A_691 : vector<1x16xf32> to vector<16xf32>
          %add3A_693 = arith.addf %add3A_688, %get3A_692 : vector<16xf32>
          %swap3A_694 = arith.index_cast %scan3A_662 : i32 to index
          %swap3A_695 = arith.constant 16 : index
          %swap3A_696 = tpu.vector_load %arg10[%swap3A_694, %swap3A_695] {strides = array<i32>} : memref<128x128xf32, #tpu.memory_space<vmem>>, vector<1x16xf32>,
          %swap3A_697 = vector.shape_cast %swap3A_696 : vector<1x16xf32> to vector<16xf32>
          %swap3A_698 = vector.shape_cast %add3A_693 : vector<16xf32> to vector<1x16xf32>
          tpu.vector_store %arg10[%swap3A_694, %swap3A_695], %swap3A_698 {strides = array<i32>} : memref<128x128xf32, #tpu.memory_space<vmem>>, vector<1x16xf32>,
          %get3A_699 = arith.index_cast %scan3A_662 : i32 to index
          %get3A_700 = arith.constant 32 : index
          %get3A_701 = tpu.vector_load %arg10[%get3A_699, %get3A_700] {strides = array<i32>} : memref<128x128xf32, #tpu.memory_space<vmem>>, vector<1x16xf32>,
          %get3A_702 = vector.shape_cast %get3A_701 : vector<1x16xf32> to vector<16xf32>
          %get3A_703 = arith.index_cast %scan3A_662 : i32 to index
          %get3A_704 = arith.constant 32 : index
          %get3A_705 = tpu.vector_load %arg17[%get3A_703, %get3A_704] {strides = array<i32>} : memref<128x128xf32, #tpu.memory_space<vmem>>, vector<1x16xf32>,
          %get3A_706 = vector.shape_cast %get3A_705 : vector<1x16xf32> to vector<16xf32>
          %add3A_707 = arith.addf %get3A_702, %get3A_706 : vector<16xf32>
          %get3A_708 = arith.index_cast %scan3A_662 : i32 to index
          %get3A_709 = arith.constant 32 : index
          %get3A_710 = tpu.vector_load %arg18[%get3A_708, %get3A_709] {strides = array<i32>} : memref<128x128xf32, #tpu.memory_space<vmem>>, vector<1x16xf32>,
          %get3A_711 = vector.shape_cast %get3A_710 : vector<1x16xf32> to vector<16xf32>
          %add3A_712 = arith.addf %add3A_707, %get3A_711 : vector<16xf32>
          %swap3A_713 = arith.index_cast %scan3A_662 : i32 to index
          %swap3A_714 = arith.constant 32 : index
          %swap3A_715 = tpu.vector_load %arg10[%swap3A_713, %swap3A_714] {strides = array<i32>} : memref<128x128xf32, #tpu.memory_space<vmem>>, vector<1x16xf32>,
          %swap3A_716 = vector.shape_cast %swap3A_715 : vector<1x16xf32> to vector<16xf32>
          %swap3A_717 = vector.shape_cast %add3A_712 : vector<16xf32> to vector<1x16xf32>
          tpu.vector_store %arg10[%swap3A_713, %swap3A_714], %swap3A_717 {strides = array<i32>} : memref<128x128xf32, #tpu.memory_space<vmem>>, vector<1x16xf32>,
          %get3A_718 = arith.index_cast %scan3A_662 : i32 to index
          %get3A_719 = arith.constant 48 : index
          %get3A_720 = tpu.vector_load %arg10[%get3A_718, %get3A_719] {strides = array<i32>} : memref<128x128xf32, #tpu.memory_space<vmem>>, vector<1x16xf32>,
          %get3A_721 = vector.shape_cast %get3A_720 : vector<1x16xf32> to vector<16xf32>
          %get3A_722 = arith.index_cast %scan3A_662 : i32 to index
          %get3A_723 = arith.constant 48 : index
          %get3A_724 = tpu.vector_load %arg17[%get3A_722, %get3A_723] {strides = array<i32>} : memref<128x128xf32, #tpu.memory_space<vmem>>, vector<1x16xf32>,
          %get3A_725 = vector.shape_cast %get3A_724 : vector<1x16xf32> to vector<16xf32>
          %add3A_726 = arith.addf %get3A_721, %get3A_725 : vector<16xf32>
          %get3A_727 = arith.index_cast %scan3A_662 : i32 to index
          %get3A_728 = arith.constant 48 : index
          %get3A_729 = tpu.vector_load %arg18[%get3A_727, %get3A_728] {strides = array<i32>} : memref<128x128xf32, #tpu.memory_space<vmem>>, vector<1x16xf32>,
          %get3A_730 = vector.shape_cast %get3A_729 : vector<1x16xf32> to vector<16xf32>
          %add3A_731 = arith.addf %add3A_726, %get3A_730 : vector<16xf32>
          %swap3A_732 = arith.index_cast %scan3A_662 : i32 to index
          %swap3A_733 = arith.constant 48 : index
          %swap3A_734 = tpu.vector_load %arg10[%swap3A_732, %swap3A_733] {strides = array<i32>} : memref<128x128xf32, #tpu.memory_space<vmem>>, vector<1x16xf32>,
          %swap3A_735 = vector.shape_cast %swap3A_734 : vector<1x16xf32> to vector<16xf32>
          %swap3A_736 = vector.shape_cast %add3A_731 : vector<16xf32> to vector<1x16xf32>
          tpu.vector_store %arg10[%swap3A_732, %swap3A_733], %swap3A_736 {strides = array<i32>} : memref<128x128xf32, #tpu.memory_space<vmem>>, vector<1x16xf32>,
          %get3A_737 = arith.index_cast %scan3A_662 : i32 to index
          %get3A_738 = arith.constant 64 : index
          %get3A_739 = tpu.vector_load %arg10[%get3A_737, %get3A_738] {strides = array<i32>} : memref<128x128xf32, #tpu.memory_space<vmem>>, vector<1x16xf32>,
          %get3A_740 = vector.shape_cast %get3A_739 : vector<1x16xf32> to vector<16xf32>
          %get3A_741 = arith.index_cast %scan3A_662 : i32 to index
          %get3A_742 = arith.constant 64 : index
          %get3A_743 = tpu.vector_load %arg17[%get3A_741, %get3A_742] {strides = array<i32>} : memref<128x128xf32, #tpu.memory_space<vmem>>, vector<1x16xf32>,
          %get3A_744 = vector.shape_cast %get3A_743 : vector<1x16xf32> to vector<16xf32>
          %add3A_745 = arith.addf %get3A_740, %get3A_744 : vector<16xf32>
          %get3A_746 = arith.index_cast %scan3A_662 : i32 to index
          %get3A_747 = arith.constant 64 : index
          %get3A_748 = tpu.vector_load %arg18[%get3A_746, %get3A_747] {strides = array<i32>} : memref<128x128xf32, #tpu.memory_space<vmem>>, vector<1x16xf32>,
          %get3A_749 = vector.shape_cast %get3A_748 : vector<1x16xf32> to vector<16xf32>
          %add3A_750 = arith.addf %add3A_745, %get3A_749 : vector<16xf32>
          %swap3A_751 = arith.index_cast %scan3A_662 : i32 to index
          %swap3A_752 = arith.constant 64 : index
          %swap3A_753 = tpu.vector_load %arg10[%swap3A_751, %swap3A_752] {strides = array<i32>} : memref<128x128xf32, #tpu.memory_space<vmem>>, vector<1x16xf32>,
          %swap3A_754 = vector.shape_cast %swap3A_753 : vector<1x16xf32> to vector<16xf32>
          %swap3A_755 = vector.shape_cast %add3A_750 : vector<16xf32> to vector<1x16xf32>
          tpu.vector_store %arg10[%swap3A_751, %swap3A_752], %swap3A_755 {strides = array<i32>} : memref<128x128xf32, #tpu.memory_space<vmem>>, vector<1x16xf32>,
          %get3A_756 = arith.index_cast %scan3A_662 : i32 to index
          %get3A_757 = arith.constant 80 : index
          %get3A_758 = tpu.vector_load %arg10[%get3A_756, %get3A_757] {strides = array<i32>} : memref<128x128xf32, #tpu.memory_space<vmem>>, vector<1x16xf32>,
          %get3A_759 = vector.shape_cast %get3A_758 : vector<1x16xf32> to vector<16xf32>
          %get3A_760 = arith.index_cast %scan3A_662 : i32 to index
          %get3A_761 = arith.constant 80 : index
          %get3A_762 = tpu.vector_load %arg17[%get3A_760, %get3A_761] {strides = array<i32>} : memref<128x128xf32, #tpu.memory_space<vmem>>, vector<1x16xf32>,
          %get3A_763 = vector.shape_cast %get3A_762 : vector<1x16xf32> to vector<16xf32>
          %add3A_764 = arith.addf %get3A_759, %get3A_763 : vector<16xf32>
          %get3A_765 = arith.index_cast %scan3A_662 : i32 to index
          %get3A_766 = arith.constant 80 : index
          %get3A_767 = tpu.vector_load %arg18[%get3A_765, %get3A_766] {strides = array<i32>} : memref<128x128xf32, #tpu.memory_space<vmem>>, vector<1x16xf32>,
          %get3A_768 = vector.shape_cast %get3A_767 : vector<1x16xf32> to vector<16xf32>
          %add3A_769 = arith.addf %add3A_764, %get3A_768 : vector<16xf32>
          %swap3A_770 = arith.index_cast %scan3A_662 : i32 to index
          %swap3A_771 = arith.constant 80 : index
          %swap3A_772 = tpu.vector_load %arg10[%swap3A_770, %swap3A_771] {strides = array<i32>} : memref<128x128xf32, #tpu.memory_space<vmem>>, vector<1x16xf32>,
          %swap3A_773 = vector.shape_cast %swap3A_772 : vector<1x16xf32> to vector<16xf32>
          %swap3A_774 = vector.shape_cast %add3A_769 : vector<16xf32> to vector<1x16xf32>
          tpu.vector_store %arg10[%swap3A_770, %swap3A_771], %swap3A_774 {strides = array<i32>} : memref<128x128xf32, #tpu.memory_space<vmem>>, vector<1x16xf32>,
          %get3A_775 = arith.index_cast %scan3A_662 : i32 to index
          %get3A_776 = arith.constant 96 : index
          %get3A_777 = tpu.vector_load %arg10[%get3A_775, %get3A_776] {strides = array<i32>} : memref<128x128xf32, #tpu.memory_space<vmem>>, vector<1x16xf32>,
          %get3A_778 = vector.shape_cast %get3A_777 : vector<1x16xf32> to vector<16xf32>
          %get3A_779 = arith.index_cast %scan3A_662 : i32 to index
          %get3A_780 = arith.constant 96 : index
          %get3A_781 = tpu.vector_load %arg17[%get3A_779, %get3A_780] {strides = array<i32>} : memref<128x128xf32, #tpu.memory_space<vmem>>, vector<1x16xf32>,
          %get3A_782 = vector.shape_cast %get3A_781 : vector<1x16xf32> to vector<16xf32>
          %add3A_783 = arith.addf %get3A_778, %get3A_782 : vector<16xf32>
          %get3A_784 = arith.index_cast %scan3A_662 : i32 to index
          %get3A_785 = arith.constant 96 : index
          %get3A_786 = tpu.vector_load %arg18[%get3A_784, %get3A_785] {strides = array<i32>} : memref<128x128xf32, #tpu.memory_space<vmem>>, vector<1x16xf32>,
          %get3A_787 = vector.shape_cast %get3A_786 : vector<1x16xf32> to vector<16xf32>
          %add3A_788 = arith.addf %add3A_783, %get3A_787 : vector<16xf32>
          %swap3A_789 = arith.index_cast %scan3A_662 : i32 to index
          %swap3A_790 = arith.constant 96 : index
          %swap3A_791 = tpu.vector_load %arg10[%swap3A_789, %swap3A_790] {strides = array<i32>} : memref<128x128xf32, #tpu.memory_space<vmem>>, vector<1x16xf32>,
          %swap3A_792 = vector.shape_cast %swap3A_791 : vector<1x16xf32> to vector<16xf32>
          %swap3A_793 = vector.shape_cast %add3A_788 : vector<16xf32> to vector<1x16xf32>
          tpu.vector_store %arg10[%swap3A_789, %swap3A_790], %swap3A_793 {strides = array<i32>} : memref<128x128xf32, #tpu.memory_space<vmem>>, vector<1x16xf32>,
          %get3A_794 = arith.index_cast %scan3A_662 : i32 to index
          %get3A_795 = arith.constant 112 : index
          %get3A_796 = tpu.vector_load %arg10[%get3A_794, %get3A_795] {strides = array<i32>} : memref<128x128xf32, #tpu.memory_space<vmem>>, vector<1x16xf32>,
          %get3A_797 = vector.shape_cast %get3A_796 : vector<1x16xf32> to vector<16xf32>
          %get3A_798 = arith.index_cast %scan3A_662 : i32 to index
          %get3A_799 = arith.constant 112 : index
          %get3A_800 = tpu.vector_load %arg17[%get3A_798, %get3A_799] {strides = array<i32>} : memref<128x128xf32, #tpu.memory_space<vmem>>, vector<1x16xf32>,
          %get3A_801 = vector.shape_cast %get3A_800 : vector<1x16xf32> to vector<16xf32>
          %add3A_802 = arith.addf %get3A_797, %get3A_801 : vector<16xf32>
          %get3A_803 = arith.index_cast %scan3A_662 : i32 to index
          %get3A_804 = arith.constant 112 : index
          %get3A_805 = tpu.vector_load %arg18[%get3A_803, %get3A_804] {strides = array<i32>} : memref<128x128xf32, #tpu.memory_space<vmem>>, vector<1x16xf32>,
          %get3A_806 = vector.shape_cast %get3A_805 : vector<1x16xf32> to vector<16xf32>
          %add3A_807 = arith.addf %add3A_802, %get3A_806 : vector<16xf32>
          %swap3A_808 = arith.index_cast %scan3A_662 : i32 to index
          %swap3A_809 = arith.constant 112 : index
          %swap3A_810 = tpu.vector_load %arg10[%swap3A_808, %swap3A_809] {strides = array<i32>} : memref<128x128xf32, #tpu.memory_space<vmem>>, vector<1x16xf32>,
          %swap3A_811 = vector.shape_cast %swap3A_810 : vector<1x16xf32> to vector<16xf32>
          %swap3A_812 = vector.shape_cast %add3A_807 : vector<16xf32> to vector<1x16xf32>
          tpu.vector_store %arg10[%swap3A_808, %swap3A_809], %swap3A_812 {strides = array<i32>} : memref<128x128xf32, #tpu.memory_space<vmem>>, vector<1x16xf32>,
        }
        %scan3A_651 = arith.constant 128 : i32
        %mul3A_652 = arith.constant 32 : i32
        %mul3A_653 = arith.muli %add3A_361, %mul3A_652 : i32
        %add3A_654 = arith.addi %mul3A_653, %add3A : i32
        %mul3A_655 = arith.constant 128 : i32
        %mul3A_656 = arith.muli %add3A_654, %mul3A_655 : i32
        %min3A = arith.constant 99872 : i32
        %min3A_657 = arith.minsi %mul3A_656, %min3A : i32
        %dma_start3A_658 = arith.constant 0 : i32
        %dma_start3A_659 = tpu.memref_slice %arg7[%min3A_657, %dma_start3A_658] : memref<100000x128xf32, #tpu.memory_space<hbm>> -> memref<128x128xf32, #tpu.memory_space<hbm>>
        %dma_start3A_660 = arith.constant 0 : i32
        %dma_start3A_661 = tpu.memref_slice %arg7[%min3A_657, %dma_start3A_660] : memref<100000x128xf32, #tpu.memory_space<hbm>> -> memref<128x128xf32, #tpu.memory_space<hbm>>
        tpu.enqueue_dma source(%arg10 : memref<128x128xf32, #tpu.memory_space<vmem>>) target(%dma_start3A_661 : memref<128x128xf32, #tpu.memory_space<hbm>>) target_semaphore(%arg24 : memref<!tpu.dma_semaphore, #tpu.memory_space<semaphore_mem>>)
      } else {
      }
      %mul3A_454 = arith.constant 6 : i32
      %mul3A_455 = arith.muli %mul3A_454, %scan3A_71 : i32
      %add3A_456 = arith.constant 4 : i32
      %add3A_457 = arith.addi %mul3A_455, %add3A_456 : i32
      %sub3A_458 = arith.constant 2 : i32
      %sub3A_459 = arith.subi %add3A_457, %sub3A_458 : i32
      %ge3A_460 = arith.constant 0 : i32
      %ge3A_461 = arith.cmpi sge, %sub3A_459, %ge3A_460 : i32
      %lt3A_462 = arith.constant 25 : i32
      %lt3A_463 = arith.cmpi slt, %sub3A_459, %lt3A_462 : i32
      %and3A_464 = arith.andi %ge3A_461, %lt3A_463 : i1
      %mul3A_465 = arith.constant 32 : i32
      %mul3A_466 = arith.muli %sub3A_459, %mul3A_465 : i32
      %add3A_467 = arith.addi %mul3A_466, %add3A : i32
      %lt3A_468 = arith.constant 782 : i32
      %lt3A_469 = arith.cmpi slt, %add3A_467, %lt3A_468 : i32
      %and3A_470 = arith.andi %and3A_464, %lt3A_469 : i1
      %convert_element_type3A_471 = arith.extui %and3A_470 : i1 to i32
      %cond3A_472 = arith.constant 0 : i32
      %cond3A_473 = arith.cmpi ne, %convert_element_type3A_471, %cond3A_472 : i32
      scf.if %cond3A_473 {
        %dma_wait3A_646 = arith.constant 0 : i32
        %dma_wait3A_647 = arith.constant 0 : i32
        %dma_wait3A_648 = tpu.memref_slice %arg7[%dma_wait3A_646, %dma_wait3A_647] : memref<100000x128xf32, #tpu.memory_space<hbm>> -> memref<128x128xf32, #tpu.memory_space<hbm>>
        %dma_wait3A_649 = arith.constant 0 : i32
        %dma_wait3A_650 = arith.constant 0 : i32
        %dma_wait3A_651 = tpu.memref_slice %arg7[%dma_wait3A_649, %dma_wait3A_650] : memref<100000x128xf32, #tpu.memory_space<hbm>> -> memref<128x128xf32, #tpu.memory_space<hbm>>
        tpu.wait_dma2 semaphore(%arg26 : memref<!tpu.dma_semaphore, #tpu.memory_space<semaphore_mem>>) src(%arg12 : memref<128x128xf32, #tpu.memory_space<vmem>>) dst(%dma_wait3A_651 : memref<128x128xf32, #tpu.memory_space<hbm>>)
      } else {
      }
      %add3A_474 = arith.constant 1 : i32
      %add3A_475 = arith.addi %add3A_457, %add3A_474 : i32
      %ge3A_476 = arith.constant 0 : i32
      %ge3A_477 = arith.cmpi sge, %add3A_475, %ge3A_476 : i32
      %lt3A_478 = arith.constant 25 : i32
      %lt3A_479 = arith.cmpi slt, %add3A_475, %lt3A_478 : i32
      %and3A_480 = arith.andi %ge3A_477, %lt3A_479 : i1
      %mul3A_481 = arith.constant 32 : i32
      %mul3A_482 = arith.muli %add3A_475, %mul3A_481 : i32
      %add3A_483 = arith.addi %mul3A_482, %add3A : i32
      %lt3A_484 = arith.constant 782 : i32
      %lt3A_485 = arith.cmpi slt, %add3A_483, %lt3A_484 : i32
      %and3A_486 = arith.andi %and3A_480, %lt3A_485 : i1
      %convert_element_type3A_487 = arith.extui %and3A_486 : i1 to i32
      %cond3A_488 = arith.constant 0 : i32
      %cond3A_489 = arith.cmpi ne, %convert_element_type3A_487, %cond3A_488 : i32
      scf.if %cond3A_489 {
        %add3A_646 = arith.constant 1 : i32
        %add3A_647 = arith.addi %add3A_457, %add3A_646 : i32
        %mul3A_648 = arith.constant 32 : i32
        %mul3A_649 = arith.muli %add3A_647, %mul3A_648 : i32
        %add3A_650 = arith.addi %mul3A_649, %add3A : i32
        %mul3A_651 = arith.constant 128 : i32
        %mul3A_652 = arith.muli %add3A_650, %mul3A_651 : i32
        %min3A = arith.constant 99872 : i32
        %min3A_653 = arith.minsi %mul3A_652, %min3A : i32
        %dma_start3A_654 = arith.constant 0 : i32
        %dma_start3A_655 = tpu.memref_slice %arg2[%min3A_653, %dma_start3A_654] : memref<100000x128xf32, #tpu.memory_space<hbm>> -> memref<128x128xf32, #tpu.memory_space<hbm>>
        %dma_start3A_656 = arith.constant 0 : i32
        %dma_start3A_657 = tpu.memref_slice %arg2[%min3A_653, %dma_start3A_656] : memref<100000x128xf32, #tpu.memory_space<hbm>> -> memref<128x128xf32, #tpu.memory_space<hbm>>
        tpu.enqueue_dma source(%dma_start3A_657 : memref<128x128xf32, #tpu.memory_space<hbm>>) target(%arg12 : memref<128x128xf32, #tpu.memory_space<vmem>>) target_semaphore(%arg23 : memref<!tpu.dma_semaphore, #tpu.memory_space<semaphore_mem>>)
      } else {
      }
      %add3A_490 = arith.constant 1 : i32
      %add3A_491 = arith.addi %add3A_457, %add3A_490 : i32
      %ge3A_492 = arith.constant 0 : i32
      %ge3A_493 = arith.cmpi sge, %add3A_491, %ge3A_492 : i32
      %lt3A_494 = arith.constant 25 : i32
      %lt3A_495 = arith.cmpi slt, %add3A_491, %lt3A_494 : i32
      %and3A_496 = arith.andi %ge3A_493, %lt3A_495 : i1
      %mul3A_497 = arith.constant 32 : i32
      %mul3A_498 = arith.muli %add3A_491, %mul3A_497 : i32
      %add3A_499 = arith.addi %mul3A_498, %add3A : i32
      %lt3A_500 = arith.constant 782 : i32
      %lt3A_501 = arith.cmpi slt, %add3A_499, %lt3A_500 : i32
      %and3A_502 = arith.andi %and3A_496, %lt3A_501 : i1
      %convert_element_type3A_503 = arith.extui %and3A_502 : i1 to i32
      %cond3A_504 = arith.constant 0 : i32
      %cond3A_505 = arith.cmpi ne, %convert_element_type3A_503, %cond3A_504 : i32
      scf.if %cond3A_505 {
        %dma_wait3A_646 = arith.constant 0 : i32
        %dma_wait3A_647 = tpu.memref_slice %arg3[%dma_wait3A_646] : memref<100000xi32, #tpu.memory_space<hbm>> -> memref<128xi32, #tpu.memory_space<hbm>>
        %dma_wait3A_648 = arith.constant 0 : i32
        %dma_wait3A_649 = tpu.memref_slice %arg3[%dma_wait3A_648] : memref<100000xi32, #tpu.memory_space<hbm>> -> memref<128xi32, #tpu.memory_space<hbm>>
        tpu.wait_dma2 semaphore(%arg30 : memref<!tpu.dma_semaphore, #tpu.memory_space<semaphore_mem>>) src(%dma_wait3A_649 : memref<128xi32, #tpu.memory_space<hbm>>) dst(%arg19 : memref<128xi32, #tpu.memory_space<vmem>>)
        %dma_wait3A_650 = arith.constant 0 : i32
        %dma_wait3A_651 = tpu.memref_slice %arg4[%dma_wait3A_650] : memref<100000xi32, #tpu.memory_space<hbm>> -> memref<128xi32, #tpu.memory_space<hbm>>
        %dma_wait3A_652 = arith.constant 0 : i32
        %dma_wait3A_653 = tpu.memref_slice %arg4[%dma_wait3A_652] : memref<100000xi32, #tpu.memory_space<hbm>> -> memref<128xi32, #tpu.memory_space<hbm>>
        tpu.wait_dma2 semaphore(%arg30 : memref<!tpu.dma_semaphore, #tpu.memory_space<semaphore_mem>>) src(%dma_wait3A_653 : memref<128xi32, #tpu.memory_space<hbm>>) dst(%arg20 : memref<128xi32, #tpu.memory_space<vmem>>)
        %dma_start3A_654 = arith.constant 0 : i32
        %dma_start3A_655 = arith.constant 0 : i32
        %dma_start3A_656 = tpu.memref_slice %arg8[%dma_start3A_654, %dma_start3A_655] : memref<512x128xf32, #tpu.memory_space<vmem_shared>> -> memref<512x128xf32, #tpu.memory_space<vmem_shared>>
        tpu.enqueue_indirect_dma source(%dma_start3A_656 : memref<512x128xf32, #tpu.memory_space<vmem_shared>>) target(%arg17 : memref<128x128xf32, #tpu.memory_space<vmem>>) offsets(%arg19 : memref<128xi32, #tpu.memory_space<vmem>>) semaphore(%arg28 : memref<!tpu.dma_semaphore, #tpu.memory_space<semaphore_mem>>)
        %dma_start3A_657 = arith.constant 0 : i32
        %dma_start3A_658 = arith.constant 0 : i32
        %dma_start3A_659 = tpu.memref_slice %arg9[%dma_start3A_657, %dma_start3A_658] : memref<512x128xf32, #tpu.memory_space<vmem_shared>> -> memref<512x128xf32, #tpu.memory_space<vmem_shared>>
        tpu.enqueue_indirect_dma source(%dma_start3A_659 : memref<512x128xf32, #tpu.memory_space<vmem_shared>>) target(%arg18 : memref<128x128xf32, #tpu.memory_space<vmem>>) offsets(%arg20 : memref<128xi32, #tpu.memory_space<vmem>>) semaphore(%arg28 : memref<!tpu.dma_semaphore, #tpu.memory_space<semaphore_mem>>)
      } else {
      }
      %ge3A_506 = arith.constant 0 : i32
      %ge3A_507 = arith.cmpi sge, %add3A_457, %ge3A_506 : i32
      %lt3A_508 = arith.constant 25 : i32
      %lt3A_509 = arith.cmpi slt, %add3A_457, %lt3A_508 : i32
      %and3A_510 = arith.andi %ge3A_507, %lt3A_509 : i1
      %mul3A_511 = arith.constant 32 : i32
      %mul3A_512 = arith.muli %add3A_457, %mul3A_511 : i32
      %add3A_513 = arith.addi %mul3A_512, %add3A : i32
      %lt3A_514 = arith.constant 782 : i32
      %lt3A_515 = arith.cmpi slt, %add3A_513, %lt3A_514 : i32
      %and3A_516 = arith.andi %and3A_510, %lt3A_515 : i1
      %convert_element_type3A_517 = arith.extui %and3A_516 : i1 to i32
      %cond3A_518 = arith.constant 0 : i32
      %cond3A_519 = arith.cmpi ne, %convert_element_type3A_517, %cond3A_518 : i32
      scf.if %cond3A_519 {
        %dma_wait3A_646 = arith.constant 0 : i32
        %dma_wait3A_647 = arith.constant 0 : i32
        %dma_wait3A_648 = tpu.memref_slice %arg2[%dma_wait3A_646, %dma_wait3A_647] : memref<100000x128xf32, #tpu.memory_space<hbm>> -> memref<128x128xf32, #tpu.memory_space<hbm>>
        %dma_wait3A_649 = arith.constant 0 : i32
        %dma_wait3A_650 = arith.constant 0 : i32
        %dma_wait3A_651 = tpu.memref_slice %arg2[%dma_wait3A_649, %dma_wait3A_650] : memref<100000x128xf32, #tpu.memory_space<hbm>> -> memref<128x128xf32, #tpu.memory_space<hbm>>
        tpu.wait_dma2 semaphore(%arg22 : memref<!tpu.dma_semaphore, #tpu.memory_space<semaphore_mem>>) src(%dma_wait3A_651 : memref<128x128xf32, #tpu.memory_space<hbm>>) dst(%arg11 : memref<128x128xf32, #tpu.memory_space<vmem>>)
        %dma_wait3A_652 = arith.constant 0 : i32
        %dma_wait3A_653 = arith.constant 0 : i32
        %dma_wait3A_654 = tpu.memref_slice %arg8[%dma_wait3A_652, %dma_wait3A_653] : memref<512x128xf32, #tpu.memory_space<vmem_shared>> -> memref<128x128xf32, #tpu.memory_space<vmem_shared>>
        %dma_wait3A_655 = arith.constant 0 : i32
        %dma_wait3A_656 = arith.constant 0 : i32
        %dma_wait3A_657 = tpu.memref_slice %arg8[%dma_wait3A_655, %dma_wait3A_656] : memref<512x128xf32, #tpu.memory_space<vmem_shared>> -> memref<128x128xf32, #tpu.memory_space<vmem_shared>>
        tpu.wait_dma2 semaphore(%arg27 : memref<!tpu.dma_semaphore, #tpu.memory_space<semaphore_mem>>) src(%dma_wait3A_657 : memref<128x128xf32, #tpu.memory_space<vmem_shared>>) dst(%arg13 : memref<128x128xf32, #tpu.memory_space<vmem>>)
        %dma_wait3A_658 = arith.constant 0 : i32
        %dma_wait3A_659 = arith.constant 0 : i32
        %dma_wait3A_660 = tpu.memref_slice %arg9[%dma_wait3A_658, %dma_wait3A_659] : memref<512x128xf32, #tpu.memory_space<vmem_shared>> -> memref<128x128xf32, #tpu.memory_space<vmem_shared>>
        %dma_wait3A_661 = arith.constant 0 : i32
        %dma_wait3A_662 = arith.constant 0 : i32
        %dma_wait3A_663 = tpu.memref_slice %arg9[%dma_wait3A_661, %dma_wait3A_662] : memref<512x128xf32, #tpu.memory_space<vmem_shared>> -> memref<128x128xf32, #tpu.memory_space<vmem_shared>>
        tpu.wait_dma2 semaphore(%arg27 : memref<!tpu.dma_semaphore, #tpu.memory_space<semaphore_mem>>) src(%dma_wait3A_663 : memref<128x128xf32, #tpu.memory_space<vmem_shared>>) dst(%arg14 : memref<128x128xf32, #tpu.memory_space<vmem>>)
      } else {
      }
      %add3A_520 = arith.constant 2 : i32
      %add3A_521 = arith.addi %add3A_457, %add3A_520 : i32
      %ge3A_522 = arith.constant 0 : i32
      %ge3A_523 = arith.cmpi sge, %add3A_521, %ge3A_522 : i32
      %lt3A_524 = arith.constant 25 : i32
      %lt3A_525 = arith.cmpi slt, %add3A_521, %lt3A_524 : i32
      %and3A_526 = arith.andi %ge3A_523, %lt3A_525 : i1
      %mul3A_527 = arith.constant 32 : i32
      %mul3A_528 = arith.muli %add3A_521, %mul3A_527 : i32
      %add3A_529 = arith.addi %mul3A_528, %add3A : i32
      %lt3A_530 = arith.constant 782 : i32
      %lt3A_531 = arith.cmpi slt, %add3A_529, %lt3A_530 : i32
      %and3A_532 = arith.andi %and3A_526, %lt3A_531 : i1
      %convert_element_type3A_533 = arith.extui %and3A_532 : i1 to i32
      %cond3A_534 = arith.constant 0 : i32
      %cond3A_535 = arith.cmpi ne, %convert_element_type3A_533, %cond3A_534 : i32
      scf.if %cond3A_535 {
        %add3A_646 = arith.constant 2 : i32
        %add3A_647 = arith.addi %add3A_457, %add3A_646 : i32
        %mul3A_648 = arith.constant 32 : i32
        %mul3A_649 = arith.muli %add3A_647, %mul3A_648 : i32
        %add3A_650 = arith.addi %mul3A_649, %add3A : i32
        %mul3A_651 = arith.constant 128 : i32
        %mul3A_652 = arith.muli %add3A_650, %mul3A_651 : i32
        %min3A = arith.constant 99872 : i32
        %min3A_653 = arith.minsi %mul3A_652, %min3A : i32
        %dma_start3A_654 = tpu.memref_slice %arg3[%min3A_653] : memref<100000xi32, #tpu.memory_space<hbm>> -> memref<128xi32, #tpu.memory_space<hbm>>
        %dma_start3A_655 = tpu.memref_slice %arg3[%min3A_653] : memref<100000xi32, #tpu.memory_space<hbm>> -> memref<128xi32, #tpu.memory_space<hbm>>
        tpu.enqueue_dma source(%dma_start3A_655 : memref<128xi32, #tpu.memory_space<hbm>>) target(%arg15 : memref<128xi32, #tpu.memory_space<vmem>>) target_semaphore(%arg29 : memref<!tpu.dma_semaphore, #tpu.memory_space<semaphore_mem>>)
        %dma_start3A_656 = tpu.memref_slice %arg4[%min3A_653] : memref<100000xi32, #tpu.memory_space<hbm>> -> memref<128xi32, #tpu.memory_space<hbm>>
        %dma_start3A_657 = tpu.memref_slice %arg4[%min3A_653] : memref<100000xi32, #tpu.memory_space<hbm>> -> memref<128xi32, #tpu.memory_space<hbm>>
        tpu.enqueue_dma source(%dma_start3A_657 : memref<128xi32, #tpu.memory_space<hbm>>) target(%arg16 : memref<128xi32, #tpu.memory_space<vmem>>) target_semaphore(%arg29 : memref<!tpu.dma_semaphore, #tpu.memory_space<semaphore_mem>>)
      } else {
      }
      %ge3A_536 = arith.constant 0 : i32
      %ge3A_537 = arith.cmpi sge, %add3A_457, %ge3A_536 : i32
      %lt3A_538 = arith.constant 25 : i32
      %lt3A_539 = arith.cmpi slt, %add3A_457, %lt3A_538 : i32
      %and3A_540 = arith.andi %ge3A_537, %lt3A_539 : i1
      %mul3A_541 = arith.constant 32 : i32
      %mul3A_542 = arith.muli %add3A_457, %mul3A_541 : i32
      %add3A_543 = arith.addi %mul3A_542, %add3A : i32
      %lt3A_544 = arith.constant 782 : i32
      %lt3A_545 = arith.cmpi slt, %add3A_543, %lt3A_544 : i32
      %and3A_546 = arith.andi %and3A_540, %lt3A_545 : i1
      %convert_element_type3A_547 = arith.extui %and3A_546 : i1 to i32
      %cond3A_548 = arith.constant 0 : i32
      %cond3A_549 = arith.cmpi ne, %convert_element_type3A_547, %cond3A_548 : i32
      scf.if %cond3A_549 {
        %scan3A_646 = arith.constant 0 : i32
        %scan3A_647 = arith.constant 0 : i32
        %scan3A_648 = arith.constant 128 : i32
        %scan3A_649 = arith.addi %scan3A_647, %scan3A_648 : i32
        %scan3A_650 = arith.constant 1 : i32
        scf.for %scan3A_662 = %scan3A_647 to %scan3A_649 step %scan3A_650  : i32 {
          %get3A = arith.index_cast %scan3A_662 : i32 to index
          %get3A_663 = arith.constant 0 : index
          %get3A_664 = tpu.vector_load %arg11[%get3A, %get3A_663] {strides = array<i32>} : memref<128x128xf32, #tpu.memory_space<vmem>>, vector<1x16xf32>,
          %get3A_665 = vector.shape_cast %get3A_664 : vector<1x16xf32> to vector<16xf32>
          %get3A_666 = arith.index_cast %scan3A_662 : i32 to index
          %get3A_667 = arith.constant 0 : index
          %get3A_668 = tpu.vector_load %arg13[%get3A_666, %get3A_667] {strides = array<i32>} : memref<128x128xf32, #tpu.memory_space<vmem>>, vector<1x16xf32>,
          %get3A_669 = vector.shape_cast %get3A_668 : vector<1x16xf32> to vector<16xf32>
          %add3A_670 = arith.addf %get3A_665, %get3A_669 : vector<16xf32>
          %get3A_671 = arith.index_cast %scan3A_662 : i32 to index
          %get3A_672 = arith.constant 0 : index
          %get3A_673 = tpu.vector_load %arg14[%get3A_671, %get3A_672] {strides = array<i32>} : memref<128x128xf32, #tpu.memory_space<vmem>>, vector<1x16xf32>,
          %get3A_674 = vector.shape_cast %get3A_673 : vector<1x16xf32> to vector<16xf32>
          %add3A_675 = arith.addf %add3A_670, %get3A_674 : vector<16xf32>
          %swap3A = arith.index_cast %scan3A_662 : i32 to index
          %swap3A_676 = arith.constant 0 : index
          %swap3A_677 = tpu.vector_load %arg11[%swap3A, %swap3A_676] {strides = array<i32>} : memref<128x128xf32, #tpu.memory_space<vmem>>, vector<1x16xf32>,
          %swap3A_678 = vector.shape_cast %swap3A_677 : vector<1x16xf32> to vector<16xf32>
          %swap3A_679 = vector.shape_cast %add3A_675 : vector<16xf32> to vector<1x16xf32>
          tpu.vector_store %arg11[%swap3A, %swap3A_676], %swap3A_679 {strides = array<i32>} : memref<128x128xf32, #tpu.memory_space<vmem>>, vector<1x16xf32>,
          %get3A_680 = arith.index_cast %scan3A_662 : i32 to index
          %get3A_681 = arith.constant 16 : index
          %get3A_682 = tpu.vector_load %arg11[%get3A_680, %get3A_681] {strides = array<i32>} : memref<128x128xf32, #tpu.memory_space<vmem>>, vector<1x16xf32>,
          %get3A_683 = vector.shape_cast %get3A_682 : vector<1x16xf32> to vector<16xf32>
          %get3A_684 = arith.index_cast %scan3A_662 : i32 to index
          %get3A_685 = arith.constant 16 : index
          %get3A_686 = tpu.vector_load %arg13[%get3A_684, %get3A_685] {strides = array<i32>} : memref<128x128xf32, #tpu.memory_space<vmem>>, vector<1x16xf32>,
          %get3A_687 = vector.shape_cast %get3A_686 : vector<1x16xf32> to vector<16xf32>
          %add3A_688 = arith.addf %get3A_683, %get3A_687 : vector<16xf32>
          %get3A_689 = arith.index_cast %scan3A_662 : i32 to index
          %get3A_690 = arith.constant 16 : index
          %get3A_691 = tpu.vector_load %arg14[%get3A_689, %get3A_690] {strides = array<i32>} : memref<128x128xf32, #tpu.memory_space<vmem>>, vector<1x16xf32>,
          %get3A_692 = vector.shape_cast %get3A_691 : vector<1x16xf32> to vector<16xf32>
          %add3A_693 = arith.addf %add3A_688, %get3A_692 : vector<16xf32>
          %swap3A_694 = arith.index_cast %scan3A_662 : i32 to index
          %swap3A_695 = arith.constant 16 : index
          %swap3A_696 = tpu.vector_load %arg11[%swap3A_694, %swap3A_695] {strides = array<i32>} : memref<128x128xf32, #tpu.memory_space<vmem>>, vector<1x16xf32>,
          %swap3A_697 = vector.shape_cast %swap3A_696 : vector<1x16xf32> to vector<16xf32>
          %swap3A_698 = vector.shape_cast %add3A_693 : vector<16xf32> to vector<1x16xf32>
          tpu.vector_store %arg11[%swap3A_694, %swap3A_695], %swap3A_698 {strides = array<i32>} : memref<128x128xf32, #tpu.memory_space<vmem>>, vector<1x16xf32>,
          %get3A_699 = arith.index_cast %scan3A_662 : i32 to index
          %get3A_700 = arith.constant 32 : index
          %get3A_701 = tpu.vector_load %arg11[%get3A_699, %get3A_700] {strides = array<i32>} : memref<128x128xf32, #tpu.memory_space<vmem>>, vector<1x16xf32>,
          %get3A_702 = vector.shape_cast %get3A_701 : vector<1x16xf32> to vector<16xf32>
          %get3A_703 = arith.index_cast %scan3A_662 : i32 to index
          %get3A_704 = arith.constant 32 : index
          %get3A_705 = tpu.vector_load %arg13[%get3A_703, %get3A_704] {strides = array<i32>} : memref<128x128xf32, #tpu.memory_space<vmem>>, vector<1x16xf32>,
          %get3A_706 = vector.shape_cast %get3A_705 : vector<1x16xf32> to vector<16xf32>
          %add3A_707 = arith.addf %get3A_702, %get3A_706 : vector<16xf32>
          %get3A_708 = arith.index_cast %scan3A_662 : i32 to index
          %get3A_709 = arith.constant 32 : index
          %get3A_710 = tpu.vector_load %arg14[%get3A_708, %get3A_709] {strides = array<i32>} : memref<128x128xf32, #tpu.memory_space<vmem>>, vector<1x16xf32>,
          %get3A_711 = vector.shape_cast %get3A_710 : vector<1x16xf32> to vector<16xf32>
          %add3A_712 = arith.addf %add3A_707, %get3A_711 : vector<16xf32>
          %swap3A_713 = arith.index_cast %scan3A_662 : i32 to index
          %swap3A_714 = arith.constant 32 : index
          %swap3A_715 = tpu.vector_load %arg11[%swap3A_713, %swap3A_714] {strides = array<i32>} : memref<128x128xf32, #tpu.memory_space<vmem>>, vector<1x16xf32>,
          %swap3A_716 = vector.shape_cast %swap3A_715 : vector<1x16xf32> to vector<16xf32>
          %swap3A_717 = vector.shape_cast %add3A_712 : vector<16xf32> to vector<1x16xf32>
          tpu.vector_store %arg11[%swap3A_713, %swap3A_714], %swap3A_717 {strides = array<i32>} : memref<128x128xf32, #tpu.memory_space<vmem>>, vector<1x16xf32>,
          %get3A_718 = arith.index_cast %scan3A_662 : i32 to index
          %get3A_719 = arith.constant 48 : index
          %get3A_720 = tpu.vector_load %arg11[%get3A_718, %get3A_719] {strides = array<i32>} : memref<128x128xf32, #tpu.memory_space<vmem>>, vector<1x16xf32>,
          %get3A_721 = vector.shape_cast %get3A_720 : vector<1x16xf32> to vector<16xf32>
          %get3A_722 = arith.index_cast %scan3A_662 : i32 to index
          %get3A_723 = arith.constant 48 : index
          %get3A_724 = tpu.vector_load %arg13[%get3A_722, %get3A_723] {strides = array<i32>} : memref<128x128xf32, #tpu.memory_space<vmem>>, vector<1x16xf32>,
          %get3A_725 = vector.shape_cast %get3A_724 : vector<1x16xf32> to vector<16xf32>
          %add3A_726 = arith.addf %get3A_721, %get3A_725 : vector<16xf32>
          %get3A_727 = arith.index_cast %scan3A_662 : i32 to index
          %get3A_728 = arith.constant 48 : index
          %get3A_729 = tpu.vector_load %arg14[%get3A_727, %get3A_728] {strides = array<i32>} : memref<128x128xf32, #tpu.memory_space<vmem>>, vector<1x16xf32>,
          %get3A_730 = vector.shape_cast %get3A_729 : vector<1x16xf32> to vector<16xf32>
          %add3A_731 = arith.addf %add3A_726, %get3A_730 : vector<16xf32>
          %swap3A_732 = arith.index_cast %scan3A_662 : i32 to index
          %swap3A_733 = arith.constant 48 : index
          %swap3A_734 = tpu.vector_load %arg11[%swap3A_732, %swap3A_733] {strides = array<i32>} : memref<128x128xf32, #tpu.memory_space<vmem>>, vector<1x16xf32>,
          %swap3A_735 = vector.shape_cast %swap3A_734 : vector<1x16xf32> to vector<16xf32>
          %swap3A_736 = vector.shape_cast %add3A_731 : vector<16xf32> to vector<1x16xf32>
          tpu.vector_store %arg11[%swap3A_732, %swap3A_733], %swap3A_736 {strides = array<i32>} : memref<128x128xf32, #tpu.memory_space<vmem>>, vector<1x16xf32>,
          %get3A_737 = arith.index_cast %scan3A_662 : i32 to index
          %get3A_738 = arith.constant 64 : index
          %get3A_739 = tpu.vector_load %arg11[%get3A_737, %get3A_738] {strides = array<i32>} : memref<128x128xf32, #tpu.memory_space<vmem>>, vector<1x16xf32>,
          %get3A_740 = vector.shape_cast %get3A_739 : vector<1x16xf32> to vector<16xf32>
          %get3A_741 = arith.index_cast %scan3A_662 : i32 to index
          %get3A_742 = arith.constant 64 : index
          %get3A_743 = tpu.vector_load %arg13[%get3A_741, %get3A_742] {strides = array<i32>} : memref<128x128xf32, #tpu.memory_space<vmem>>, vector<1x16xf32>,
          %get3A_744 = vector.shape_cast %get3A_743 : vector<1x16xf32> to vector<16xf32>
          %add3A_745 = arith.addf %get3A_740, %get3A_744 : vector<16xf32>
          %get3A_746 = arith.index_cast %scan3A_662 : i32 to index
          %get3A_747 = arith.constant 64 : index
          %get3A_748 = tpu.vector_load %arg14[%get3A_746, %get3A_747] {strides = array<i32>} : memref<128x128xf32, #tpu.memory_space<vmem>>, vector<1x16xf32>,
          %get3A_749 = vector.shape_cast %get3A_748 : vector<1x16xf32> to vector<16xf32>
          %add3A_750 = arith.addf %add3A_745, %get3A_749 : vector<16xf32>
          %swap3A_751 = arith.index_cast %scan3A_662 : i32 to index
          %swap3A_752 = arith.constant 64 : index
          %swap3A_753 = tpu.vector_load %arg11[%swap3A_751, %swap3A_752] {strides = array<i32>} : memref<128x128xf32, #tpu.memory_space<vmem>>, vector<1x16xf32>,
          %swap3A_754 = vector.shape_cast %swap3A_753 : vector<1x16xf32> to vector<16xf32>
          %swap3A_755 = vector.shape_cast %add3A_750 : vector<16xf32> to vector<1x16xf32>
          tpu.vector_store %arg11[%swap3A_751, %swap3A_752], %swap3A_755 {strides = array<i32>} : memref<128x128xf32, #tpu.memory_space<vmem>>, vector<1x16xf32>,
          %get3A_756 = arith.index_cast %scan3A_662 : i32 to index
          %get3A_757 = arith.constant 80 : index
          %get3A_758 = tpu.vector_load %arg11[%get3A_756, %get3A_757] {strides = array<i32>} : memref<128x128xf32, #tpu.memory_space<vmem>>, vector<1x16xf32>,
          %get3A_759 = vector.shape_cast %get3A_758 : vector<1x16xf32> to vector<16xf32>
          %get3A_760 = arith.index_cast %scan3A_662 : i32 to index
          %get3A_761 = arith.constant 80 : index
          %get3A_762 = tpu.vector_load %arg13[%get3A_760, %get3A_761] {strides = array<i32>} : memref<128x128xf32, #tpu.memory_space<vmem>>, vector<1x16xf32>,
          %get3A_763 = vector.shape_cast %get3A_762 : vector<1x16xf32> to vector<16xf32>
          %add3A_764 = arith.addf %get3A_759, %get3A_763 : vector<16xf32>
          %get3A_765 = arith.index_cast %scan3A_662 : i32 to index
          %get3A_766 = arith.constant 80 : index
          %get3A_767 = tpu.vector_load %arg14[%get3A_765, %get3A_766] {strides = array<i32>} : memref<128x128xf32, #tpu.memory_space<vmem>>, vector<1x16xf32>,
          %get3A_768 = vector.shape_cast %get3A_767 : vector<1x16xf32> to vector<16xf32>
          %add3A_769 = arith.addf %add3A_764, %get3A_768 : vector<16xf32>
          %swap3A_770 = arith.index_cast %scan3A_662 : i32 to index
          %swap3A_771 = arith.constant 80 : index
          %swap3A_772 = tpu.vector_load %arg11[%swap3A_770, %swap3A_771] {strides = array<i32>} : memref<128x128xf32, #tpu.memory_space<vmem>>, vector<1x16xf32>,
          %swap3A_773 = vector.shape_cast %swap3A_772 : vector<1x16xf32> to vector<16xf32>
          %swap3A_774 = vector.shape_cast %add3A_769 : vector<16xf32> to vector<1x16xf32>
          tpu.vector_store %arg11[%swap3A_770, %swap3A_771], %swap3A_774 {strides = array<i32>} : memref<128x128xf32, #tpu.memory_space<vmem>>, vector<1x16xf32>,
          %get3A_775 = arith.index_cast %scan3A_662 : i32 to index
          %get3A_776 = arith.constant 96 : index
          %get3A_777 = tpu.vector_load %arg11[%get3A_775, %get3A_776] {strides = array<i32>} : memref<128x128xf32, #tpu.memory_space<vmem>>, vector<1x16xf32>,
          %get3A_778 = vector.shape_cast %get3A_777 : vector<1x16xf32> to vector<16xf32>
          %get3A_779 = arith.index_cast %scan3A_662 : i32 to index
          %get3A_780 = arith.constant 96 : index
          %get3A_781 = tpu.vector_load %arg13[%get3A_779, %get3A_780] {strides = array<i32>} : memref<128x128xf32, #tpu.memory_space<vmem>>, vector<1x16xf32>,
          %get3A_782 = vector.shape_cast %get3A_781 : vector<1x16xf32> to vector<16xf32>
          %add3A_783 = arith.addf %get3A_778, %get3A_782 : vector<16xf32>
          %get3A_784 = arith.index_cast %scan3A_662 : i32 to index
          %get3A_785 = arith.constant 96 : index
          %get3A_786 = tpu.vector_load %arg14[%get3A_784, %get3A_785] {strides = array<i32>} : memref<128x128xf32, #tpu.memory_space<vmem>>, vector<1x16xf32>,
          %get3A_787 = vector.shape_cast %get3A_786 : vector<1x16xf32> to vector<16xf32>
          %add3A_788 = arith.addf %add3A_783, %get3A_787 : vector<16xf32>
          %swap3A_789 = arith.index_cast %scan3A_662 : i32 to index
          %swap3A_790 = arith.constant 96 : index
          %swap3A_791 = tpu.vector_load %arg11[%swap3A_789, %swap3A_790] {strides = array<i32>} : memref<128x128xf32, #tpu.memory_space<vmem>>, vector<1x16xf32>,
          %swap3A_792 = vector.shape_cast %swap3A_791 : vector<1x16xf32> to vector<16xf32>
          %swap3A_793 = vector.shape_cast %add3A_788 : vector<16xf32> to vector<1x16xf32>
          tpu.vector_store %arg11[%swap3A_789, %swap3A_790], %swap3A_793 {strides = array<i32>} : memref<128x128xf32, #tpu.memory_space<vmem>>, vector<1x16xf32>,
          %get3A_794 = arith.index_cast %scan3A_662 : i32 to index
          %get3A_795 = arith.constant 112 : index
          %get3A_796 = tpu.vector_load %arg11[%get3A_794, %get3A_795] {strides = array<i32>} : memref<128x128xf32, #tpu.memory_space<vmem>>, vector<1x16xf32>,
          %get3A_797 = vector.shape_cast %get3A_796 : vector<1x16xf32> to vector<16xf32>
          %get3A_798 = arith.index_cast %scan3A_662 : i32 to index
          %get3A_799 = arith.constant 112 : index
          %get3A_800 = tpu.vector_load %arg13[%get3A_798, %get3A_799] {strides = array<i32>} : memref<128x128xf32, #tpu.memory_space<vmem>>, vector<1x16xf32>,
          %get3A_801 = vector.shape_cast %get3A_800 : vector<1x16xf32> to vector<16xf32>
          %add3A_802 = arith.addf %get3A_797, %get3A_801 : vector<16xf32>
          %get3A_803 = arith.index_cast %scan3A_662 : i32 to index
          %get3A_804 = arith.constant 112 : index
          %get3A_805 = tpu.vector_load %arg14[%get3A_803, %get3A_804] {strides = array<i32>} : memref<128x128xf32, #tpu.memory_space<vmem>>, vector<1x16xf32>,
          %get3A_806 = vector.shape_cast %get3A_805 : vector<1x16xf32> to vector<16xf32>
          %add3A_807 = arith.addf %add3A_802, %get3A_806 : vector<16xf32>
          %swap3A_808 = arith.index_cast %scan3A_662 : i32 to index
          %swap3A_809 = arith.constant 112 : index
          %swap3A_810 = tpu.vector_load %arg11[%swap3A_808, %swap3A_809] {strides = array<i32>} : memref<128x128xf32, #tpu.memory_space<vmem>>, vector<1x16xf32>,
          %swap3A_811 = vector.shape_cast %swap3A_810 : vector<1x16xf32> to vector<16xf32>
          %swap3A_812 = vector.shape_cast %add3A_807 : vector<16xf32> to vector<1x16xf32>
          tpu.vector_store %arg11[%swap3A_808, %swap3A_809], %swap3A_812 {strides = array<i32>} : memref<128x128xf32, #tpu.memory_space<vmem>>, vector<1x16xf32>,
        }
        %scan3A_651 = arith.constant 128 : i32
        %mul3A_652 = arith.constant 32 : i32
        %mul3A_653 = arith.muli %add3A_457, %mul3A_652 : i32
        %add3A_654 = arith.addi %mul3A_653, %add3A : i32
        %mul3A_655 = arith.constant 128 : i32
        %mul3A_656 = arith.muli %add3A_654, %mul3A_655 : i32
        %min3A = arith.constant 99872 : i32
        %min3A_657 = arith.minsi %mul3A_656, %min3A : i32
        %dma_start3A_658 = arith.constant 0 : i32
        %dma_start3A_659 = tpu.memref_slice %arg7[%min3A_657, %dma_start3A_658] : memref<100000x128xf32, #tpu.memory_space<hbm>> -> memref<128x128xf32, #tpu.memory_space<hbm>>
        %dma_start3A_660 = arith.constant 0 : i32
        %dma_start3A_661 = tpu.memref_slice %arg7[%min3A_657, %dma_start3A_660] : memref<100000x128xf32, #tpu.memory_space<hbm>> -> memref<128x128xf32, #tpu.memory_space<hbm>>
        tpu.enqueue_dma source(%arg11 : memref<128x128xf32, #tpu.memory_space<vmem>>) target(%dma_start3A_661 : memref<128x128xf32, #tpu.memory_space<hbm>>) target_semaphore(%arg25 : memref<!tpu.dma_semaphore, #tpu.memory_space<semaphore_mem>>)
      } else {
      }
      %mul3A_550 = arith.constant 6 : i32
      %mul3A_551 = arith.muli %mul3A_550, %scan3A_71 : i32
      %add3A_552 = arith.constant 5 : i32
      %add3A_553 = arith.addi %mul3A_551, %add3A_552 : i32
      %sub3A_554 = arith.constant 2 : i32
      %sub3A_555 = arith.subi %add3A_553, %sub3A_554 : i32
      %ge3A_556 = arith.constant 0 : i32
      %ge3A_557 = arith.cmpi sge, %sub3A_555, %ge3A_556 : i32
      %lt3A_558 = arith.constant 25 : i32
      %lt3A_559 = arith.cmpi slt, %sub3A_555, %lt3A_558 : i32
      %and3A_560 = arith.andi %ge3A_557, %lt3A_559 : i1
      %mul3A_561 = arith.constant 32 : i32
      %mul3A_562 = arith.muli %sub3A_555, %mul3A_561 : i32
      %add3A_563 = arith.addi %mul3A_562, %add3A : i32
      %lt3A_564 = arith.constant 782 : i32
      %lt3A_565 = arith.cmpi slt, %add3A_563, %lt3A_564 : i32
      %and3A_566 = arith.andi %and3A_560, %lt3A_565 : i1
      %convert_element_type3A_567 = arith.extui %and3A_566 : i1 to i32
      %cond3A_568 = arith.constant 0 : i32
      %cond3A_569 = arith.cmpi ne, %convert_element_type3A_567, %cond3A_568 : i32
      scf.if %cond3A_569 {
        %dma_wait3A_646 = arith.constant 0 : i32
        %dma_wait3A_647 = arith.constant 0 : i32
        %dma_wait3A_648 = tpu.memref_slice %arg7[%dma_wait3A_646, %dma_wait3A_647] : memref<100000x128xf32, #tpu.memory_space<hbm>> -> memref<128x128xf32, #tpu.memory_space<hbm>>
        %dma_wait3A_649 = arith.constant 0 : i32
        %dma_wait3A_650 = arith.constant 0 : i32
        %dma_wait3A_651 = tpu.memref_slice %arg7[%dma_wait3A_649, %dma_wait3A_650] : memref<100000x128xf32, #tpu.memory_space<hbm>> -> memref<128x128xf32, #tpu.memory_space<hbm>>
        tpu.wait_dma2 semaphore(%arg24 : memref<!tpu.dma_semaphore, #tpu.memory_space<semaphore_mem>>) src(%arg10 : memref<128x128xf32, #tpu.memory_space<vmem>>) dst(%dma_wait3A_651 : memref<128x128xf32, #tpu.memory_space<hbm>>)
      } else {
      }
      %add3A_570 = arith.constant 1 : i32
      %add3A_571 = arith.addi %add3A_553, %add3A_570 : i32
      %ge3A_572 = arith.constant 0 : i32
      %ge3A_573 = arith.cmpi sge, %add3A_571, %ge3A_572 : i32
      %lt3A_574 = arith.constant 25 : i32
      %lt3A_575 = arith.cmpi slt, %add3A_571, %lt3A_574 : i32
      %and3A_576 = arith.andi %ge3A_573, %lt3A_575 : i1
      %mul3A_577 = arith.constant 32 : i32
      %mul3A_578 = arith.muli %add3A_571, %mul3A_577 : i32
      %add3A_579 = arith.addi %mul3A_578, %add3A : i32
      %lt3A_580 = arith.constant 782 : i32
      %lt3A_581 = arith.cmpi slt, %add3A_579, %lt3A_580 : i32
      %and3A_582 = arith.andi %and3A_576, %lt3A_581 : i1
      %convert_element_type3A_583 = arith.extui %and3A_582 : i1 to i32
      %cond3A_584 = arith.constant 0 : i32
      %cond3A_585 = arith.cmpi ne, %convert_element_type3A_583, %cond3A_584 : i32
      scf.if %cond3A_585 {
        %add3A_646 = arith.constant 1 : i32
        %add3A_647 = arith.addi %add3A_553, %add3A_646 : i32
        %mul3A_648 = arith.constant 32 : i32
        %mul3A_649 = arith.muli %add3A_647, %mul3A_648 : i32
        %add3A_650 = arith.addi %mul3A_649, %add3A : i32
        %mul3A_651 = arith.constant 128 : i32
        %mul3A_652 = arith.muli %add3A_650, %mul3A_651 : i32
        %min3A = arith.constant 99872 : i32
        %min3A_653 = arith.minsi %mul3A_652, %min3A : i32
        %dma_start3A_654 = arith.constant 0 : i32
        %dma_start3A_655 = tpu.memref_slice %arg2[%min3A_653, %dma_start3A_654] : memref<100000x128xf32, #tpu.memory_space<hbm>> -> memref<128x128xf32, #tpu.memory_space<hbm>>
        %dma_start3A_656 = arith.constant 0 : i32
        %dma_start3A_657 = tpu.memref_slice %arg2[%min3A_653, %dma_start3A_656] : memref<100000x128xf32, #tpu.memory_space<hbm>> -> memref<128x128xf32, #tpu.memory_space<hbm>>
        tpu.enqueue_dma source(%dma_start3A_657 : memref<128x128xf32, #tpu.memory_space<hbm>>) target(%arg10 : memref<128x128xf32, #tpu.memory_space<vmem>>) target_semaphore(%arg21 : memref<!tpu.dma_semaphore, #tpu.memory_space<semaphore_mem>>)
      } else {
      }
      %add3A_586 = arith.constant 1 : i32
      %add3A_587 = arith.addi %add3A_553, %add3A_586 : i32
      %ge3A_588 = arith.constant 0 : i32
      %ge3A_589 = arith.cmpi sge, %add3A_587, %ge3A_588 : i32
      %lt3A_590 = arith.constant 25 : i32
      %lt3A_591 = arith.cmpi slt, %add3A_587, %lt3A_590 : i32
      %and3A_592 = arith.andi %ge3A_589, %lt3A_591 : i1
      %mul3A_593 = arith.constant 32 : i32
      %mul3A_594 = arith.muli %add3A_587, %mul3A_593 : i32
      %add3A_595 = arith.addi %mul3A_594, %add3A : i32
      %lt3A_596 = arith.constant 782 : i32
      %lt3A_597 = arith.cmpi slt, %add3A_595, %lt3A_596 : i32
      %and3A_598 = arith.andi %and3A_592, %lt3A_597 : i1
      %convert_element_type3A_599 = arith.extui %and3A_598 : i1 to i32
      %cond3A_600 = arith.constant 0 : i32
      %cond3A_601 = arith.cmpi ne, %convert_element_type3A_599, %cond3A_600 : i32
      scf.if %cond3A_601 {
        %dma_wait3A_646 = arith.constant 0 : i32
        %dma_wait3A_647 = tpu.memref_slice %arg3[%dma_wait3A_646] : memref<100000xi32, #tpu.memory_space<hbm>> -> memref<128xi32, #tpu.memory_space<hbm>>
        %dma_wait3A_648 = arith.constant 0 : i32
        %dma_wait3A_649 = tpu.memref_slice %arg3[%dma_wait3A_648] : memref<100000xi32, #tpu.memory_space<hbm>> -> memref<128xi32, #tpu.memory_space<hbm>>
        tpu.wait_dma2 semaphore(%arg29 : memref<!tpu.dma_semaphore, #tpu.memory_space<semaphore_mem>>) src(%dma_wait3A_649 : memref<128xi32, #tpu.memory_space<hbm>>) dst(%arg15 : memref<128xi32, #tpu.memory_space<vmem>>)
        %dma_wait3A_650 = arith.constant 0 : i32
        %dma_wait3A_651 = tpu.memref_slice %arg4[%dma_wait3A_650] : memref<100000xi32, #tpu.memory_space<hbm>> -> memref<128xi32, #tpu.memory_space<hbm>>
        %dma_wait3A_652 = arith.constant 0 : i32
        %dma_wait3A_653 = tpu.memref_slice %arg4[%dma_wait3A_652] : memref<100000xi32, #tpu.memory_space<hbm>> -> memref<128xi32, #tpu.memory_space<hbm>>
        tpu.wait_dma2 semaphore(%arg29 : memref<!tpu.dma_semaphore, #tpu.memory_space<semaphore_mem>>) src(%dma_wait3A_653 : memref<128xi32, #tpu.memory_space<hbm>>) dst(%arg16 : memref<128xi32, #tpu.memory_space<vmem>>)
        %dma_start3A_654 = arith.constant 0 : i32
        %dma_start3A_655 = arith.constant 0 : i32
        %dma_start3A_656 = tpu.memref_slice %arg8[%dma_start3A_654, %dma_start3A_655] : memref<512x128xf32, #tpu.memory_space<vmem_shared>> -> memref<512x128xf32, #tpu.memory_space<vmem_shared>>
        tpu.enqueue_indirect_dma source(%dma_start3A_656 : memref<512x128xf32, #tpu.memory_space<vmem_shared>>) target(%arg13 : memref<128x128xf32, #tpu.memory_space<vmem>>) offsets(%arg15 : memref<128xi32, #tpu.memory_space<vmem>>) semaphore(%arg27 : memref<!tpu.dma_semaphore, #tpu.memory_space<semaphore_mem>>)
        %dma_start3A_657 = arith.constant 0 : i32
        %dma_start3A_658 = arith.constant 0 : i32
        %dma_start3A_659 = tpu.memref_slice %arg9[%dma_start3A_657, %dma_start3A_658] : memref<512x128xf32, #tpu.memory_space<vmem_shared>> -> memref<512x128xf32, #tpu.memory_space<vmem_shared>>
        tpu.enqueue_indirect_dma source(%dma_start3A_659 : memref<512x128xf32, #tpu.memory_space<vmem_shared>>) target(%arg14 : memref<128x128xf32, #tpu.memory_space<vmem>>) offsets(%arg16 : memref<128xi32, #tpu.memory_space<vmem>>) semaphore(%arg27 : memref<!tpu.dma_semaphore, #tpu.memory_space<semaphore_mem>>)
      } else {
      }
      %ge3A_602 = arith.constant 0 : i32
      %ge3A_603 = arith.cmpi sge, %add3A_553, %ge3A_602 : i32
      %lt3A_604 = arith.constant 25 : i32
      %lt3A_605 = arith.cmpi slt, %add3A_553, %lt3A_604 : i32
      %and3A_606 = arith.andi %ge3A_603, %lt3A_605 : i1
      %mul3A_607 = arith.constant 32 : i32
      %mul3A_608 = arith.muli %add3A_553, %mul3A_607 : i32
      %add3A_609 = arith.addi %mul3A_608, %add3A : i32
      %lt3A_610 = arith.constant 782 : i32
      %lt3A_611 = arith.cmpi slt, %add3A_609, %lt3A_610 : i32
      %and3A_612 = arith.andi %and3A_606, %lt3A_611 : i1
      %convert_element_type3A_613 = arith.extui %and3A_612 : i1 to i32
      %cond3A_614 = arith.constant 0 : i32
      %cond3A_615 = arith.cmpi ne, %convert_element_type3A_613, %cond3A_614 : i32
      scf.if %cond3A_615 {
        %dma_wait3A_646 = arith.constant 0 : i32
        %dma_wait3A_647 = arith.constant 0 : i32
        %dma_wait3A_648 = tpu.memref_slice %arg2[%dma_wait3A_646, %dma_wait3A_647] : memref<100000x128xf32, #tpu.memory_space<hbm>> -> memref<128x128xf32, #tpu.memory_space<hbm>>
        %dma_wait3A_649 = arith.constant 0 : i32
        %dma_wait3A_650 = arith.constant 0 : i32
        %dma_wait3A_651 = tpu.memref_slice %arg2[%dma_wait3A_649, %dma_wait3A_650] : memref<100000x128xf32, #tpu.memory_space<hbm>> -> memref<128x128xf32, #tpu.memory_space<hbm>>
        tpu.wait_dma2 semaphore(%arg23 : memref<!tpu.dma_semaphore, #tpu.memory_space<semaphore_mem>>) src(%dma_wait3A_651 : memref<128x128xf32, #tpu.memory_space<hbm>>) dst(%arg12 : memref<128x128xf32, #tpu.memory_space<vmem>>)
        %dma_wait3A_652 = arith.constant 0 : i32
        %dma_wait3A_653 = arith.constant 0 : i32
        %dma_wait3A_654 = tpu.memref_slice %arg8[%dma_wait3A_652, %dma_wait3A_653] : memref<512x128xf32, #tpu.memory_space<vmem_shared>> -> memref<128x128xf32, #tpu.memory_space<vmem_shared>>
        %dma_wait3A_655 = arith.constant 0 : i32
        %dma_wait3A_656 = arith.constant 0 : i32
        %dma_wait3A_657 = tpu.memref_slice %arg8[%dma_wait3A_655, %dma_wait3A_656] : memref<512x128xf32, #tpu.memory_space<vmem_shared>> -> memref<128x128xf32, #tpu.memory_space<vmem_shared>>
        tpu.wait_dma2 semaphore(%arg28 : memref<!tpu.dma_semaphore, #tpu.memory_space<semaphore_mem>>) src(%dma_wait3A_657 : memref<128x128xf32, #tpu.memory_space<vmem_shared>>) dst(%arg17 : memref<128x128xf32, #tpu.memory_space<vmem>>)
        %dma_wait3A_658 = arith.constant 0 : i32
        %dma_wait3A_659 = arith.constant 0 : i32
        %dma_wait3A_660 = tpu.memref_slice %arg9[%dma_wait3A_658, %dma_wait3A_659] : memref<512x128xf32, #tpu.memory_space<vmem_shared>> -> memref<128x128xf32, #tpu.memory_space<vmem_shared>>
        %dma_wait3A_661 = arith.constant 0 : i32
        %dma_wait3A_662 = arith.constant 0 : i32
        %dma_wait3A_663 = tpu.memref_slice %arg9[%dma_wait3A_661, %dma_wait3A_662] : memref<512x128xf32, #tpu.memory_space<vmem_shared>> -> memref<128x128xf32, #tpu.memory_space<vmem_shared>>
        tpu.wait_dma2 semaphore(%arg28 : memref<!tpu.dma_semaphore, #tpu.memory_space<semaphore_mem>>) src(%dma_wait3A_663 : memref<128x128xf32, #tpu.memory_space<vmem_shared>>) dst(%arg18 : memref<128x128xf32, #tpu.memory_space<vmem>>)
      } else {
      }
      %add3A_616 = arith.constant 2 : i32
      %add3A_617 = arith.addi %add3A_553, %add3A_616 : i32
      %ge3A_618 = arith.constant 0 : i32
      %ge3A_619 = arith.cmpi sge, %add3A_617, %ge3A_618 : i32
      %lt3A_620 = arith.constant 25 : i32
      %lt3A_621 = arith.cmpi slt, %add3A_617, %lt3A_620 : i32
      %and3A_622 = arith.andi %ge3A_619, %lt3A_621 : i1
      %mul3A_623 = arith.constant 32 : i32
      %mul3A_624 = arith.muli %add3A_617, %mul3A_623 : i32
      %add3A_625 = arith.addi %mul3A_624, %add3A : i32
      %lt3A_626 = arith.constant 782 : i32
      %lt3A_627 = arith.cmpi slt, %add3A_625, %lt3A_626 : i32
      %and3A_628 = arith.andi %and3A_622, %lt3A_627 : i1
      %convert_element_type3A_629 = arith.extui %and3A_628 : i1 to i32
      %cond3A_630 = arith.constant 0 : i32
      %cond3A_631 = arith.cmpi ne, %convert_element_type3A_629, %cond3A_630 : i32
      scf.if %cond3A_631 {
        %add3A_646 = arith.constant 2 : i32
        %add3A_647 = arith.addi %add3A_553, %add3A_646 : i32
        %mul3A_648 = arith.constant 32 : i32
        %mul3A_649 = arith.muli %add3A_647, %mul3A_648 : i32
        %add3A_650 = arith.addi %mul3A_649, %add3A : i32
        %mul3A_651 = arith.constant 128 : i32
        %mul3A_652 = arith.muli %add3A_650, %mul3A_651 : i32
        %min3A = arith.constant 99872 : i32
        %min3A_653 = arith.minsi %mul3A_652, %min3A : i32
        %dma_start3A_654 = tpu.memref_slice %arg3[%min3A_653] : memref<100000xi32, #tpu.memory_space<hbm>> -> memref<128xi32, #tpu.memory_space<hbm>>
        %dma_start3A_655 = tpu.memref_slice %arg3[%min3A_653] : memref<100000xi32, #tpu.memory_space<hbm>> -> memref<128xi32, #tpu.memory_space<hbm>>
        tpu.enqueue_dma source(%dma_start3A_655 : memref<128xi32, #tpu.memory_space<hbm>>) target(%arg19 : memref<128xi32, #tpu.memory_space<vmem>>) target_semaphore(%arg30 : memref<!tpu.dma_semaphore, #tpu.memory_space<semaphore_mem>>)
        %dma_start3A_656 = tpu.memref_slice %arg4[%min3A_653] : memref<100000xi32, #tpu.memory_space<hbm>> -> memref<128xi32, #tpu.memory_space<hbm>>
        %dma_start3A_657 = tpu.memref_slice %arg4[%min3A_653] : memref<100000xi32, #tpu.memory_space<hbm>> -> memref<128xi32, #tpu.memory_space<hbm>>
        tpu.enqueue_dma source(%dma_start3A_657 : memref<128xi32, #tpu.memory_space<hbm>>) target(%arg20 : memref<128xi32, #tpu.memory_space<vmem>>) target_semaphore(%arg30 : memref<!tpu.dma_semaphore, #tpu.memory_space<semaphore_mem>>)
      } else {
      }
      %ge3A_632 = arith.constant 0 : i32
      %ge3A_633 = arith.cmpi sge, %add3A_553, %ge3A_632 : i32
      %lt3A_634 = arith.constant 25 : i32
      %lt3A_635 = arith.cmpi slt, %add3A_553, %lt3A_634 : i32
      %and3A_636 = arith.andi %ge3A_633, %lt3A_635 : i1
      %mul3A_637 = arith.constant 32 : i32
      %mul3A_638 = arith.muli %add3A_553, %mul3A_637 : i32
      %add3A_639 = arith.addi %mul3A_638, %add3A : i32
      %lt3A_640 = arith.constant 782 : i32
      %lt3A_641 = arith.cmpi slt, %add3A_639, %lt3A_640 : i32
      %and3A_642 = arith.andi %and3A_636, %lt3A_641 : i1
      %convert_element_type3A_643 = arith.extui %and3A_642 : i1 to i32
      %cond3A_644 = arith.constant 0 : i32
      %cond3A_645 = arith.cmpi ne, %convert_element_type3A_643, %cond3A_644 : i32
      scf.if %cond3A_645 {
        %scan3A_646 = arith.constant 0 : i32
        %scan3A_647 = arith.constant 0 : i32
        %scan3A_648 = arith.constant 128 : i32
        %scan3A_649 = arith.addi %scan3A_647, %scan3A_648 : i32
        %scan3A_650 = arith.constant 1 : i32
        scf.for %scan3A_662 = %scan3A_647 to %scan3A_649 step %scan3A_650  : i32 {
          %get3A = arith.index_cast %scan3A_662 : i32 to index
          %get3A_663 = arith.constant 0 : index
          %get3A_664 = tpu.vector_load %arg12[%get3A, %get3A_663] {strides = array<i32>} : memref<128x128xf32, #tpu.memory_space<vmem>>, vector<1x16xf32>,
          %get3A_665 = vector.shape_cast %get3A_664 : vector<1x16xf32> to vector<16xf32>
          %get3A_666 = arith.index_cast %scan3A_662 : i32 to index
          %get3A_667 = arith.constant 0 : index
          %get3A_668 = tpu.vector_load %arg17[%get3A_666, %get3A_667] {strides = array<i32>} : memref<128x128xf32, #tpu.memory_space<vmem>>, vector<1x16xf32>,
          %get3A_669 = vector.shape_cast %get3A_668 : vector<1x16xf32> to vector<16xf32>
          %add3A_670 = arith.addf %get3A_665, %get3A_669 : vector<16xf32>
          %get3A_671 = arith.index_cast %scan3A_662 : i32 to index
          %get3A_672 = arith.constant 0 : index
          %get3A_673 = tpu.vector_load %arg18[%get3A_671, %get3A_672] {strides = array<i32>} : memref<128x128xf32, #tpu.memory_space<vmem>>, vector<1x16xf32>,
          %get3A_674 = vector.shape_cast %get3A_673 : vector<1x16xf32> to vector<16xf32>
          %add3A_675 = arith.addf %add3A_670, %get3A_674 : vector<16xf32>
          %swap3A = arith.index_cast %scan3A_662 : i32 to index
          %swap3A_676 = arith.constant 0 : index
          %swap3A_677 = tpu.vector_load %arg12[%swap3A, %swap3A_676] {strides = array<i32>} : memref<128x128xf32, #tpu.memory_space<vmem>>, vector<1x16xf32>,
          %swap3A_678 = vector.shape_cast %swap3A_677 : vector<1x16xf32> to vector<16xf32>
          %swap3A_679 = vector.shape_cast %add3A_675 : vector<16xf32> to vector<1x16xf32>
          tpu.vector_store %arg12[%swap3A, %swap3A_676], %swap3A_679 {strides = array<i32>} : memref<128x128xf32, #tpu.memory_space<vmem>>, vector<1x16xf32>,
          %get3A_680 = arith.index_cast %scan3A_662 : i32 to index
          %get3A_681 = arith.constant 16 : index
          %get3A_682 = tpu.vector_load %arg12[%get3A_680, %get3A_681] {strides = array<i32>} : memref<128x128xf32, #tpu.memory_space<vmem>>, vector<1x16xf32>,
          %get3A_683 = vector.shape_cast %get3A_682 : vector<1x16xf32> to vector<16xf32>
          %get3A_684 = arith.index_cast %scan3A_662 : i32 to index
          %get3A_685 = arith.constant 16 : index
          %get3A_686 = tpu.vector_load %arg17[%get3A_684, %get3A_685] {strides = array<i32>} : memref<128x128xf32, #tpu.memory_space<vmem>>, vector<1x16xf32>,
          %get3A_687 = vector.shape_cast %get3A_686 : vector<1x16xf32> to vector<16xf32>
          %add3A_688 = arith.addf %get3A_683, %get3A_687 : vector<16xf32>
          %get3A_689 = arith.index_cast %scan3A_662 : i32 to index
          %get3A_690 = arith.constant 16 : index
          %get3A_691 = tpu.vector_load %arg18[%get3A_689, %get3A_690] {strides = array<i32>} : memref<128x128xf32, #tpu.memory_space<vmem>>, vector<1x16xf32>,
          %get3A_692 = vector.shape_cast %get3A_691 : vector<1x16xf32> to vector<16xf32>
          %add3A_693 = arith.addf %add3A_688, %get3A_692 : vector<16xf32>
          %swap3A_694 = arith.index_cast %scan3A_662 : i32 to index
          %swap3A_695 = arith.constant 16 : index
          %swap3A_696 = tpu.vector_load %arg12[%swap3A_694, %swap3A_695] {strides = array<i32>} : memref<128x128xf32, #tpu.memory_space<vmem>>, vector<1x16xf32>,
          %swap3A_697 = vector.shape_cast %swap3A_696 : vector<1x16xf32> to vector<16xf32>
          %swap3A_698 = vector.shape_cast %add3A_693 : vector<16xf32> to vector<1x16xf32>
          tpu.vector_store %arg12[%swap3A_694, %swap3A_695], %swap3A_698 {strides = array<i32>} : memref<128x128xf32, #tpu.memory_space<vmem>>, vector<1x16xf32>,
          %get3A_699 = arith.index_cast %scan3A_662 : i32 to index
          %get3A_700 = arith.constant 32 : index
          %get3A_701 = tpu.vector_load %arg12[%get3A_699, %get3A_700] {strides = array<i32>} : memref<128x128xf32, #tpu.memory_space<vmem>>, vector<1x16xf32>,
          %get3A_702 = vector.shape_cast %get3A_701 : vector<1x16xf32> to vector<16xf32>
          %get3A_703 = arith.index_cast %scan3A_662 : i32 to index
          %get3A_704 = arith.constant 32 : index
          %get3A_705 = tpu.vector_load %arg17[%get3A_703, %get3A_704] {strides = array<i32>} : memref<128x128xf32, #tpu.memory_space<vmem>>, vector<1x16xf32>,
          %get3A_706 = vector.shape_cast %get3A_705 : vector<1x16xf32> to vector<16xf32>
          %add3A_707 = arith.addf %get3A_702, %get3A_706 : vector<16xf32>
          %get3A_708 = arith.index_cast %scan3A_662 : i32 to index
          %get3A_709 = arith.constant 32 : index
          %get3A_710 = tpu.vector_load %arg18[%get3A_708, %get3A_709] {strides = array<i32>} : memref<128x128xf32, #tpu.memory_space<vmem>>, vector<1x16xf32>,
          %get3A_711 = vector.shape_cast %get3A_710 : vector<1x16xf32> to vector<16xf32>
          %add3A_712 = arith.addf %add3A_707, %get3A_711 : vector<16xf32>
          %swap3A_713 = arith.index_cast %scan3A_662 : i32 to index
          %swap3A_714 = arith.constant 32 : index
          %swap3A_715 = tpu.vector_load %arg12[%swap3A_713, %swap3A_714] {strides = array<i32>} : memref<128x128xf32, #tpu.memory_space<vmem>>, vector<1x16xf32>,
          %swap3A_716 = vector.shape_cast %swap3A_715 : vector<1x16xf32> to vector<16xf32>
          %swap3A_717 = vector.shape_cast %add3A_712 : vector<16xf32> to vector<1x16xf32>
          tpu.vector_store %arg12[%swap3A_713, %swap3A_714], %swap3A_717 {strides = array<i32>} : memref<128x128xf32, #tpu.memory_space<vmem>>, vector<1x16xf32>,
          %get3A_718 = arith.index_cast %scan3A_662 : i32 to index
          %get3A_719 = arith.constant 48 : index
          %get3A_720 = tpu.vector_load %arg12[%get3A_718, %get3A_719] {strides = array<i32>} : memref<128x128xf32, #tpu.memory_space<vmem>>, vector<1x16xf32>,
          %get3A_721 = vector.shape_cast %get3A_720 : vector<1x16xf32> to vector<16xf32>
          %get3A_722 = arith.index_cast %scan3A_662 : i32 to index
          %get3A_723 = arith.constant 48 : index
          %get3A_724 = tpu.vector_load %arg17[%get3A_722, %get3A_723] {strides = array<i32>} : memref<128x128xf32, #tpu.memory_space<vmem>>, vector<1x16xf32>,
          %get3A_725 = vector.shape_cast %get3A_724 : vector<1x16xf32> to vector<16xf32>
          %add3A_726 = arith.addf %get3A_721, %get3A_725 : vector<16xf32>
          %get3A_727 = arith.index_cast %scan3A_662 : i32 to index
          %get3A_728 = arith.constant 48 : index
          %get3A_729 = tpu.vector_load %arg18[%get3A_727, %get3A_728] {strides = array<i32>} : memref<128x128xf32, #tpu.memory_space<vmem>>, vector<1x16xf32>,
          %get3A_730 = vector.shape_cast %get3A_729 : vector<1x16xf32> to vector<16xf32>
          %add3A_731 = arith.addf %add3A_726, %get3A_730 : vector<16xf32>
          %swap3A_732 = arith.index_cast %scan3A_662 : i32 to index
          %swap3A_733 = arith.constant 48 : index
          %swap3A_734 = tpu.vector_load %arg12[%swap3A_732, %swap3A_733] {strides = array<i32>} : memref<128x128xf32, #tpu.memory_space<vmem>>, vector<1x16xf32>,
          %swap3A_735 = vector.shape_cast %swap3A_734 : vector<1x16xf32> to vector<16xf32>
          %swap3A_736 = vector.shape_cast %add3A_731 : vector<16xf32> to vector<1x16xf32>
          tpu.vector_store %arg12[%swap3A_732, %swap3A_733], %swap3A_736 {strides = array<i32>} : memref<128x128xf32, #tpu.memory_space<vmem>>, vector<1x16xf32>,
          %get3A_737 = arith.index_cast %scan3A_662 : i32 to index
          %get3A_738 = arith.constant 64 : index
          %get3A_739 = tpu.vector_load %arg12[%get3A_737, %get3A_738] {strides = array<i32>} : memref<128x128xf32, #tpu.memory_space<vmem>>, vector<1x16xf32>,
          %get3A_740 = vector.shape_cast %get3A_739 : vector<1x16xf32> to vector<16xf32>
          %get3A_741 = arith.index_cast %scan3A_662 : i32 to index
          %get3A_742 = arith.constant 64 : index
          %get3A_743 = tpu.vector_load %arg17[%get3A_741, %get3A_742] {strides = array<i32>} : memref<128x128xf32, #tpu.memory_space<vmem>>, vector<1x16xf32>,
          %get3A_744 = vector.shape_cast %get3A_743 : vector<1x16xf32> to vector<16xf32>
          %add3A_745 = arith.addf %get3A_740, %get3A_744 : vector<16xf32>
          %get3A_746 = arith.index_cast %scan3A_662 : i32 to index
          %get3A_747 = arith.constant 64 : index
          %get3A_748 = tpu.vector_load %arg18[%get3A_746, %get3A_747] {strides = array<i32>} : memref<128x128xf32, #tpu.memory_space<vmem>>, vector<1x16xf32>,
          %get3A_749 = vector.shape_cast %get3A_748 : vector<1x16xf32> to vector<16xf32>
          %add3A_750 = arith.addf %add3A_745, %get3A_749 : vector<16xf32>
          %swap3A_751 = arith.index_cast %scan3A_662 : i32 to index
          %swap3A_752 = arith.constant 64 : index
          %swap3A_753 = tpu.vector_load %arg12[%swap3A_751, %swap3A_752] {strides = array<i32>} : memref<128x128xf32, #tpu.memory_space<vmem>>, vector<1x16xf32>,
          %swap3A_754 = vector.shape_cast %swap3A_753 : vector<1x16xf32> to vector<16xf32>
          %swap3A_755 = vector.shape_cast %add3A_750 : vector<16xf32> to vector<1x16xf32>
          tpu.vector_store %arg12[%swap3A_751, %swap3A_752], %swap3A_755 {strides = array<i32>} : memref<128x128xf32, #tpu.memory_space<vmem>>, vector<1x16xf32>,
          %get3A_756 = arith.index_cast %scan3A_662 : i32 to index
          %get3A_757 = arith.constant 80 : index
          %get3A_758 = tpu.vector_load %arg12[%get3A_756, %get3A_757] {strides = array<i32>} : memref<128x128xf32, #tpu.memory_space<vmem>>, vector<1x16xf32>,
          %get3A_759 = vector.shape_cast %get3A_758 : vector<1x16xf32> to vector<16xf32>
          %get3A_760 = arith.index_cast %scan3A_662 : i32 to index
          %get3A_761 = arith.constant 80 : index
          %get3A_762 = tpu.vector_load %arg17[%get3A_760, %get3A_761] {strides = array<i32>} : memref<128x128xf32, #tpu.memory_space<vmem>>, vector<1x16xf32>,
          %get3A_763 = vector.shape_cast %get3A_762 : vector<1x16xf32> to vector<16xf32>
          %add3A_764 = arith.addf %get3A_759, %get3A_763 : vector<16xf32>
          %get3A_765 = arith.index_cast %scan3A_662 : i32 to index
          %get3A_766 = arith.constant 80 : index
          %get3A_767 = tpu.vector_load %arg18[%get3A_765, %get3A_766] {strides = array<i32>} : memref<128x128xf32, #tpu.memory_space<vmem>>, vector<1x16xf32>,
          %get3A_768 = vector.shape_cast %get3A_767 : vector<1x16xf32> to vector<16xf32>
          %add3A_769 = arith.addf %add3A_764, %get3A_768 : vector<16xf32>
          %swap3A_770 = arith.index_cast %scan3A_662 : i32 to index
          %swap3A_771 = arith.constant 80 : index
          %swap3A_772 = tpu.vector_load %arg12[%swap3A_770, %swap3A_771] {strides = array<i32>} : memref<128x128xf32, #tpu.memory_space<vmem>>, vector<1x16xf32>,
          %swap3A_773 = vector.shape_cast %swap3A_772 : vector<1x16xf32> to vector<16xf32>
          %swap3A_774 = vector.shape_cast %add3A_769 : vector<16xf32> to vector<1x16xf32>
          tpu.vector_store %arg12[%swap3A_770, %swap3A_771], %swap3A_774 {strides = array<i32>} : memref<128x128xf32, #tpu.memory_space<vmem>>, vector<1x16xf32>,
          %get3A_775 = arith.index_cast %scan3A_662 : i32 to index
          %get3A_776 = arith.constant 96 : index
          %get3A_777 = tpu.vector_load %arg12[%get3A_775, %get3A_776] {strides = array<i32>} : memref<128x128xf32, #tpu.memory_space<vmem>>, vector<1x16xf32>,
          %get3A_778 = vector.shape_cast %get3A_777 : vector<1x16xf32> to vector<16xf32>
          %get3A_779 = arith.index_cast %scan3A_662 : i32 to index
          %get3A_780 = arith.constant 96 : index
          %get3A_781 = tpu.vector_load %arg17[%get3A_779, %get3A_780] {strides = array<i32>} : memref<128x128xf32, #tpu.memory_space<vmem>>, vector<1x16xf32>,
          %get3A_782 = vector.shape_cast %get3A_781 : vector<1x16xf32> to vector<16xf32>
          %add3A_783 = arith.addf %get3A_778, %get3A_782 : vector<16xf32>
          %get3A_784 = arith.index_cast %scan3A_662 : i32 to index
          %get3A_785 = arith.constant 96 : index
          %get3A_786 = tpu.vector_load %arg18[%get3A_784, %get3A_785] {strides = array<i32>} : memref<128x128xf32, #tpu.memory_space<vmem>>, vector<1x16xf32>,
          %get3A_787 = vector.shape_cast %get3A_786 : vector<1x16xf32> to vector<16xf32>
          %add3A_788 = arith.addf %add3A_783, %get3A_787 : vector<16xf32>
          %swap3A_789 = arith.index_cast %scan3A_662 : i32 to index
          %swap3A_790 = arith.constant 96 : index
          %swap3A_791 = tpu.vector_load %arg12[%swap3A_789, %swap3A_790] {strides = array<i32>} : memref<128x128xf32, #tpu.memory_space<vmem>>, vector<1x16xf32>,
          %swap3A_792 = vector.shape_cast %swap3A_791 : vector<1x16xf32> to vector<16xf32>
          %swap3A_793 = vector.shape_cast %add3A_788 : vector<16xf32> to vector<1x16xf32>
          tpu.vector_store %arg12[%swap3A_789, %swap3A_790], %swap3A_793 {strides = array<i32>} : memref<128x128xf32, #tpu.memory_space<vmem>>, vector<1x16xf32>,
          %get3A_794 = arith.index_cast %scan3A_662 : i32 to index
          %get3A_795 = arith.constant 112 : index
          %get3A_796 = tpu.vector_load %arg12[%get3A_794, %get3A_795] {strides = array<i32>} : memref<128x128xf32, #tpu.memory_space<vmem>>, vector<1x16xf32>,
          %get3A_797 = vector.shape_cast %get3A_796 : vector<1x16xf32> to vector<16xf32>
          %get3A_798 = arith.index_cast %scan3A_662 : i32 to index
          %get3A_799 = arith.constant 112 : index
          %get3A_800 = tpu.vector_load %arg17[%get3A_798, %get3A_799] {strides = array<i32>} : memref<128x128xf32, #tpu.memory_space<vmem>>, vector<1x16xf32>,
          %get3A_801 = vector.shape_cast %get3A_800 : vector<1x16xf32> to vector<16xf32>
          %add3A_802 = arith.addf %get3A_797, %get3A_801 : vector<16xf32>
          %get3A_803 = arith.index_cast %scan3A_662 : i32 to index
          %get3A_804 = arith.constant 112 : index
          %get3A_805 = tpu.vector_load %arg18[%get3A_803, %get3A_804] {strides = array<i32>} : memref<128x128xf32, #tpu.memory_space<vmem>>, vector<1x16xf32>,
          %get3A_806 = vector.shape_cast %get3A_805 : vector<1x16xf32> to vector<16xf32>
          %add3A_807 = arith.addf %add3A_802, %get3A_806 : vector<16xf32>
          %swap3A_808 = arith.index_cast %scan3A_662 : i32 to index
          %swap3A_809 = arith.constant 112 : index
          %swap3A_810 = tpu.vector_load %arg12[%swap3A_808, %swap3A_809] {strides = array<i32>} : memref<128x128xf32, #tpu.memory_space<vmem>>, vector<1x16xf32>,
          %swap3A_811 = vector.shape_cast %swap3A_810 : vector<1x16xf32> to vector<16xf32>
          %swap3A_812 = vector.shape_cast %add3A_807 : vector<16xf32> to vector<1x16xf32>
          tpu.vector_store %arg12[%swap3A_808, %swap3A_809], %swap3A_812 {strides = array<i32>} : memref<128x128xf32, #tpu.memory_space<vmem>>, vector<1x16xf32>,
        }
        %scan3A_651 = arith.constant 128 : i32
        %mul3A_652 = arith.constant 32 : i32
        %mul3A_653 = arith.muli %add3A_553, %mul3A_652 : i32
        %add3A_654 = arith.addi %mul3A_653, %add3A : i32
        %mul3A_655 = arith.constant 128 : i32
        %mul3A_656 = arith.muli %add3A_654, %mul3A_655 : i32
        %min3A = arith.constant 99872 : i32
        %min3A_657 = arith.minsi %mul3A_656, %min3A : i32
        %dma_start3A_658 = arith.constant 0 : i32
        %dma_start3A_659 = tpu.memref_slice %arg7[%min3A_657, %dma_start3A_658] : memref<100000x128xf32, #tpu.memory_space<hbm>> -> memref<128x128xf32, #tpu.memory_space<hbm>>
        %dma_start3A_660 = arith.constant 0 : i32
        %dma_start3A_661 = tpu.memref_slice %arg7[%min3A_657, %dma_start3A_660] : memref<100000x128xf32, #tpu.memory_space<hbm>> -> memref<128x128xf32, #tpu.memory_space<hbm>>
        tpu.enqueue_dma source(%arg12 : memref<128x128xf32, #tpu.memory_space<vmem>>) target(%dma_start3A_661 : memref<128x128xf32, #tpu.memory_space<hbm>>) target_semaphore(%arg26 : memref<!tpu.dma_semaphore, #tpu.memory_space<semaphore_mem>>)
      } else {
      }
    }
    %scan3A_70 = arith.constant 5 : i32
    return
  }
}

</mosaic_0001>

<sc_bundles>
// kernel: kernel.3.cloned.1.call-start
scs
__scs_entry_jumppad:
0x0: {  	(pc) =	sbr.rel $0x88, $3  }
0x1: {  	(tag) =	ssettag $0x0;
	lr =	simm.s32 $0x1  }
0x2: {  	[smem:$0x3F9C] =	sst lr;
	_ =	strace $0xD0000000  }
0x3: {  	_ = 	snop  }
0x4: {  	_ = 	snop  }
0x5: {  	_ = 	snop  }
0x6: {  	_ = 	snop  }
0x7: {  	_ = 	snop  }
__scs_overlays_trampoline_lowered:
0x8: {  	[smem:$0x3FAB] =	sst s0  }
0x9: {  	[smem:$0x3FAC] =	sst s1  }
0xa: {  	[smem:$0x3FAD] =	sst s2  }
0xb: {  	[smem:$0x3FAE] =	sst s3  }
0xc: {  	[smem:$0x3FAF] =	sst s4  }
0xd: {  	[smem:$0x3FB0] =	sst s5  }
0xe: {  	[smem:$0x3FB1] =	sst s6  }
0xf: {  	[smem:$0x3FB2] =	sst s7  }
0x10: {  	[smem:$0x3FB3] =	sst s8  }
0x11: {  	[smem:$0x3FB4] =	sst s9;
	s0 =	simm.s32 @!p0 $0x0  }
0x12: {  	s1 =	sld [smem:$0x3F9A];
	s0 =	simm.s32 @p0 $0x1  }
0x13: {  	[smem:$0x3FB5] =	sst s0;
	s0 =	simm.s32 @!p1 $0x0  }
0x14: {  	s2 =	sld [smem:$0x3F99];
	s0 =	simm.s32 @p1 $0x1  }
0x15: {  	[smem:$0x3FB6] =	sst s0;
	s0 =	simm.s32 @!p2 $0x0  }
0x16: {  	s3 =	sld [smem:$0x3FDB];
	s0 =	simm.s32 @p2 $0x1  }
0x17: {  	s4 =	simm.s32 $0x1BF5;
	[smem:$0x3FB8] =	sst s0  }
0x18: {  	s0 =	sld [smem:$0x3F9B];
	_ =	swait.ge [sflag:s4], $0x0  }
0x19: {  	s7 =	sld [smem:$0x3F9C]  }
0x1a: {  	s8 =	sadd.s32 $0xFFFFE003, lr  }
0x1b: {  	s9 =	sadd.s32 $0xFFFFFEF7, lr;
	s5 =	simm.s32 $0xFFFFFFFF;
	p2 =	slt.u32 s8, $0xFFFFF086  }
0x1c: {  	p1 =	slt.u32 s9, $0xF7A;
	s5 =	simm.s32 @!p2 $0x0  }
0x1d: {  	s5 =	simm.s32 @p1 $0x1;
	p0 =	seq.s32 s7, s2  }
0x1e: {  	s7 =	smul.u32 @!p0 $0xF7A, s2;
	p2 =	seq.s32 @!p0 s5, $0x0  }
0x1f: {  	s9 =	smul.u32 $0xF7A, s1;
	s8 =	simm.s32 @!p0 $0x1BF5;
	p2 =	por !p2, p0  }
0x20: {  	[sflag:s8] =	ssyncset.s32 @!p0 $0xFFFFF086;
	s6 =	sadd.s32 @!p0 s3, s7;
	s7 =	simm.s32 @!p0 $0x108  }
0x21: {  	s3 =	sadd.s32 s3, s9;
	s6 =	sadd.s32 @!p0 $0x88, s6;
	s7 =	simm.s32 @p2 $0x1082  }
0x22: {  	[simem:s7], [sflag:s8] =	dma.local @!p0 [hbm:s6], $0xF7A  }
0x23: {  	s9 =	sor.u32 $0xD0000000, s2;
	s6 =	simm.s32 $0x108;
	_ =	swait.ge @!p0 [sflag:s8], $0x0  }
0x24: {  	s3 =	sadd.s32 $0x88, s3;
	s6 =	simm.s32 @!p1 $0x1082;
	[sflag:s4] =	ssyncset.s32 $0xFFFFF086  }
0x25: {  	[simem:s6], [sflag:s4] =	dma.local [hbm:s3], $0xF7A  }
0x26: {  	[smem:$0x3F9C] =	sst s1;
	(tag) =	ssettag s2;
	_ =	strace s9  }
0x27: {  	s1 =	sld [smem:$0x3FAC]  }
0x28: {  	s2 =	sld [smem:$0x3FAD]  }
0x29: {  	s4 =	sld [smem:$0x3FAF]  }
0x2a: {  	p0 =	seq.s32 s5, $0x0;
	s5 =	sld [smem:$0x3FB0]  }
0x2b: {  	s6 =	sld [smem:$0x3FB1]  }
0x2c: {  	s7 =	sld [smem:$0x3FB2]  }
0x2d: {  	s3 =	simm.s32 $0x108;
	s8 =	sld [smem:$0x3FB3]  }
0x2e: {  	s3 =	simm.s32 @!p0 $0x1082;
	s9 =	sld [smem:$0x3FB4]  }
0x2f: {  	lr =	sadd.s32 s0, s3;
	s0 =	sld [smem:$0x3FAB]  }
0x30: {  	s3 =	sld [smem:$0x3FAE]  }
0x31: {  	[smem:$0x3FB7] =	sst s10  }
0x32: {  	s10 =	sld [smem:$0x3FB5];
	_ =	sdelay $0x3  }
0x33: {  	p0 =	seq.s32 s10, $0x1;
	s10 =	sld [smem:$0x3FB7];
	_ =	sdelay $0x3  }
0x34: {  	[smem:$0x3FB7] =	sst s10  }
0x35: {  	s10 =	sld [smem:$0x3FB6];
	_ =	sdelay $0x3  }
0x36: {  	p1 =	seq.s32 s10, $0x1;
	s10 =	sld [smem:$0x3FB7];
	_ =	sdelay $0x3  }
0x37: {  	[smem:$0x3FB7] =	sst s10  }
0x38: {  	s10 =	sld [smem:$0x3FB8]  }
0x39: {  	_ = 	snop;
	(pc) =	sbr.ind lr, $3  }
0x3a: {  	_ = 	snop  }
0x3b: {  	_ = 	snop  }
0x3c: {  	p2 =	seq.s32 s10, $0x1;
	s10 =	sld [smem:$0x3FB7]  }
0x3d: {  	_ =	shalt  }
0x3e: {  	_ =	shalt  }
0x3f: {  	_ =	shalt  }
0x40: {  	_ =	shalt  }
0x41: {  	_ =	shalt  }
0x42: {  	_ =	shalt  }
0x43: {  	_ =	shalt  }
0x44: {  	_ =	shalt  }
0x45: {  	_ =	shalt  }
0x46: {  	_ =	shalt  }
0x47: {  	_ =	shalt  }
0x48: {  	_ =	shalt  }
0x49: {  	_ =	shalt  }
0x4a: {  	_ =	shalt  }
0x4b: {  	_ =	shalt  }
0x4c: {  	_ =	shalt  }
0x4d: {  	_ =	shalt  }
0x4e: {  	_ =	shalt  }
0x4f: {  	_ =	shalt  }
0x50: {  	_ =	shalt  }
0x51: {  	_ =	shalt  }
0x52: {  	_ =	shalt  }
0x53: {  	_ =	shalt  }
0x54: {  	_ =	shalt  }
0x55: {  	_ =	shalt  }
0x56: {  	_ =	shalt  }
0x57: {  	_ =	shalt  }
0x58: {  	_ =	shalt  }
0x59: {  	_ =	shalt  }
0x5a: {  	_ =	shalt  }
0x5b: {  	_ =	shalt  }
0x5c: {  	_ =	shalt  }
0x5d: {  	_ =	shalt  }
0x5e: {  	_ =	shalt  }
0x5f: {  	_ =	shalt  }
0x60: {  	_ =	shalt  }
0x61: {  	_ =	shalt  }
0x62: {  	_ =	shalt  }
0x63: {  	_ =	shalt  }
0x64: {  	_ =	shalt  }
0x65: {  	_ =	shalt  }
0x66: {  	_ =	shalt  }
0x67: {  	_ =	shalt  }
0x68: {  	_ =	shalt  }
0x69: {  	_ =	shalt  }
0x6a: {  	_ =	shalt  }
0x6b: {  	_ =	shalt  }
0x6c: {  	_ =	shalt  }
0x6d: {  	_ =	shalt  }
0x6e: {  	_ =	shalt  }
0x6f: {  	_ =	shalt  }
0x70: {  	_ =	shalt  }
0x71: {  	_ =	shalt  }
0x72: {  	_ =	shalt  }
0x73: {  	_ =	shalt  }
0x74: {  	_ =	shalt  }
0x75: {  	_ =	shalt  }
0x76: {  	_ =	shalt  }
0x77: {  	_ =	shalt  }
0x78: {  	_ =	shalt  }
0x79: {  	_ =	shalt  }
0x7a: {  	_ =	shalt  }
0x7b: {  	_ =	shalt  }
0x7c: {  	_ =	shalt  }
0x7d: {  	_ =	shalt  }
0x7e: {  	_ =	shalt  }
0x7f: {  	_ =	shalt  }
0x80: {  	_ =	shalt  }
0x81: {  	_ =	shalt  }
0x82: {  	_ =	shalt  }
0x83: {  	_ =	shalt  }
0x84: {  	_ =	shalt  }
0x85: {  	_ =	shalt  }
0x86: {  	_ =	shalt  }
0x87: {  	_ =	shalt  }
.Lfunc_end0:
.L_simem_size_0:
called_computation_lowered:
.L_overlay_start_0:
0x88: {  	s2 =	sld [smem:$0x3FD9]  }
0x89: {  	s3 =	sld [smem:$0x3FFE];
	_ =	sdelay $0x1  }
0x8a: {  	s1 =	srdreg.scid  }
0x8b: {  	s0 =	sand.u32 $0x1, s1  }
0x8c: {  	s18 =	sshll.u32 s0, $0xA;
	s2 =	sadd.s32 s3, s2  }
0x8d: {  	s2 =	sadd.s32 s2, s18  }
0x8e: {  	[smem:$0x3FC3] =	sst s2  }
0x8f: {  	_ = 	snop  }
0x90: {  	s2 =	sld [smem:$0x3FC9]  }
0x91: {  	s19 =	sld [smem:$0x3FC8]  }
0x92: {  	s4 =	sld [smem:$0x3FC7]  }
0x93: {  	s5 =	sld [smem:$0x3FC6]  }
0x94: {  	s6 =	sld [smem:$0x3FC5]  }
0x95: {  	s7 =	sld [smem:$0x3FD0];
	(tm) =	ssettm $0x1  }
0x96: {  	s8 =	sld [smem:$0x3FFB];
	_ =	sdelay $0x3  }
0x97: {  	_ =	strace s8  }
0x98: {  	s8 =	sld [smem:$0x3FFC];
	_ =	sdelay $0x3  }
0x99: {  	_ =	strace s8  }
0x9a: {  	s8 =	sld [smem:$0x3FFD];
	_ =	sdelay $0x3  }
0x9b: {  	_ =	strace s8  }
0x9c: {  	_ =	strace $0x8FFFFFFF  }
0x9d: {  	s20 =	sld [smem:$0x3FDB];
	_ =	sdelay $0x1  }
0x9e: {  	s9 =	simm.s32 $_scs_section_size  }
0x9f: {  	s10 =	simm.s32 $_size__tile_overlayer_lowered;
	s11 =	simm.s32 $_tile_overlayer_lowered  }
0xa0: {  	s23 =	simm.s32 $0x1BFF;
	s22 =	sshll.u32 s11, $0x1;
	s8 =	sadd.s32 s9, s20  }
0xa1: {  	s12 =	simm.s32 $0x0;
	s21 =	sshll.u32 s10, $0x1;
	s10 =	sadd.s32 s22, s8  }
0xa2: {  	[timem:s12], [sflag:s23] =	dma.local [hbm:s10], s21  }
0xa3: {  	_ =	swait.ge [sflag:s23], s21  }
0xa4: {  	s9 =	ssub.s32 $0x0, s21;
	[sflag:s23] =	ssyncset.done $0x0  }
0xa5: {  	[sflag:s23] =	ssyncadd.s32 s9;
	_ =	sdelay $0x1  }
0xa6: {  	s24 =	simm.s32 $0x1B8B  }
0xa7: {  	_ =	swait.ge [sflag:s24], $0x1  }
0xa8: {  	[sflag:s24] =	ssyncset.done $0x0  }
0xa9: {  	s25 =	simm.s32 $0x1B8E;
	[sflag:s24] =	ssyncadd.s32 $0xFFFFFFFF  }
0xaa: {  	s26 =	simm.s32 $execute0_lowered;
	[smem:$0x3FD2] =	sst s25  }
0xab: {  	s9 =	sshll.u32 s26, $0x1;
	_ =	strace $0x80000046;
	[dreg:$0x1] =	wrdreg $0xFFFFFFFF  }
0xac: {  	s28 =	simm.s32 $_size_execute0_lowered;
	s8 =	sadd.s32 s8, s9;
	[dreg:$0x0] =	wrdreg $0x0  }
0xad: {  	s9 =	sshll.u32 s28, $0x1;
	[dreg:$0x2] =	wrdreg s8  }
0xae: {  	[dreg:$0x3] =	wrdreg s9  }
0xaf: {  	[dreg:$0x4] =	wrdreg $0xC0  }
0xb0: {  	_ =	task [dreg:s12], $0x5FFFF  }
0xb1: {  	[dreg:$0x1] =	wrdreg $0xFFFFFFFF  }
0xb2: {  	[dreg:$0x0] =	wrdreg $0x60  }
0xb3: {  	[dreg:$0x2] =	wrdreg s2  }
0xb4: {  	[dreg:$0x3] =	wrdreg s19  }
0xb5: {  	[dreg:$0x4] =	wrdreg s4  }
0xb6: {  	[dreg:$0x5] =	wrdreg s5  }
0xb7: {  	[dreg:$0x6] =	wrdreg s6  }
0xb8: {  	[dreg:$0x7] =	wrdreg s7  }
0xb9: {  	[dreg:$0x8] =	wrdreg $0x0  }
0xba: {  	[dreg:$0x9] =	wrdreg $0x10000  }
0xbb: {  	[dreg:$0xa] =	wrdreg $0x9  }
0xbc: {  	_ =	task.clear_ibuf [dreg:s12], $0xBFFFF;
	_ =	strace $0x90000046  }
0xbd: {  	s29 =	simm.s32 $0x9;
	_ =	strace $0x80000048  }
0xbe: {  	_ =	swait.ge [sflag:s29], $0x1  }
0xbf: {  	[sflag:s29] =	ssyncadd.s32 $0xFFFFFFFF  }
0xc0: {  	_ =	strace $0x90000048  }
0xc1: {  	_ =	sfence  }
0xc2: {  	s30 =	sld [smem:$0x0];
	_ =	sdelay $0x2  }
0xc3: {  	s31 =	sshll.u32 s1, $0xD;
	s1 =	sshrl.u32 s1, $0x2  }
0xc4: {  	s3 =	sand.u32 $0x4000, s31;
	s1 =	sadd.s32 s1, s30  }
0xc5: {  	s0 =	sor.u32 s3, s0;
	s1 =	sshll.u32 s1, $0x11  }
0xc6: {  	s0 =	sor.u32 s1, s0  }
0xc7: {  	s0 =	sadd.s32 $0x8F2B, s0  }
0xc8: {  	[sflag:s0] =	ssyncadd.remote.s32 $0x1  }
0xc9: {  	_ =	sfence.sel $0xFFFF  }
0xca: {  	[dreg:$0x0] =	wrdreg $0xFFFFFFFF;
	(pc) =	sbr.abs _section_cstart, $3  }
0xcb: {  	[dreg:$0x1] =	wrdreg $0xFFFFFFFF  }
0xcc: {  	_ =	task.clear_ibuf [dreg:s12], $0x2FFFF;
	_ =	strace $0x9FFFFFFF  }
0xcd: {  	(tm) =	ssettm $0x7FFFFFFF  }
tec
execute0_lowered:
.L_overlay_start_1:
0x0: {  	(tag) =	ssettag $0x1  }
0x1: {  	s0 =	rddreg [dreg:$0x0]  }
0x2: {  	s1 =	rddreg [dreg:$0x1]  }
0x3: {  	s2 =	rddreg [dreg:$0x2]  }
0x4: {  	s3 =	rddreg [dreg:$0x3]  }
0x5: {  	s7 =	rddreg [dreg:$0x4]  }
0x6: {  	s4 =	rddreg [dreg:$0x5]  }
0x7: {  	s5 =	rddreg [dreg:$0x6];
	s8 =	srdreg.scid  }
0x8: {  	s6 =	rddreg [dreg:$0x7];
	s12 =	stileid.u32  }
0x9: {  	s13 =	simm.s32 $0xA000;
	s31 =	simm.s32 $0x0;
	s9 =	sand.u32 $0x1, s8  }
0xa: {  	s8 =	simm.s32 $0x0;
	s19 =	sshll.u32 s12, $0x1;
	s20 =	sshll.u32 s12, $0x9  }
0xb: {  	s12 =	sshll.u32 s12, $0xC;
	[smem:$0x7FF] =	sst s8;
	s3 =	sadd.s32 s3, s20  }
0xc: {  	s21 =	sadd.s32 s12, s5;
	_ =	strace $0x80000047;
	[dreg:$0x9] =	wrdreg s3  }
0xd: {  	s10 =	ssub.s32 $0x2, s9;
	s22 =	sadd.s32 s7, s20;
	[dreg:$0xa] =	wrdreg s21  }
0xe: {  	s9 =	sor.u32 s9, s19;
	s23 =	sadd.s32 s12, s6;
	[dreg:$0xb] =	wrdreg s22  }
0xf: {  	s12 =	simm.s32 $0x6000;
	s11 =	sshrl.u32 s10, $0x1;
	[dreg:$0xc] =	wrdreg s23  }
0x10: {  	s24 =	sshll.u32 s9, $0xB;
	s25 =	sshll.u32 s9, $0x4;
	s19 =	sor.u32 $0x40, s9  }
0x11: {  	s20 =	sor.u32 $0x60, s9;
	s21 =	sor.u32 $0x80, s9;
	s26 =	sadd.s32 s1, s25  }
0x12: {  	s28 =	sadd.s32 s2, s25;
	s7 =	sor.u32 $0x200, s25;
	[dreg:$0xd] =	wrdreg s26  }
.Ltmp0:
0x13: {  	s3 =	sadd.s32 s0, s24;
	[dreg:$0xe] =	wrdreg s28;
	(pc) =	sbr.rel .LBB2_1-.Ltmp0, $4  }
0x14: {  	s22 =	sor.u32 $0xA0, s9;
	s29 =	sadd.s32 s1, s7;
	[dreg:$0x11] =	wrdreg s3  }
0x15: {  	s10 =	ssub.s32 s10, s11;
	s7 =	sadd.s32 s2, s7;
	[dreg:$0xf] =	wrdreg s29  }
0x16: {  	s23 =	sor.u32 $0xC0, s9;
	s30 =	smax.u32 s10, $0x1;
	[dreg:$0x10] =	wrdreg s7  }
0x17: {  	s24 =	sor.u32 $0xE0, s9;
	[dreg:$0x12] =	wrdreg s30;
	s7 =	simm.s32 $0x2000  }
.LBB2_27:
0x18: {  	s31 =	sadd.s32 $0x1, s31;
	s3 =	rddreg [dreg:$0x12]  }
0x19: {  	p0 =	sne.s32 s31, s3  }
.Ltmp1:
0x1a: {  	_ = 	snop;
	(pc) =	sbr.rel @!p0 .LBB2_28-.Ltmp1, $1  }
0x1b: {  	_ =	sdelay $0x3  }
.LBB2_1:
0x1c: {  	s3 =	rddreg [dreg:$0x9];
	s10 =	simm.s32 $0xE000;
	s11 =	simm.s32 $0x7  }
0x1d: {  	[tilespmem:s10], [sflag:$0x7] =	stream.linear.gather [hbm4b:s3+s8], $0x1000, $0x38;
	[tilespmem:$0x1E200] =	vst v63  }
0x1e: {  	_ =	swait.ge [sflag:s11], $0x1000  }
0x1f: {  	[sflag:s11] =	ssyncset.done $0x0  }
0x20: {  	s14 =	simm.s32 $0xB;
	s28 =	rddreg [dreg:$0xa];
	[sflag:s11] =	ssyncadd.s32 $0xFFFFF000  }
0x21: {  	[spmem:s28] =	stream.linear.scatter [tilespmem:s10], [sflag:$0xB], $0x1000, $0x38;
	[tilespmem:$0x1E200] =	vst v63  }
0x22: {  	_ =	swait.ge [sflag:s14], $0x1000  }
0x23: {  	[sflag:s14] =	ssyncset.done $0x0  }
0x24: {  	s15 =	simm.s32 $0x12000;
	s29 =	rddreg [dreg:$0xb];
	[sflag:s14] =	ssyncadd.s32 $0xFFFFF000  }
0x25: {  	[tilespmem:s15], [sflag:$0x7] =	stream.linear.gather [hbm4b:s29+s8], $0x1000, $0x38;
	[tilespmem:$0x1E200] =	vst v63  }
0x26: {  	_ =	swait.ge [sflag:s11], $0x1000  }
0x27: {  	[sflag:s11] =	ssyncset.done $0x0  }
0x28: {  	s30 =	rddreg [dreg:$0xc];
	[sflag:s11] =	ssyncadd.s32 $0xFFFFF000  }
0x29: {  	[spmem:s30] =	stream.linear.scatter [tilespmem:s15], [sflag:$0xB], $0x1000, $0x38;
	[tilespmem:$0x1E200] =	vst v63  }
0x2a: {  	_ =	swait.ge [sflag:s14], $0x1000  }
0x2b: {  	[sflag:s14] =	ssyncset.done $0x0  }
0x2c: {  	[sflag:s14] =	ssyncadd.s32 $0xFFFFF000  }
0x2d: {  	[bflag:$0x0] =	sbarrier.arrive $0xFFFF  }
0x2e: {  	s14 =	simm.s32 $0x16000;
	s11 =	rddreg [dreg:$0xd]  }
0x2f: {  	[tilespmem:s14], [sflag:$0x9] =	stream.linear.gather [hbm4b:s11+s8], $0x80, $0x38;
	[tilespmem:$0x1E200] =	vst v63  }
0x30: {  	s17 =	simm.s32 $0x16080;
	s16 =	rddreg [dreg:$0xe]  }
0x31: {  	[tilespmem:s17], [sflag:$0x9] =	stream.linear.gather [hbm4b:s16+s8], $0x80, $0x38;
	[tilespmem:$0x1E200] =	vst v63  }
0x32: {  	s18 =	rddreg [dreg:$0xf];
	s16 =	simm.s32 $0x1E100  }
0x33: {  	[tilespmem:s16], [sflag:$0xA] =	stream.linear.gather [hbm4b:s18+s8], $0x80, $0x38;
	[tilespmem:$0x1E200] =	vst v63  }
0x34: {  	s26 =	simm.s32 $0x1E180;
	s25 =	rddreg [dreg:$0x10]  }
0x35: {  	[tilespmem:s26], [sflag:$0xA] =	stream.linear.gather [hbm4b:s25+s8], $0x80, $0x38;
	[tilespmem:$0x1E200] =	vst v63  }
0x36: {  	s29 =	simm.s32 $0x9;
	s28 =	rddreg [dreg:$0x11]  }
0x37: {  	[tilespmem:s7], [sflag:$0x1] =	stream.linear.gather [hbm4b:s28+s8], $0x4000, $0x38;
	[tilespmem:$0x1E200] =	vst v63  }
0x38: {  	_ =	swait.ge [sflag:s29], $0x80  }
0x39: {  	[sflag:s29] =	ssyncset.done $0x0  }
0x3a: {  	[sflag:s29] =	ssyncadd.s32 $0xFFFFFF80  }
0x3b: {  	_ =	swait.ge [sflag:s29], $0x80  }
.Ltmp2:
0x3c: {  	[sflag:s29] =	ssyncset.done $0x0;
	(pc) =	sbr.rel .LBB2_2-.Ltmp2, $4  }
0x3d: {  	s30 =	simm.s32 $0x80;
	[sflag:s29] =	ssyncadd.s32 $0xFFFFFF80  }
0x3e: {  	[tilespmem:s10], [sflag:$0x7] =	stream.indirect.gather [spmem:s5], $0x80, s14, s30, $0xb8;
	[tilespmem:$0x1E200] =	vst v63  }
0x3f: {  	s3 =	simm.s32 $0x0  }
0x40: {  	[tilespmem:s15], [sflag:$0x7] =	stream.indirect.gather [spmem:s6], $0x80, s17, s30, $0xb8;
	[tilespmem:$0x1E200] =	vst v63  }
.LBB2_26:
0x41: {  	s3 =	sadd.s32 $0x1, s3  }
0x42: {  	p0 =	sne.s32 s3, $0x5  }
.Ltmp3:
0x43: {  	_ = 	snop;
	(pc) =	sbr.rel @!p0 .LBB2_27-.Ltmp3, $1  }
0x44: {  	_ =	sdelay $0x3  }
.LBB2_2:
0x45: {  	s16 =	smul.u32 $0x6, s3  }
0x46: {  	s14 =	smul.u32 $0xC0, s3;
	_ =	sdelay $0x1  }
0x47: {  	s15 =	sadd.s32 $0xFFFFFFFE, s16;
	s11 =	sor.u32 s9, s14  }
0x48: {  	p0 =	sgt.u32 s15, $0x18;
	s17 =	sor.u32 $0x20, s11  }
0x49: {  	s15 =	simm.s32 @!p0 $0x5;
	p2 =	sgt.u32 s17, $0x30D  }
0x4a: {  	_ =	swait.ge @!p0 [sflag:s15], $0x4000;
	s18 =	sshll.u32 @!p2 s17, $0x7  }
0x4b: {  	[sflag:s15] =	ssyncset.done @!p0 $0x0;
	s18 =	smin.u32 @!p2 s18, $0x18620  }
0x4c: {  	[sflag:s15] =	ssyncadd.s32 @!p0 $0xFFFFC000;
	s15 =	sshll.u32 @!p2 s18, $0x4  }
0x4d: {  	s25 =	simm.s32 @!p2 $0x6000;
	s18 =	simm.s32 @!p2 $0x0;
	s15 =	sadd.s32 @!p2 s0, s15  }
0x4e: {  	[tilespmem:s25], [sflag:$0x2] =	stream.linear.gather @!p2 [hbm4b:s15+s18], $0x4000, $0x38;
	[tilespmem:$0x1E200] =	vst v63  }
0x4f: {  	s15 =	simm.s32 @!p2 $0xA  }
0x50: {  	_ =	swait.ge @!p2 [sflag:s15], $0x80  }
0x51: {  	[sflag:s15] =	ssyncset.done @!p2 $0x0  }
0x52: {  	[sflag:s15] =	ssyncadd.s32 @!p2 $0xFFFFFF80  }
0x53: {  	_ =	swait.ge @!p2 [sflag:s15], $0x80  }
0x54: {  	s18 =	simm.s32 @!p2 $0x1E100;
	[sflag:s15] =	ssyncset.done @!p2 $0x0  }
0x55: {  	s25 =	simm.s32 @!p2 $0x16100;
	[sflag:s15] =	ssyncadd.s32 @!p2 $0xFFFFFF80;
	s15 =	simm.s32 @!p2 $0x80  }
0x56: {  	[tilespmem:s25], [sflag:$0x8] =	stream.indirect.gather @!p2 [spmem:s5], $0x80, s18, s15, $0xb8;
	[tilespmem:$0x1E200] =	vst v63  }
0x57: {  	p3 =	sgt.u32 s11, $0x30D;
	s18 =	simm.s32 @!p2 $0x1E180;
	s25 =	simm.s32 @!p2 $0x1A100  }
0x58: {  	[tilespmem:s25], [sflag:$0x8] =	stream.indirect.gather @!p2 [spmem:s6], $0x80, s18, s15, $0xb8;
	[tilespmem:$0x1E200] =	vst v63  }
0x59: {  	s15 =	simm.s32 @!p3 $0x1  }
0x5a: {  	_ =	swait.ge @!p3 [sflag:s15], $0x4000  }
0x5b: {  	[sflag:s15] =	ssyncset.done @!p3 $0x0  }
0x5c: {  	s18 =	simm.s32 @!p3 $0x7;
	[sflag:s15] =	ssyncadd.s32 @!p3 $0xFFFFC000  }
0x5d: {  	s15 =	sadd.s32 s19, s14;
	_ =	swait.ge @!p3 [sflag:s18], $0x4000  }
0x5e: {  	p0 =	sgt.u32 s15, $0x30D;
	[sflag:s18] =	ssyncset.done @!p3 $0x0  }
0x5f: {  	s25 =	sshll.u32 @!p0 s15, $0x7;
	[sflag:s18] =	ssyncadd.s32 @!p3 $0xFFFFC000  }
0x60: {  	s30 =	simm.s32 @!p0 $0x0;
	s26 =	smin.u32 @!p0 s25, $0x18620;
	_ =	swait.ge @!p3 [sflag:s18], $0x4000  }
.Ltmp4:
0x61: {  	s25 =	sshrl.u32 @!p0 s26, $0x3;
	[sflag:s18] =	ssyncset.done @!p3 $0x0;
	(pc) =	sbr.rel @p3 .LBB2_6-.Ltmp4, $4  }
0x62: {  	s28 =	sadd.s32 @!p0 s1, s25;
	[sflag:s18] =	ssyncadd.s32 @!p3 $0xFFFFC000;
	s18 =	simm.s32 @!p0 $0x16000  }
0x63: {  	[tilespmem:s18], [sflag:$0x9] =	stream.linear.gather @!p0 [hbm4b:s28+s30], $0x80, $0x38;
	[tilespmem:$0x1E200] =	vst v63  }
0x64: {  	s28 =	sadd.s32 @!p0 s2, s25;
	s25 =	simm.s32 @!p0 $0x16080  }
0x65: {  	[tilespmem:s25], [sflag:$0x9] =	stream.linear.gather @!p0 [hbm4b:s28+s30], $0x80, $0x38;
	[tilespmem:$0x1E200] =	vst v63  }
0x66: {  	s28 =	simm.s32 $0x0  }
0x67: {  	v5 =	vld [tilespmem:s28+$0x12000]  }
0x68: {  	v4 =	vld [tilespmem:s28+$0x12010]  }
0x69: {  	v3 =	vld [tilespmem:s28+$0x12020]  }
0x6a: {  	v2 =	vld [tilespmem:s28+$0x12030]  }
0x6b: {  	v1 =	vld [tilespmem:s28+$0x12040]  }
0x6c: {  	v0 =	vld [tilespmem:s28+$0x12050]  }
0x6d: {  	v12 =	vld [tilespmem:s28+$0xE000]  }
0x6e: {  	v17 =	vld [tilespmem:s28+$0xE010]  }
0x6f: {  	v11 =	vld [tilespmem:s28+$0xE020]  }
0x70: {  	v10 =	vld [tilespmem:s28+$0xE030]  }
0x71: {  	v9 =	vld [tilespmem:s28+$0xE040]  }
0x72: {  	v8 =	vld [tilespmem:s28+$0xE050]  }
0x73: {  	v7 =	vld [tilespmem:s28+$0xE060]  }
0x74: {  	v6 =	vld [tilespmem:s28+$0xE070]  }
0x75: {  	v18 =	vld [tilespmem:s28+$0x2000]  }
0x76: {  	v19 =	vld [tilespmem:s28+$0x2010]  }
0x77: {  	v16 =	vld [tilespmem:s28+$0x2020]  }
0x78: {  	v15 =	vld [tilespmem:s28+$0x2030]  }
0x79: {  	v14 =	vld [tilespmem:s28+$0x2040]  }
0x7a: {  	v13 =	vld [tilespmem:s28+$0x2050];
	v18 =	vadd.f32 v12, v18  }
0x7b: {  	s29 =	simm.s32 $0x200;
	v17 =	vadd.f32 v17, v19;
	v12 =	vld [tilespmem:s28+$0x2060]  }
.LBB2_4:
0x7c: {  	p1 =	sne.s32 s29, $0xFE00;
	v5 =	vadd.f32 v5, v18;
	v11 =	vadd.f32 v11, v16;
	v16 =	vld [tilespmem:s28+$0x2070]  }
0x7d: {  	v4 =	vadd.f32 v4, v17;
	v10 =	vadd.f32 v10, v15;
	v15 =	vld [tilespmem:s28+$0x12060]  }
0x7e: {  	s10 =	sshra.s32 s29, $0x2;
	[tilespmem:s28+$0x2000] =	vst v5;
	v3 =	vadd.f32 v3, v11;
	v9 =	vadd.f32 v9, v14;
	v11 =	vld [tilespmem:s28+$0x12070]  }
0x7f: {  	v5 =	vld [tilespmem:s10+$0x12000];
	[tilespmem:s28+$0x2010] =	vst v4;
	v2 =	vadd.f32 v2, v10;
	v8 =	vadd.f32 v8, v13  }
0x80: {  	v4 =	vld [tilespmem:s10+$0x12010];
	[tilespmem:s28+$0x2020] =	vst v3;
	v1 =	vadd.f32 v1, v9;
	v7 =	vadd.f32 v7, v12  }
0x81: {  	v3 =	vld [tilespmem:s10+$0x12020];
	[tilespmem:s28+$0x2030] =	vst v2;
	v0 =	vadd.f32 v0, v8;
	v6 =	vadd.f32 v6, v16  }
0x82: {  	v2 =	vld [tilespmem:s10+$0x12030];
	[tilespmem:s28+$0x2040] =	vst v1;
	v7 =	vadd.f32 v15, v7  }
0x83: {  	v1 =	vld [tilespmem:s10+$0x12040];
	[tilespmem:s28+$0x2050] =	vst v0;
	v6 =	vadd.f32 v11, v6  }
0x84: {  	v0 =	vld [tilespmem:s10+$0x12050];
	[tilespmem:s28+$0x2060] =	vst v7  }
0x85: {  	v12 =	vld [tilespmem:s10+$0xE000];
	[tilespmem:s28+$0x2070] =	vst v6;
	s28 =	smov.u32 s10  }
0x86: {  	v17 =	vld [tilespmem:s28+$0xE010]  }
0x87: {  	v11 =	vld [tilespmem:s28+$0xE020]  }
0x88: {  	v10 =	vld [tilespmem:s28+$0xE030]  }
0x89: {  	v9 =	vld [tilespmem:s28+$0xE040]  }
0x8a: {  	v8 =	vld [tilespmem:s28+$0xE050]  }
0x8b: {  	v7 =	vld [tilespmem:s28+$0xE060]  }
0x8c: {  	v6 =	vld [tilespmem:s28+$0xE070]  }
0x8d: {  	v13 =	vld [tilespmem:s28+$0x2000]  }
0x8e: {  	v19 =	vld [tilespmem:s28+$0x2010]  }
.Ltmp5:
0x8f: {  	v16 =	vld [tilespmem:s28+$0x2020];
	(pc) =	sbr.rel @p1 .LBB2_4-.Ltmp5, $4  }
0x90: {  	v15 =	vld [tilespmem:s28+$0x2030]  }
0x91: {  	v14 =	vld [tilespmem:s28+$0x2040]  }
0x92: {  	v18 =	vadd.f32 v12, v13;
	v13 =	vld [tilespmem:s28+$0x2050]  }
0x93: {  	s29 =	sadd.s32 $0x200, s29;
	v17 =	vadd.f32 v17, v19;
	v12 =	vld [tilespmem:s28+$0x2060]  }
0x94: {  	v5 =	vadd.f32 v5, v18;
	v55 =	vld [tilespmem:s28+$0x2070];
	v11 =	vadd.f32 v11, v16  }
0x95: {  	v56 =	vld [tilespmem:s28+$0x12060];
	v4 =	vadd.f32 v4, v17;
	v10 =	vadd.f32 v10, v15  }
0x96: {  	v58 =	vld [tilespmem:s28+$0x12070];
	[tilespmem:s28+$0x2000] =	vst v5;
	v3 =	vadd.f32 v3, v11;
	v57 =	vadd.f32 v9, v14  }
0x97: {  	[tilespmem:s28+$0x2010] =	vst v4;
	v2 =	vadd.f32 v2, v10;
	v59 =	vadd.f32 v8, v13  }
0x98: {  	[tilespmem:s28+$0x2020] =	vst v3;
	v1 =	vadd.f32 v1, v57;
	v60 =	vadd.f32 v7, v12  }
0x99: {  	[tilespmem:s28+$0x2030] =	vst v2;
	v0 =	vadd.f32 v0, v59;
	v61 =	vadd.f32 v6, v55  }
0x9a: {  	s10 =	sshll.u32 s11, $0x7;
	[tilespmem:s28+$0x2040] =	vst v1;
	v62 =	vadd.f32 v56, v60  }
0x9b: {  	s10 =	smin.u32 s10, $0x18620;
	[tilespmem:s28+$0x2050] =	vst v0;
	v63 =	vadd.f32 v58, v61  }
0x9c: {  	s10 =	sshll.u32 s10, $0x4;
	[tilespmem:s28+$0x2060] =	vst v62  }
0x9d: {  	s10 =	sadd.s32 s4, s10;
	[tilespmem:s28+$0x2070] =	vst v63  }
0x9e: {  	[hbm4b:s10+s8] =	stream.linear.scatter [tilespmem:s7], [sflag:$0x4], $0x4000, $0x38;
	[tilespmem:$0x1E200] =	vst v63  }
.LBB2_6:
0x9f: {  	s10 =	sadd.s32 $0xFFFFFFFF, s16  }
0xa0: {  	p1 =	sgt.u32 s10, $0x18  }
0xa1: {  	s10 =	simm.s32 @!p1 $0x6  }
0xa2: {  	_ =	swait.ge @!p1 [sflag:s10], $0x4000  }
0xa3: {  	s11 =	sshll.u32 @!p0 s26, $0x4;
	[sflag:s10] =	ssyncset.done @!p1 $0x0  }
0xa4: {  	[sflag:s10] =	ssyncadd.s32 @!p1 $0xFFFFC000;
	s10 =	sadd.s32 @!p0 s0, s11;
	s11 =	simm.s32 @!p0 $0xA000  }
0xa5: {  	[tilespmem:s11], [sflag:$0x3] =	stream.linear.gather @!p0 [hbm4b:s10+s30], $0x4000, $0x38;
	[tilespmem:$0x1E200] =	vst v63  }
0xa6: {  	s10 =	simm.s32 @!p0 $0x9  }
0xa7: {  	_ =	swait.ge @!p0 [sflag:s10], $0x80  }
0xa8: {  	[sflag:s10] =	ssyncset.done @!p0 $0x0  }
0xa9: {  	[sflag:s10] =	ssyncadd.s32 @!p0 $0xFFFFFF80  }
0xaa: {  	_ =	swait.ge @!p0 [sflag:s10], $0x80  }
0xab: {  	[sflag:s10] =	ssyncset.done @!p0 $0x0  }
0xac: {  	s11 =	simm.s32 @!p0 $0xE000;
	[sflag:s10] =	ssyncadd.s32 @!p0 $0xFFFFFF80;
	s10 =	simm.s32 @!p0 $0x80  }
0xad: {  	[tilespmem:s11], [sflag:$0x7] =	stream.indirect.gather @!p0 [spmem:s5], $0x80, s18, s10, $0xb8;
	[tilespmem:$0x1E200] =	vst v63  }
0xae: {  	s11 =	simm.s32 @!p0 $0x12000  }
0xaf: {  	[tilespmem:s11], [sflag:$0x7] =	stream.indirect.gather @!p0 [spmem:s6], $0x80, s25, s10, $0xb8;
	[tilespmem:$0x1E200] =	vst v63  }
0xb0: {  	s10 =	simm.s32 @!p2 $0x2  }
0xb1: {  	_ =	swait.ge @!p2 [sflag:s10], $0x4000  }
0xb2: {  	[sflag:s10] =	ssyncset.done @!p2 $0x0  }
0xb3: {  	[sflag:s10] =	ssyncadd.s32 @!p2 $0xFFFFC000;
	s10 =	simm.s32 @!p2 $0x8  }
0xb4: {  	_ =	swait.ge @!p2 [sflag:s10], $0x4000  }
0xb5: {  	s16 =	sadd.s32 s20, s14;
	[sflag:s10] =	ssyncset.done @!p2 $0x0  }
0xb6: {  	p1 =	sgt.u32 s16, $0x30D;
	[sflag:s10] =	ssyncadd.s32 @!p2 $0xFFFFC000  }
0xb7: {  	s11 =	sshll.u32 @!p1 s16, $0x7;
	_ =	swait.ge @!p2 [sflag:s10], $0x4000  }
0xb8: {  	s25 =	smin.u32 @!p1 s11, $0x18620;
	[sflag:s10] =	ssyncset.done @!p2 $0x0  }
.Ltmp6:
0xb9: {  	[sflag:s10] =	ssyncadd.s32 @!p2 $0xFFFFC000;
	s10 =	sshrl.u32 @!p1 s25, $0x3;
	(pc) =	sbr.rel @p2 .LBB2_10-.Ltmp6, $4  }
0xba: {  	s26 =	simm.s32 @!p1 $0x0;
	s11 =	simm.s32 @!p1 $0x1E100;
	s18 =	sadd.s32 @!p1 s1, s10  }
0xbb: {  	[tilespmem:s11], [sflag:$0xA] =	stream.linear.gather @!p1 [hbm4b:s18+s26], $0x80, $0x38;
	[tilespmem:$0x1E200] =	vst v63  }
0xbc: {  	s10 =	sadd.s32 @!p1 s2, s10;
	s18 =	simm.s32 @!p1 $0x1E180  }
0xbd: {  	[tilespmem:s18], [sflag:$0xA] =	stream.linear.gather @!p1 [hbm4b:s10+s26], $0x80, $0x38;
	[tilespmem:$0x1E200] =	vst v63  }
0xbe: {  	s28 =	simm.s32 $0x0  }
0xbf: {  	v5 =	vld [tilespmem:s28+$0x1A100]  }
0xc0: {  	v4 =	vld [tilespmem:s28+$0x1A110]  }
0xc1: {  	v3 =	vld [tilespmem:s28+$0x1A120]  }
0xc2: {  	v2 =	vld [tilespmem:s28+$0x1A130]  }
0xc3: {  	v1 =	vld [tilespmem:s28+$0x1A140]  }
0xc4: {  	v0 =	vld [tilespmem:s28+$0x1A150]  }
0xc5: {  	v12 =	vld [tilespmem:s28+$0x16100]  }
0xc6: {  	v17 =	vld [tilespmem:s28+$0x16110]  }
0xc7: {  	v11 =	vld [tilespmem:s28+$0x16120]  }
0xc8: {  	v10 =	vld [tilespmem:s28+$0x16130]  }
0xc9: {  	v9 =	vld [tilespmem:s28+$0x16140]  }
0xca: {  	v8 =	vld [tilespmem:s28+$0x16150]  }
0xcb: {  	v7 =	vld [tilespmem:s28+$0x16160]  }
0xcc: {  	v6 =	vld [tilespmem:s28+$0x16170]  }
0xcd: {  	v18 =	vld [tilespmem:s28+$0x6000]  }
0xce: {  	v19 =	vld [tilespmem:s28+$0x6010]  }
0xcf: {  	v16 =	vld [tilespmem:s28+$0x6020]  }
0xd0: {  	v15 =	vld [tilespmem:s28+$0x6030]  }
0xd1: {  	v14 =	vld [tilespmem:s28+$0x6040]  }
0xd2: {  	v13 =	vld [tilespmem:s28+$0x6050];
	v18 =	vadd.f32 v12, v18  }
0xd3: {  	s29 =	simm.s32 $0x200;
	v17 =	vadd.f32 v17, v19;
	v12 =	vld [tilespmem:s28+$0x6060]  }
.LBB2_8:
0xd4: {  	p4 =	sne.s32 s29, $0xFE00;
	v5 =	vadd.f32 v5, v18;
	v11 =	vadd.f32 v11, v16;
	v16 =	vld [tilespmem:s28+$0x6070]  }
0xd5: {  	v4 =	vadd.f32 v4, v17;
	v10 =	vadd.f32 v10, v15;
	v15 =	vld [tilespmem:s28+$0x1A160]  }
0xd6: {  	s10 =	sshra.s32 s29, $0x2;
	[tilespmem:s28+$0x6000] =	vst v5;
	v3 =	vadd.f32 v3, v11;
	v9 =	vadd.f32 v9, v14;
	v11 =	vld [tilespmem:s28+$0x1A170]  }
0xd7: {  	v5 =	vld [tilespmem:s10+$0x1A100];
	[tilespmem:s28+$0x6010] =	vst v4;
	v2 =	vadd.f32 v2, v10;
	v8 =	vadd.f32 v8, v13  }
0xd8: {  	v4 =	vld [tilespmem:s10+$0x1A110];
	[tilespmem:s28+$0x6020] =	vst v3;
	v1 =	vadd.f32 v1, v9;
	v7 =	vadd.f32 v7, v12  }
0xd9: {  	v3 =	vld [tilespmem:s10+$0x1A120];
	[tilespmem:s28+$0x6030] =	vst v2;
	v0 =	vadd.f32 v0, v8;
	v6 =	vadd.f32 v6, v16  }
0xda: {  	v2 =	vld [tilespmem:s10+$0x1A130];
	[tilespmem:s28+$0x6040] =	vst v1;
	v7 =	vadd.f32 v15, v7  }
0xdb: {  	v1 =	vld [tilespmem:s10+$0x1A140];
	[tilespmem:s28+$0x6050] =	vst v0;
	v6 =	vadd.f32 v11, v6  }
0xdc: {  	v0 =	vld [tilespmem:s10+$0x1A150];
	[tilespmem:s28+$0x6060] =	vst v7  }
0xdd: {  	v12 =	vld [tilespmem:s10+$0x16100];
	[tilespmem:s28+$0x6070] =	vst v6;
	s28 =	smov.u32 s10  }
0xde: {  	v17 =	vld [tilespmem:s28+$0x16110]  }
0xdf: {  	v11 =	vld [tilespmem:s28+$0x16120]  }
0xe0: {  	v10 =	vld [tilespmem:s28+$0x16130]  }
0xe1: {  	v9 =	vld [tilespmem:s28+$0x16140]  }
0xe2: {  	v8 =	vld [tilespmem:s28+$0x16150]  }
0xe3: {  	v7 =	vld [tilespmem:s28+$0x16160]  }
0xe4: {  	v6 =	vld [tilespmem:s28+$0x16170]  }
0xe5: {  	v13 =	vld [tilespmem:s28+$0x6000]  }
0xe6: {  	v19 =	vld [tilespmem:s28+$0x6010]  }
.Ltmp7:
0xe7: {  	v16 =	vld [tilespmem:s28+$0x6020];
	(pc) =	sbr.rel @p4 .LBB2_8-.Ltmp7, $4  }
0xe8: {  	v15 =	vld [tilespmem:s28+$0x6030]  }
0xe9: {  	v14 =	vld [tilespmem:s28+$0x6040]  }
0xea: {  	v18 =	vadd.f32 v12, v13;
	v13 =	vld [tilespmem:s28+$0x6050]  }
0xeb: {  	s29 =	sadd.s32 $0x200, s29;
	v17 =	vadd.f32 v17, v19;
	v12 =	vld [tilespmem:s28+$0x6060]  }
0xec: {  	v5 =	vadd.f32 v5, v18;
	v55 =	vld [tilespmem:s28+$0x6070];
	v11 =	vadd.f32 v11, v16  }
0xed: {  	v56 =	vld [tilespmem:s28+$0x1A160];
	v4 =	vadd.f32 v4, v17;
	v10 =	vadd.f32 v10, v15  }
0xee: {  	v58 =	vld [tilespmem:s28+$0x1A170];
	[tilespmem:s28+$0x6000] =	vst v5;
	v3 =	vadd.f32 v3, v11;
	v57 =	vadd.f32 v9, v14  }
0xef: {  	[tilespmem:s28+$0x6010] =	vst v4;
	v2 =	vadd.f32 v2, v10;
	v59 =	vadd.f32 v8, v13  }
0xf0: {  	[tilespmem:s28+$0x6020] =	vst v3;
	v1 =	vadd.f32 v1, v57;
	v60 =	vadd.f32 v7, v12  }
0xf1: {  	[tilespmem:s28+$0x6030] =	vst v2;
	v0 =	vadd.f32 v0, v59;
	v61 =	vadd.f32 v6, v55  }
0xf2: {  	s10 =	sshll.u32 s17, $0x7;
	[tilespmem:s28+$0x6040] =	vst v1;
	v62 =	vadd.f32 v56, v60  }
0xf3: {  	s10 =	smin.u32 s10, $0x18620;
	[tilespmem:s28+$0x6050] =	vst v0;
	v63 =	vadd.f32 v58, v61  }
0xf4: {  	s10 =	sshll.u32 s10, $0x4;
	[tilespmem:s28+$0x6060] =	vst v62  }
0xf5: {  	s10 =	sadd.s32 s4, s10;
	[tilespmem:s28+$0x6070] =	vst v63  }
0xf6: {  	[hbm4b:s10+s8] =	stream.linear.scatter [tilespmem:s12], [sflag:$0x5], $0x4000, $0x38;
	[tilespmem:$0x1E200] =	vst v63  }
.LBB2_10:
0xf7: {  	s10 =	simm.s32 @!p3 $0x4  }
0xf8: {  	_ =	swait.ge @!p3 [sflag:s10], $0x4000  }
0xf9: {  	s17 =	sshll.u32 @!p1 s25, $0x4;
	[sflag:s10] =	ssyncset.done @!p3 $0x0  }
0xfa: {  	[sflag:s10] =	ssyncadd.s32 @!p3 $0xFFFFC000;
	s10 =	sadd.s32 @!p1 s0, s17;
	s17 =	simm.s32 @!p1 $0x2000  }
0xfb: {  	[tilespmem:s17], [sflag:$0x1] =	stream.linear.gather @!p1 [hbm4b:s10+s26], $0x4000, $0x38;
	[tilespmem:$0x1E200] =	vst v63  }
0xfc: {  	s10 =	simm.s32 @!p1 $0xA  }
0xfd: {  	_ =	swait.ge @!p1 [sflag:s10], $0x80  }
0xfe: {  	[sflag:s10] =	ssyncset.done @!p1 $0x0  }
0xff: {  	[sflag:s10] =	ssyncadd.s32 @!p1 $0xFFFFFF80  }
0x100: {  	_ =	swait.ge @!p1 [sflag:s10], $0x80  }
0x101: {  	[sflag:s10] =	ssyncset.done @!p1 $0x0  }
0x102: {  	s17 =	simm.s32 @!p1 $0x16100;
	[sflag:s10] =	ssyncadd.s32 @!p1 $0xFFFFFF80;
	s10 =	simm.s32 @!p1 $0x80  }
0x103: {  	[tilespmem:s17], [sflag:$0x8] =	stream.indirect.gather @!p1 [spmem:s5], $0x80, s11, s10, $0xb8;
	[tilespmem:$0x1E200] =	vst v63  }
0x104: {  	s11 =	simm.s32 @!p1 $0x1A100  }
0x105: {  	[tilespmem:s11], [sflag:$0x8] =	stream.indirect.gather @!p1 [spmem:s6], $0x80, s18, s10, $0xb8;
	[tilespmem:$0x1E200] =	vst v63  }
0x106: {  	s10 =	simm.s32 @!p0 $0x3  }
0x107: {  	_ =	swait.ge @!p0 [sflag:s10], $0x4000  }
0x108: {  	[sflag:s10] =	ssyncset.done @!p0 $0x0  }
0x109: {  	[sflag:s10] =	ssyncadd.s32 @!p0 $0xFFFFC000;
	s10 =	simm.s32 @!p0 $0x7  }
0x10a: {  	_ =	swait.ge @!p0 [sflag:s10], $0x4000  }
0x10b: {  	s17 =	sadd.s32 s21, s14;
	[sflag:s10] =	ssyncset.done @!p0 $0x0  }
0x10c: {  	p3 =	sgt.u32 s17, $0x30D;
	[sflag:s10] =	ssyncadd.s32 @!p0 $0xFFFFC000  }
0x10d: {  	s11 =	sshll.u32 @!p3 s17, $0x7;
	_ =	swait.ge @!p0 [sflag:s10], $0x4000  }
0x10e: {  	s25 =	smin.u32 @!p3 s11, $0x18620;
	[sflag:s10] =	ssyncset.done @!p0 $0x0  }
.Ltmp8:
0x10f: {  	[sflag:s10] =	ssyncadd.s32 @!p0 $0xFFFFC000;
	s10 =	sshrl.u32 @!p3 s25, $0x3;
	(pc) =	sbr.rel @p0 .LBB2_14-.Ltmp8, $4  }
0x110: {  	s26 =	simm.s32 @!p3 $0x0;
	s11 =	simm.s32 @!p3 $0x16000;
	s18 =	sadd.s32 @!p3 s1, s10  }
0x111: {  	[tilespmem:s11], [sflag:$0x9] =	stream.linear.gather @!p3 [hbm4b:s18+s26], $0x80, $0x38;
	[tilespmem:$0x1E200] =	vst v63  }
0x112: {  	s10 =	sadd.s32 @!p3 s2, s10;
	s18 =	simm.s32 @!p3 $0x16080  }
0x113: {  	[tilespmem:s18], [sflag:$0x9] =	stream.linear.gather @!p3 [hbm4b:s10+s26], $0x80, $0x38;
	[tilespmem:$0x1E200] =	vst v63  }
0x114: {  	s28 =	simm.s32 $0x0  }
0x115: {  	v5 =	vld [tilespmem:s28+$0x12000]  }
0x116: {  	v4 =	vld [tilespmem:s28+$0x12010]  }
0x117: {  	v3 =	vld [tilespmem:s28+$0x12020]  }
0x118: {  	v2 =	vld [tilespmem:s28+$0x12030]  }
0x119: {  	v1 =	vld [tilespmem:s28+$0x12040]  }
0x11a: {  	v0 =	vld [tilespmem:s28+$0x12050]  }
0x11b: {  	v12 =	vld [tilespmem:s28+$0xE000]  }
0x11c: {  	v17 =	vld [tilespmem:s28+$0xE010]  }
0x11d: {  	v11 =	vld [tilespmem:s28+$0xE020]  }
0x11e: {  	v10 =	vld [tilespmem:s28+$0xE030]  }
0x11f: {  	v9 =	vld [tilespmem:s28+$0xE040]  }
0x120: {  	v8 =	vld [tilespmem:s28+$0xE050]  }
0x121: {  	v7 =	vld [tilespmem:s28+$0xE060]  }
0x122: {  	v6 =	vld [tilespmem:s28+$0xE070]  }
0x123: {  	v18 =	vld [tilespmem:s28+$0xA000]  }
0x124: {  	v19 =	vld [tilespmem:s28+$0xA010]  }
0x125: {  	v16 =	vld [tilespmem:s28+$0xA020]  }
0x126: {  	v15 =	vld [tilespmem:s28+$0xA030]  }
0x127: {  	v14 =	vld [tilespmem:s28+$0xA040]  }
0x128: {  	v13 =	vld [tilespmem:s28+$0xA050];
	v18 =	vadd.f32 v12, v18  }
0x129: {  	s29 =	simm.s32 $0x200;
	v17 =	vadd.f32 v17, v19;
	v12 =	vld [tilespmem:s28+$0xA060]  }
.LBB2_12:
0x12a: {  	p4 =	sne.s32 s29, $0xFE00;
	v5 =	vadd.f32 v5, v18;
	v11 =	vadd.f32 v11, v16;
	v16 =	vld [tilespmem:s28+$0xA070]  }
0x12b: {  	v4 =	vadd.f32 v4, v17;
	v10 =	vadd.f32 v10, v15;
	v15 =	vld [tilespmem:s28+$0x12060]  }
0x12c: {  	s10 =	sshra.s32 s29, $0x2;
	[tilespmem:s28+$0xA000] =	vst v5;
	v3 =	vadd.f32 v3, v11;
	v9 =	vadd.f32 v9, v14;
	v11 =	vld [tilespmem:s28+$0x12070]  }
0x12d: {  	v5 =	vld [tilespmem:s10+$0x12000];
	[tilespmem:s28+$0xA010] =	vst v4;
	v2 =	vadd.f32 v2, v10;
	v8 =	vadd.f32 v8, v13  }
0x12e: {  	v4 =	vld [tilespmem:s10+$0x12010];
	[tilespmem:s28+$0xA020] =	vst v3;
	v1 =	vadd.f32 v1, v9;
	v7 =	vadd.f32 v7, v12  }
0x12f: {  	v3 =	vld [tilespmem:s10+$0x12020];
	[tilespmem:s28+$0xA030] =	vst v2;
	v0 =	vadd.f32 v0, v8;
	v6 =	vadd.f32 v6, v16  }
0x130: {  	v2 =	vld [tilespmem:s10+$0x12030];
	[tilespmem:s28+$0xA040] =	vst v1;
	v7 =	vadd.f32 v15, v7  }
0x131: {  	v1 =	vld [tilespmem:s10+$0x12040];
	[tilespmem:s28+$0xA050] =	vst v0;
	v6 =	vadd.f32 v11, v6  }
0x132: {  	v0 =	vld [tilespmem:s10+$0x12050];
	[tilespmem:s28+$0xA060] =	vst v7  }
0x133: {  	v12 =	vld [tilespmem:s10+$0xE000];
	[tilespmem:s28+$0xA070] =	vst v6;
	s28 =	smov.u32 s10  }
0x134: {  	v17 =	vld [tilespmem:s28+$0xE010]  }
0x135: {  	v11 =	vld [tilespmem:s28+$0xE020]  }
0x136: {  	v10 =	vld [tilespmem:s28+$0xE030]  }
0x137: {  	v9 =	vld [tilespmem:s28+$0xE040]  }
0x138: {  	v8 =	vld [tilespmem:s28+$0xE050]  }
0x139: {  	v7 =	vld [tilespmem:s28+$0xE060]  }
0x13a: {  	v6 =	vld [tilespmem:s28+$0xE070]  }
0x13b: {  	v13 =	vld [tilespmem:s28+$0xA000]  }
0x13c: {  	v19 =	vld [tilespmem:s28+$0xA010]  }
.Ltmp9:
0x13d: {  	v16 =	vld [tilespmem:s28+$0xA020];
	(pc) =	sbr.rel @p4 .LBB2_12-.Ltmp9, $4  }
0x13e: {  	v15 =	vld [tilespmem:s28+$0xA030]  }
0x13f: {  	v14 =	vld [tilespmem:s28+$0xA040]  }
0x140: {  	v18 =	vadd.f32 v12, v13;
	v13 =	vld [tilespmem:s28+$0xA050]  }
0x141: {  	s29 =	sadd.s32 $0x200, s29;
	v17 =	vadd.f32 v17, v19;
	v12 =	vld [tilespmem:s28+$0xA060]  }
0x142: {  	v5 =	vadd.f32 v5, v18;
	v55 =	vld [tilespmem:s28+$0xA070];
	v11 =	vadd.f32 v11, v16  }
0x143: {  	v56 =	vld [tilespmem:s28+$0x12060];
	v4 =	vadd.f32 v4, v17;
	v10 =	vadd.f32 v10, v15  }
0x144: {  	v58 =	vld [tilespmem:s28+$0x12070];
	[tilespmem:s28+$0xA000] =	vst v5;
	v3 =	vadd.f32 v3, v11;
	v57 =	vadd.f32 v9, v14  }
0x145: {  	[tilespmem:s28+$0xA010] =	vst v4;
	v2 =	vadd.f32 v2, v10;
	v59 =	vadd.f32 v8, v13  }
0x146: {  	[tilespmem:s28+$0xA020] =	vst v3;
	v1 =	vadd.f32 v1, v57;
	v60 =	vadd.f32 v7, v12  }
0x147: {  	[tilespmem:s28+$0xA030] =	vst v2;
	v0 =	vadd.f32 v0, v59;
	v61 =	vadd.f32 v6, v55  }
0x148: {  	s10 =	sshll.u32 s15, $0x7;
	[tilespmem:s28+$0xA040] =	vst v1;
	v62 =	vadd.f32 v56, v60  }
0x149: {  	s10 =	smin.u32 s10, $0x18620;
	[tilespmem:s28+$0xA050] =	vst v0;
	v63 =	vadd.f32 v58, v61  }
0x14a: {  	s10 =	sshll.u32 s10, $0x4;
	[tilespmem:s28+$0xA060] =	vst v62  }
0x14b: {  	s10 =	sadd.s32 s4, s10;
	[tilespmem:s28+$0xA070] =	vst v63  }
0x14c: {  	[hbm4b:s10+s8] =	stream.linear.scatter [tilespmem:s13], [sflag:$0x6], $0x4000, $0x38;
	[tilespmem:$0x1E200] =	vst v63  }
.LBB2_14:
0x14d: {  	s10 =	simm.s32 @!p2 $0x5  }
0x14e: {  	_ =	swait.ge @!p2 [sflag:s10], $0x4000  }
0x14f: {  	s15 =	sshll.u32 @!p3 s25, $0x4;
	[sflag:s10] =	ssyncset.done @!p2 $0x0  }
0x150: {  	[sflag:s10] =	ssyncadd.s32 @!p2 $0xFFFFC000;
	s10 =	sadd.s32 @!p3 s0, s15;
	s15 =	simm.s32 @!p3 $0x6000  }
0x151: {  	[tilespmem:s15], [sflag:$0x2] =	stream.linear.gather @!p3 [hbm4b:s10+s26], $0x4000, $0x38;
	[tilespmem:$0x1E200] =	vst v63  }
0x152: {  	s10 =	simm.s32 @!p3 $0x9  }
0x153: {  	_ =	swait.ge @!p3 [sflag:s10], $0x80  }
0x154: {  	[sflag:s10] =	ssyncset.done @!p3 $0x0  }
0x155: {  	[sflag:s10] =	ssyncadd.s32 @!p3 $0xFFFFFF80  }
0x156: {  	_ =	swait.ge @!p3 [sflag:s10], $0x80  }
0x157: {  	[sflag:s10] =	ssyncset.done @!p3 $0x0  }
0x158: {  	s15 =	simm.s32 @!p3 $0xE000;
	[sflag:s10] =	ssyncadd.s32 @!p3 $0xFFFFFF80;
	s10 =	simm.s32 @!p3 $0x80  }
0x159: {  	[tilespmem:s15], [sflag:$0x7] =	stream.indirect.gather @!p3 [spmem:s5], $0x80, s11, s10, $0xb8;
	[tilespmem:$0x1E200] =	vst v63  }
0x15a: {  	s11 =	simm.s32 @!p3 $0x12000  }
0x15b: {  	[tilespmem:s11], [sflag:$0x7] =	stream.indirect.gather @!p3 [spmem:s6], $0x80, s18, s10, $0xb8;
	[tilespmem:$0x1E200] =	vst v63  }
0x15c: {  	s10 =	simm.s32 @!p1 $0x1  }
0x15d: {  	_ =	swait.ge @!p1 [sflag:s10], $0x4000  }
0x15e: {  	[sflag:s10] =	ssyncset.done @!p1 $0x0  }
0x15f: {  	[sflag:s10] =	ssyncadd.s32 @!p1 $0xFFFFC000;
	s10 =	simm.s32 @!p1 $0x8  }
0x160: {  	_ =	swait.ge @!p1 [sflag:s10], $0x4000  }
0x161: {  	s15 =	sadd.s32 s22, s14;
	[sflag:s10] =	ssyncset.done @!p1 $0x0  }
0x162: {  	p2 =	sgt.u32 s15, $0x30D;
	[sflag:s10] =	ssyncadd.s32 @!p1 $0xFFFFC000  }
0x163: {  	s11 =	sshll.u32 @!p2 s15, $0x7;
	_ =	swait.ge @!p1 [sflag:s10], $0x4000  }
0x164: {  	s25 =	smin.u32 @!p2 s11, $0x18620;
	[sflag:s10] =	ssyncset.done @!p1 $0x0  }
.Ltmp10:
0x165: {  	[sflag:s10] =	ssyncadd.s32 @!p1 $0xFFFFC000;
	s10 =	sshrl.u32 @!p2 s25, $0x3;
	(pc) =	sbr.rel @p1 .LBB2_18-.Ltmp10, $4  }
0x166: {  	s26 =	simm.s32 @!p2 $0x0;
	s11 =	simm.s32 @!p2 $0x1E100;
	s18 =	sadd.s32 @!p2 s1, s10  }
0x167: {  	[tilespmem:s11], [sflag:$0xA] =	stream.linear.gather @!p2 [hbm4b:s18+s26], $0x80, $0x38;
	[tilespmem:$0x1E200] =	vst v63  }
0x168: {  	s10 =	sadd.s32 @!p2 s2, s10;
	s18 =	simm.s32 @!p2 $0x1E180  }
0x169: {  	[tilespmem:s18], [sflag:$0xA] =	stream.linear.gather @!p2 [hbm4b:s10+s26], $0x80, $0x38;
	[tilespmem:$0x1E200] =	vst v63  }
0x16a: {  	s28 =	simm.s32 $0x0  }
0x16b: {  	v5 =	vld [tilespmem:s28+$0x1A100]  }
0x16c: {  	v4 =	vld [tilespmem:s28+$0x1A110]  }
0x16d: {  	v3 =	vld [tilespmem:s28+$0x1A120]  }
0x16e: {  	v2 =	vld [tilespmem:s28+$0x1A130]  }
0x16f: {  	v1 =	vld [tilespmem:s28+$0x1A140]  }
0x170: {  	v0 =	vld [tilespmem:s28+$0x1A150]  }
0x171: {  	v12 =	vld [tilespmem:s28+$0x16100]  }
0x172: {  	v17 =	vld [tilespmem:s28+$0x16110]  }
0x173: {  	v11 =	vld [tilespmem:s28+$0x16120]  }
0x174: {  	v10 =	vld [tilespmem:s28+$0x16130]  }
0x175: {  	v9 =	vld [tilespmem:s28+$0x16140]  }
0x176: {  	v8 =	vld [tilespmem:s28+$0x16150]  }
0x177: {  	v7 =	vld [tilespmem:s28+$0x16160]  }
0x178: {  	v6 =	vld [tilespmem:s28+$0x16170]  }
0x179: {  	v18 =	vld [tilespmem:s28+$0x2000]  }
0x17a: {  	v19 =	vld [tilespmem:s28+$0x2010]  }
0x17b: {  	v16 =	vld [tilespmem:s28+$0x2020]  }
0x17c: {  	v15 =	vld [tilespmem:s28+$0x2030]  }
0x17d: {  	v14 =	vld [tilespmem:s28+$0x2040]  }
0x17e: {  	v13 =	vld [tilespmem:s28+$0x2050];
	v18 =	vadd.f32 v12, v18  }
0x17f: {  	s29 =	simm.s32 $0x200;
	v17 =	vadd.f32 v17, v19;
	v12 =	vld [tilespmem:s28+$0x2060]  }
.LBB2_16:
0x180: {  	p4 =	sne.s32 s29, $0xFE00;
	v5 =	vadd.f32 v5, v18;
	v11 =	vadd.f32 v11, v16;
	v16 =	vld [tilespmem:s28+$0x2070]  }
0x181: {  	v4 =	vadd.f32 v4, v17;
	v10 =	vadd.f32 v10, v15;
	v15 =	vld [tilespmem:s28+$0x1A160]  }
0x182: {  	s10 =	sshra.s32 s29, $0x2;
	[tilespmem:s28+$0x2000] =	vst v5;
	v3 =	vadd.f32 v3, v11;
	v9 =	vadd.f32 v9, v14;
	v11 =	vld [tilespmem:s28+$0x1A170]  }
0x183: {  	v5 =	vld [tilespmem:s10+$0x1A100];
	[tilespmem:s28+$0x2010] =	vst v4;
	v2 =	vadd.f32 v2, v10;
	v8 =	vadd.f32 v8, v13  }
0x184: {  	v4 =	vld [tilespmem:s10+$0x1A110];
	[tilespmem:s28+$0x2020] =	vst v3;
	v1 =	vadd.f32 v1, v9;
	v7 =	vadd.f32 v7, v12  }
0x185: {  	v3 =	vld [tilespmem:s10+$0x1A120];
	[tilespmem:s28+$0x2030] =	vst v2;
	v0 =	vadd.f32 v0, v8;
	v6 =	vadd.f32 v6, v16  }
0x186: {  	v2 =	vld [tilespmem:s10+$0x1A130];
	[tilespmem:s28+$0x2040] =	vst v1;
	v7 =	vadd.f32 v15, v7  }
0x187: {  	v1 =	vld [tilespmem:s10+$0x1A140];
	[tilespmem:s28+$0x2050] =	vst v0;
	v6 =	vadd.f32 v11, v6  }
0x188: {  	v0 =	vld [tilespmem:s10+$0x1A150];
	[tilespmem:s28+$0x2060] =	vst v7  }
0x189: {  	v12 =	vld [tilespmem:s10+$0x16100];
	[tilespmem:s28+$0x2070] =	vst v6;
	s28 =	smov.u32 s10  }
0x18a: {  	v17 =	vld [tilespmem:s28+$0x16110]  }
0x18b: {  	v11 =	vld [tilespmem:s28+$0x16120]  }
0x18c: {  	v10 =	vld [tilespmem:s28+$0x16130]  }
0x18d: {  	v9 =	vld [tilespmem:s28+$0x16140]  }
0x18e: {  	v8 =	vld [tilespmem:s28+$0x16150]  }
0x18f: {  	v7 =	vld [tilespmem:s28+$0x16160]  }
0x190: {  	v6 =	vld [tilespmem:s28+$0x16170]  }
0x191: {  	v13 =	vld [tilespmem:s28+$0x2000]  }
0x192: {  	v19 =	vld [tilespmem:s28+$0x2010]  }
.Ltmp11:
0x193: {  	v16 =	vld [tilespmem:s28+$0x2020];
	(pc) =	sbr.rel @p4 .LBB2_16-.Ltmp11, $4  }
0x194: {  	v15 =	vld [tilespmem:s28+$0x2030]  }
0x195: {  	v14 =	vld [tilespmem:s28+$0x2040]  }
0x196: {  	v18 =	vadd.f32 v12, v13;
	v13 =	vld [tilespmem:s28+$0x2050]  }
0x197: {  	s29 =	sadd.s32 $0x200, s29;
	v17 =	vadd.f32 v17, v19;
	v12 =	vld [tilespmem:s28+$0x2060]  }
0x198: {  	v5 =	vadd.f32 v5, v18;
	v55 =	vld [tilespmem:s28+$0x2070];
	v11 =	vadd.f32 v11, v16  }
0x199: {  	v56 =	vld [tilespmem:s28+$0x1A160];
	v4 =	vadd.f32 v4, v17;
	v10 =	vadd.f32 v10, v15  }
0x19a: {  	v58 =	vld [tilespmem:s28+$0x1A170];
	[tilespmem:s28+$0x2000] =	vst v5;
	v3 =	vadd.f32 v3, v11;
	v57 =	vadd.f32 v9, v14  }
0x19b: {  	[tilespmem:s28+$0x2010] =	vst v4;
	v2 =	vadd.f32 v2, v10;
	v59 =	vadd.f32 v8, v13  }
0x19c: {  	[tilespmem:s28+$0x2020] =	vst v3;
	v1 =	vadd.f32 v1, v57;
	v60 =	vadd.f32 v7, v12  }
0x19d: {  	[tilespmem:s28+$0x2030] =	vst v2;
	v0 =	vadd.f32 v0, v59;
	v61 =	vadd.f32 v6, v55  }
0x19e: {  	s10 =	sshll.u32 s16, $0x7;
	[tilespmem:s28+$0x2040] =	vst v1;
	v62 =	vadd.f32 v56, v60  }
0x19f: {  	s10 =	smin.u32 s10, $0x18620;
	[tilespmem:s28+$0x2050] =	vst v0;
	v63 =	vadd.f32 v58, v61  }
0x1a0: {  	s10 =	sshll.u32 s10, $0x4;
	[tilespmem:s28+$0x2060] =	vst v62  }
0x1a1: {  	s10 =	sadd.s32 s4, s10;
	[tilespmem:s28+$0x2070] =	vst v63  }
0x1a2: {  	[hbm4b:s10+s8] =	stream.linear.scatter [tilespmem:s7], [sflag:$0x4], $0x4000, $0x38;
	[tilespmem:$0x1E200] =	vst v63  }
.LBB2_18:
0x1a3: {  	s10 =	simm.s32 @!p0 $0x6  }
0x1a4: {  	_ =	swait.ge @!p0 [sflag:s10], $0x4000  }
0x1a5: {  	s16 =	sshll.u32 @!p2 s25, $0x4;
	[sflag:s10] =	ssyncset.done @!p0 $0x0  }
0x1a6: {  	[sflag:s10] =	ssyncadd.s32 @!p0 $0xFFFFC000;
	s10 =	sadd.s32 @!p2 s0, s16;
	s16 =	simm.s32 @!p2 $0xA000  }
0x1a7: {  	[tilespmem:s16], [sflag:$0x3] =	stream.linear.gather @!p2 [hbm4b:s10+s26], $0x4000, $0x38;
	[tilespmem:$0x1E200] =	vst v63  }
0x1a8: {  	s10 =	simm.s32 @!p2 $0xA  }
0x1a9: {  	_ =	swait.ge @!p2 [sflag:s10], $0x80  }
0x1aa: {  	[sflag:s10] =	ssyncset.done @!p2 $0x0  }
0x1ab: {  	[sflag:s10] =	ssyncadd.s32 @!p2 $0xFFFFFF80  }
0x1ac: {  	_ =	swait.ge @!p2 [sflag:s10], $0x80  }
0x1ad: {  	[sflag:s10] =	ssyncset.done @!p2 $0x0  }
0x1ae: {  	s16 =	simm.s32 @!p2 $0x16100;
	[sflag:s10] =	ssyncadd.s32 @!p2 $0xFFFFFF80;
	s10 =	simm.s32 @!p2 $0x80  }
0x1af: {  	[tilespmem:s16], [sflag:$0x8] =	stream.indirect.gather @!p2 [spmem:s5], $0x80, s11, s10, $0xb8;
	[tilespmem:$0x1E200] =	vst v63  }
0x1b0: {  	s11 =	simm.s32 @!p2 $0x1A100  }
0x1b1: {  	[tilespmem:s11], [sflag:$0x8] =	stream.indirect.gather @!p2 [spmem:s6], $0x80, s18, s10, $0xb8;
	[tilespmem:$0x1E200] =	vst v63  }
0x1b2: {  	s10 =	simm.s32 @!p3 $0x2  }
0x1b3: {  	_ =	swait.ge @!p3 [sflag:s10], $0x4000  }
0x1b4: {  	[sflag:s10] =	ssyncset.done @!p3 $0x0  }
0x1b5: {  	[sflag:s10] =	ssyncadd.s32 @!p3 $0xFFFFC000;
	s10 =	simm.s32 @!p3 $0x7  }
0x1b6: {  	_ =	swait.ge @!p3 [sflag:s10], $0x4000  }
0x1b7: {  	s11 =	sadd.s32 s23, s14;
	[sflag:s10] =	ssyncset.done @!p3 $0x0  }
0x1b8: {  	p0 =	sgt.u32 s11, $0x30D;
	[sflag:s10] =	ssyncadd.s32 @!p3 $0xFFFFC000  }
0x1b9: {  	s11 =	sshll.u32 @!p0 s11, $0x7;
	_ =	swait.ge @!p3 [sflag:s10], $0x4000  }
0x1ba: {  	s18 =	smin.u32 @!p0 s11, $0x18620;
	[sflag:s10] =	ssyncset.done @!p3 $0x0  }
.Ltmp12:
0x1bb: {  	[sflag:s10] =	ssyncadd.s32 @!p3 $0xFFFFC000;
	s10 =	sshrl.u32 @!p0 s18, $0x3;
	(pc) =	sbr.rel @p3 .LBB2_22-.Ltmp12, $4  }
0x1bc: {  	s25 =	simm.s32 @!p0 $0x0;
	s11 =	simm.s32 @!p0 $0x16000;
	s16 =	sadd.s32 @!p0 s1, s10  }
0x1bd: {  	[tilespmem:s11], [sflag:$0x9] =	stream.linear.gather @!p0 [hbm4b:s16+s25], $0x80, $0x38;
	[tilespmem:$0x1E200] =	vst v63  }
0x1be: {  	s10 =	sadd.s32 @!p0 s2, s10;
	s16 =	simm.s32 @!p0 $0x16080  }
0x1bf: {  	[tilespmem:s16], [sflag:$0x9] =	stream.linear.gather @!p0 [hbm4b:s10+s25], $0x80, $0x38;
	[tilespmem:$0x1E200] =	vst v63  }
0x1c0: {  	s26 =	simm.s32 $0x0  }
0x1c1: {  	v5 =	vld [tilespmem:s26+$0x12000]  }
0x1c2: {  	v4 =	vld [tilespmem:s26+$0x12010]  }
0x1c3: {  	v3 =	vld [tilespmem:s26+$0x12020]  }
0x1c4: {  	v2 =	vld [tilespmem:s26+$0x12030]  }
0x1c5: {  	v1 =	vld [tilespmem:s26+$0x12040]  }
0x1c6: {  	v0 =	vld [tilespmem:s26+$0x12050]  }
0x1c7: {  	v12 =	vld [tilespmem:s26+$0xE000]  }
0x1c8: {  	v17 =	vld [tilespmem:s26+$0xE010]  }
0x1c9: {  	v11 =	vld [tilespmem:s26+$0xE020]  }
0x1ca: {  	v10 =	vld [tilespmem:s26+$0xE030]  }
0x1cb: {  	v9 =	vld [tilespmem:s26+$0xE040]  }
0x1cc: {  	v8 =	vld [tilespmem:s26+$0xE050]  }
0x1cd: {  	v7 =	vld [tilespmem:s26+$0xE060]  }
0x1ce: {  	v6 =	vld [tilespmem:s26+$0xE070]  }
0x1cf: {  	v18 =	vld [tilespmem:s26+$0x6000]  }
0x1d0: {  	v19 =	vld [tilespmem:s26+$0x6010]  }
0x1d1: {  	v16 =	vld [tilespmem:s26+$0x6020]  }
0x1d2: {  	v15 =	vld [tilespmem:s26+$0x6030]  }
0x1d3: {  	v14 =	vld [tilespmem:s26+$0x6040]  }
0x1d4: {  	v13 =	vld [tilespmem:s26+$0x6050];
	v18 =	vadd.f32 v12, v18  }
0x1d5: {  	s28 =	simm.s32 $0x200;
	v17 =	vadd.f32 v17, v19;
	v12 =	vld [tilespmem:s26+$0x6060]  }
.LBB2_20:
0x1d6: {  	p3 =	sne.s32 s28, $0xFE00;
	v5 =	vadd.f32 v5, v18;
	v11 =	vadd.f32 v11, v16;
	v16 =	vld [tilespmem:s26+$0x6070]  }
0x1d7: {  	v4 =	vadd.f32 v4, v17;
	v10 =	vadd.f32 v10, v15;
	v15 =	vld [tilespmem:s26+$0x12060]  }
0x1d8: {  	s10 =	sshra.s32 s28, $0x2;
	[tilespmem:s26+$0x6000] =	vst v5;
	v3 =	vadd.f32 v3, v11;
	v9 =	vadd.f32 v9, v14;
	v11 =	vld [tilespmem:s26+$0x12070]  }
0x1d9: {  	v5 =	vld [tilespmem:s10+$0x12000];
	[tilespmem:s26+$0x6010] =	vst v4;
	v2 =	vadd.f32 v2, v10;
	v8 =	vadd.f32 v8, v13  }
0x1da: {  	v4 =	vld [tilespmem:s10+$0x12010];
	[tilespmem:s26+$0x6020] =	vst v3;
	v1 =	vadd.f32 v1, v9;
	v7 =	vadd.f32 v7, v12  }
0x1db: {  	v3 =	vld [tilespmem:s10+$0x12020];
	[tilespmem:s26+$0x6030] =	vst v2;
	v0 =	vadd.f32 v0, v8;
	v6 =	vadd.f32 v6, v16  }
0x1dc: {  	v2 =	vld [tilespmem:s10+$0x12030];
	[tilespmem:s26+$0x6040] =	vst v1;
	v7 =	vadd.f32 v15, v7  }
0x1dd: {  	v1 =	vld [tilespmem:s10+$0x12040];
	[tilespmem:s26+$0x6050] =	vst v0;
	v6 =	vadd.f32 v11, v6  }
0x1de: {  	v0 =	vld [tilespmem:s10+$0x12050];
	[tilespmem:s26+$0x6060] =	vst v7  }
0x1df: {  	v12 =	vld [tilespmem:s10+$0xE000];
	[tilespmem:s26+$0x6070] =	vst v6;
	s26 =	smov.u32 s10  }
0x1e0: {  	v17 =	vld [tilespmem:s26+$0xE010]  }
0x1e1: {  	v11 =	vld [tilespmem:s26+$0xE020]  }
0x1e2: {  	v10 =	vld [tilespmem:s26+$0xE030]  }
0x1e3: {  	v9 =	vld [tilespmem:s26+$0xE040]  }
0x1e4: {  	v8 =	vld [tilespmem:s26+$0xE050]  }
0x1e5: {  	v7 =	vld [tilespmem:s26+$0xE060]  }
0x1e6: {  	v6 =	vld [tilespmem:s26+$0xE070]  }
0x1e7: {  	v13 =	vld [tilespmem:s26+$0x6000]  }
0x1e8: {  	v19 =	vld [tilespmem:s26+$0x6010]  }
.Ltmp13:
0x1e9: {  	v16 =	vld [tilespmem:s26+$0x6020];
	(pc) =	sbr.rel @p3 .LBB2_20-.Ltmp13, $4  }
0x1ea: {  	v15 =	vld [tilespmem:s26+$0x6030]  }
0x1eb: {  	v14 =	vld [tilespmem:s26+$0x6040]  }
0x1ec: {  	v18 =	vadd.f32 v12, v13;
	v13 =	vld [tilespmem:s26+$0x6050]  }
0x1ed: {  	s28 =	sadd.s32 $0x200, s28;
	v17 =	vadd.f32 v17, v19;
	v12 =	vld [tilespmem:s26+$0x6060]  }
0x1ee: {  	v5 =	vadd.f32 v5, v18;
	v55 =	vld [tilespmem:s26+$0x6070];
	v11 =	vadd.f32 v11, v16  }
0x1ef: {  	v56 =	vld [tilespmem:s26+$0x12060];
	v4 =	vadd.f32 v4, v17;
	v10 =	vadd.f32 v10, v15  }
0x1f0: {  	v58 =	vld [tilespmem:s26+$0x12070];
	[tilespmem:s26+$0x6000] =	vst v5;
	v3 =	vadd.f32 v3, v11;
	v57 =	vadd.f32 v9, v14  }
0x1f1: {  	[tilespmem:s26+$0x6010] =	vst v4;
	v2 =	vadd.f32 v2, v10;
	v59 =	vadd.f32 v8, v13  }
0x1f2: {  	[tilespmem:s26+$0x6020] =	vst v3;
	v1 =	vadd.f32 v1, v57;
	v60 =	vadd.f32 v7, v12  }
0x1f3: {  	[tilespmem:s26+$0x6030] =	vst v2;
	v0 =	vadd.f32 v0, v59;
	v61 =	vadd.f32 v6, v55  }
0x1f4: {  	s10 =	sshll.u32 s17, $0x7;
	[tilespmem:s26+$0x6040] =	vst v1;
	v62 =	vadd.f32 v56, v60  }
0x1f5: {  	s10 =	smin.u32 s10, $0x18620;
	[tilespmem:s26+$0x6050] =	vst v0;
	v63 =	vadd.f32 v58, v61  }
0x1f6: {  	s10 =	sshll.u32 s10, $0x4;
	[tilespmem:s26+$0x6060] =	vst v62  }
0x1f7: {  	s10 =	sadd.s32 s4, s10;
	[tilespmem:s26+$0x6070] =	vst v63  }
0x1f8: {  	[hbm4b:s10+s8] =	stream.linear.scatter [tilespmem:s12], [sflag:$0x5], $0x4000, $0x38;
	[tilespmem:$0x1E200] =	vst v63  }
.LBB2_22:
0x1f9: {  	s10 =	simm.s32 @!p1 $0x4  }
0x1fa: {  	_ =	swait.ge @!p1 [sflag:s10], $0x4000  }
0x1fb: {  	s17 =	sshll.u32 @!p0 s18, $0x4;
	[sflag:s10] =	ssyncset.done @!p1 $0x0  }
0x1fc: {  	[sflag:s10] =	ssyncadd.s32 @!p1 $0xFFFFC000;
	s10 =	sadd.s32 @!p0 s0, s17;
	s17 =	simm.s32 @!p0 $0x2000  }
0x1fd: {  	[tilespmem:s17], [sflag:$0x1] =	stream.linear.gather @!p0 [hbm4b:s10+s25], $0x4000, $0x38;
	[tilespmem:$0x1E200] =	vst v63  }
0x1fe: {  	s10 =	simm.s32 @!p0 $0x9  }
0x1ff: {  	_ =	swait.ge @!p0 [sflag:s10], $0x80  }
0x200: {  	[sflag:s10] =	ssyncset.done @!p0 $0x0  }
0x201: {  	[sflag:s10] =	ssyncadd.s32 @!p0 $0xFFFFFF80  }
0x202: {  	_ =	swait.ge @!p0 [sflag:s10], $0x80  }
0x203: {  	[sflag:s10] =	ssyncset.done @!p0 $0x0  }
0x204: {  	s17 =	simm.s32 @!p0 $0xE000;
	[sflag:s10] =	ssyncadd.s32 @!p0 $0xFFFFFF80;
	s10 =	simm.s32 @!p0 $0x80  }
0x205: {  	[tilespmem:s17], [sflag:$0x7] =	stream.indirect.gather @!p0 [spmem:s5], $0x80, s11, s10, $0xb8;
	[tilespmem:$0x1E200] =	vst v63  }
0x206: {  	s11 =	simm.s32 @!p0 $0x12000  }
0x207: {  	[tilespmem:s11], [sflag:$0x7] =	stream.indirect.gather @!p0 [spmem:s6], $0x80, s16, s10, $0xb8;
	[tilespmem:$0x1E200] =	vst v63  }
0x208: {  	s10 =	simm.s32 @!p2 $0x3  }
0x209: {  	_ =	swait.ge @!p2 [sflag:s10], $0x4000  }
0x20a: {  	[sflag:s10] =	ssyncset.done @!p2 $0x0  }
0x20b: {  	[sflag:s10] =	ssyncadd.s32 @!p2 $0xFFFFC000;
	s10 =	simm.s32 @!p2 $0x8  }
0x20c: {  	_ =	swait.ge @!p2 [sflag:s10], $0x4000  }
0x20d: {  	s11 =	sadd.s32 s24, s14;
	[sflag:s10] =	ssyncset.done @!p2 $0x0  }
0x20e: {  	p0 =	sgt.u32 s11, $0x30D;
	[sflag:s10] =	ssyncadd.s32 @!p2 $0xFFFFC000  }
0x20f: {  	s11 =	sshll.u32 @!p0 s11, $0x7;
	_ =	swait.ge @!p2 [sflag:s10], $0x4000  }
0x210: {  	s11 =	smin.u32 @!p0 s11, $0x18620;
	[sflag:s10] =	ssyncset.done @!p2 $0x0  }
.Ltmp14:
0x211: {  	[sflag:s10] =	ssyncadd.s32 @!p2 $0xFFFFC000;
	s10 =	sshrl.u32 @!p0 s11, $0x3;
	(pc) =	sbr.rel @p2 .LBB2_26-.Ltmp14, $4  }
0x212: {  	s14 =	simm.s32 @!p0 $0x0;
	s16 =	simm.s32 @!p0 $0x1E100;
	s11 =	sadd.s32 @!p0 s1, s10  }
0x213: {  	[tilespmem:s16], [sflag:$0xA] =	stream.linear.gather @!p0 [hbm4b:s11+s14], $0x80, $0x38;
	[tilespmem:$0x1E200] =	vst v63  }
0x214: {  	s10 =	sadd.s32 @!p0 s2, s10;
	s11 =	simm.s32 @!p0 $0x1E180  }
0x215: {  	[tilespmem:s11], [sflag:$0xA] =	stream.linear.gather @!p0 [hbm4b:s10+s14], $0x80, $0x38;
	[tilespmem:$0x1E200] =	vst v63  }
0x216: {  	s11 =	simm.s32 $0x0  }
0x217: {  	v5 =	vld [tilespmem:s11+$0x1A100]  }
0x218: {  	v4 =	vld [tilespmem:s11+$0x1A110]  }
0x219: {  	v3 =	vld [tilespmem:s11+$0x1A120]  }
0x21a: {  	v2 =	vld [tilespmem:s11+$0x1A130]  }
0x21b: {  	v1 =	vld [tilespmem:s11+$0x1A140]  }
0x21c: {  	v0 =	vld [tilespmem:s11+$0x1A150]  }
0x21d: {  	v12 =	vld [tilespmem:s11+$0x16100]  }
0x21e: {  	v17 =	vld [tilespmem:s11+$0x16110]  }
0x21f: {  	v11 =	vld [tilespmem:s11+$0x16120]  }
0x220: {  	v10 =	vld [tilespmem:s11+$0x16130]  }
0x221: {  	v9 =	vld [tilespmem:s11+$0x16140]  }
0x222: {  	v8 =	vld [tilespmem:s11+$0x16150]  }
0x223: {  	v7 =	vld [tilespmem:s11+$0x16160]  }
0x224: {  	v6 =	vld [tilespmem:s11+$0x16170]  }
0x225: {  	v18 =	vld [tilespmem:s11+$0xA000]  }
0x226: {  	v19 =	vld [tilespmem:s11+$0xA010]  }
0x227: {  	v16 =	vld [tilespmem:s11+$0xA020]  }
0x228: {  	v15 =	vld [tilespmem:s11+$0xA030]  }
0x229: {  	v14 =	vld [tilespmem:s11+$0xA040]  }
0x22a: {  	v13 =	vld [tilespmem:s11+$0xA050];
	v18 =	vadd.f32 v12, v18  }
0x22b: {  	s14 =	simm.s32 $0x200;
	v17 =	vadd.f32 v17, v19;
	v12 =	vld [tilespmem:s11+$0xA060]  }
.LBB2_24:
0x22c: {  	p0 =	sne.s32 s14, $0xFE00;
	v5 =	vadd.f32 v5, v18;
	v11 =	vadd.f32 v11, v16;
	v16 =	vld [tilespmem:s11+$0xA070]  }
0x22d: {  	v4 =	vadd.f32 v4, v17;
	v10 =	vadd.f32 v10, v15;
	v15 =	vld [tilespmem:s11+$0x1A160]  }
0x22e: {  	s10 =	sshra.s32 s14, $0x2;
	[tilespmem:s11+$0xA000] =	vst v5;
	v3 =	vadd.f32 v3, v11;
	v9 =	vadd.f32 v9, v14;
	v11 =	vld [tilespmem:s11+$0x1A170]  }
0x22f: {  	v5 =	vld [tilespmem:s10+$0x1A100];
	[tilespmem:s11+$0xA010] =	vst v4;
	v2 =	vadd.f32 v2, v10;
	v8 =	vadd.f32 v8, v13  }
0x230: {  	v4 =	vld [tilespmem:s10+$0x1A110];
	[tilespmem:s11+$0xA020] =	vst v3;
	v1 =	vadd.f32 v1, v9;
	v7 =	vadd.f32 v7, v12  }
0x231: {  	v3 =	vld [tilespmem:s10+$0x1A120];
	[tilespmem:s11+$0xA030] =	vst v2;
	v0 =	vadd.f32 v0, v8;
	v6 =	vadd.f32 v6, v16  }
0x232: {  	v2 =	vld [tilespmem:s10+$0x1A130];
	[tilespmem:s11+$0xA040] =	vst v1;
	v7 =	vadd.f32 v15, v7  }
0x233: {  	v1 =	vld [tilespmem:s10+$0x1A140];
	[tilespmem:s11+$0xA050] =	vst v0;
	v6 =	vadd.f32 v11, v6  }
0x234: {  	v0 =	vld [tilespmem:s10+$0x1A150];
	[tilespmem:s11+$0xA060] =	vst v7  }
0x235: {  	v12 =	vld [tilespmem:s10+$0x16100];
	[tilespmem:s11+$0xA070] =	vst v6;
	s11 =	smov.u32 s10  }
0x236: {  	v17 =	vld [tilespmem:s11+$0x16110]  }
0x237: {  	v11 =	vld [tilespmem:s11+$0x16120]  }
0x238: {  	v10 =	vld [tilespmem:s11+$0x16130]  }
0x239: {  	v9 =	vld [tilespmem:s11+$0x16140]  }
0x23a: {  	v8 =	vld [tilespmem:s11+$0x16150]  }
0x23b: {  	v7 =	vld [tilespmem:s11+$0x16160]  }
0x23c: {  	v6 =	vld [tilespmem:s11+$0x16170]  }
0x23d: {  	v13 =	vld [tilespmem:s11+$0xA000]  }
0x23e: {  	v19 =	vld [tilespmem:s11+$0xA010]  }
.Ltmp15:
0x23f: {  	v16 =	vld [tilespmem:s11+$0xA020];
	(pc) =	sbr.rel @p0 .LBB2_24-.Ltmp15, $4  }
0x240: {  	v15 =	vld [tilespmem:s11+$0xA030]  }
0x241: {  	v14 =	vld [tilespmem:s11+$0xA040]  }
0x242: {  	v18 =	vadd.f32 v12, v13;
	v13 =	vld [tilespmem:s11+$0xA050]  }
0x243: {  	s14 =	sadd.s32 $0x200, s14;
	v17 =	vadd.f32 v17, v19;
	v12 =	vld [tilespmem:s11+$0xA060]  }
0x244: {  	v5 =	vadd.f32 v5, v18;
	v55 =	vld [tilespmem:s11+$0xA070];
	v11 =	vadd.f32 v11, v16  }
0x245: {  	v56 =	vld [tilespmem:s11+$0x1A160];
	v4 =	vadd.f32 v4, v17;
	v10 =	vadd.f32 v10, v15  }
0x246: {  	v58 =	vld [tilespmem:s11+$0x1A170];
	[tilespmem:s11+$0xA000] =	vst v5;
	v3 =	vadd.f32 v3, v11;
	v57 =	vadd.f32 v9, v14  }
0x247: {  	[tilespmem:s11+$0xA010] =	vst v4;
	v2 =	vadd.f32 v2, v10;
	v59 =	vadd.f32 v8, v13  }
0x248: {  	[tilespmem:s11+$0xA020] =	vst v3;
	v1 =	vadd.f32 v1, v57;
	v60 =	vadd.f32 v7, v12  }
0x249: {  	[tilespmem:s11+$0xA030] =	vst v2;
	v0 =	vadd.f32 v0, v59;
	v61 =	vadd.f32 v6, v55  }
.Ltmp16:
0x24a: {  	s10 =	sshll.u32 s15, $0x7;
	[tilespmem:s11+$0xA040] =	vst v1;
	v62 =	vadd.f32 v56, v60;
	(pc) =	sbr.rel .LBB2_26-.Ltmp16, $4  }
0x24b: {  	s10 =	smin.u32 s10, $0x18620;
	[tilespmem:s11+$0xA050] =	vst v0;
	v63 =	vadd.f32 v58, v61  }
0x24c: {  	s10 =	sshll.u32 s10, $0x4;
	[tilespmem:s11+$0xA060] =	vst v62  }
0x24d: {  	s10 =	sadd.s32 s4, s10;
	[tilespmem:s11+$0xA070] =	vst v63  }
0x24e: {  	[hbm4b:s10+s8] =	stream.linear.scatter [tilespmem:s13], [sflag:$0x6], $0x4000, $0x38;
	[tilespmem:$0x1E200] =	vst v63  }
.LBB2_28:
0x24f: {  	_ =	sfence.sel $0x180000  }
0x250: {  	[bflag:$0x0] =	sbarrier.arrive $0xFFFF  }
0x251: {  	_ =	strace $0x90000047  }
0x252: {  	s0 =	stileid.u32;
	[bflag:$0x2] =	sbarrier.arrive $0xFFFF  }
0x253: {  	p0 =	sne.s32 s0, $0x0;
	s0 =	rddreg [dreg:$0x8]  }
0x254: {  	s0 =	sadd.s32 @!p0 $0x100000, s0  }
0x255: {  	[sflag:s0] =	ssyncadd.tile.s32 @!p0 $0x1;
	_ =	shalt  }
.Lfunc_end2:
_tile_overlayer_lowered:
.L_overlay_start_2:
0x256: {  	(tag) =	ssettag $0x2  }
0x257: {  	s0 =	rddreg [dreg:$0x0];
	s2 =	stileid.u32  }
0x258: {  	s1 =	rddreg [dreg:$0x1];
	p0 =	sne.s32 s2, $0x0  }
0x259: {  	s3 =	rddreg [dreg:$0x2];
	[bflag:$0x3] =	sbarrier.arrive $0xFFFF;
	s2 =	simm.s32 @!p0 $0x1C0B  }
0x25a: {  	[timem:s3], [sflag:s2] =	dma.local @!p0 [hbm:s0], s1  }
0x25b: {  	s0 =	simm.s32 @!p0 $0xB  }
0x25c: {  	_ =	swait.ge @!p0 [sflag:s0], s1  }
0x25d: {  	s1 =	ssub.s32 @!p0 $0x0, s1;
	[sflag:s0] =	ssyncset.done @!p0 $0x0  }
0x25e: {  	[sflag:s0] =	ssyncadd.s32 @!p0 s1  }
0x25f: {  	[bflag:$0x3] =	sbarrier.arrive $0xFFFF  }
0x260: {  	_ =	shalt  }

</sc_bundles>
